<compile_context>
chip_gen: v7x
topology: tpu7x:2x2x1
jax: 0.10.2.dev20260603
libtpu: 0.0.44.dev20260713+nightly
codegen_flags: <defaults>
</compile_context>

<pallas_src>
import functools

import jax
import jax.numpy as jnp
from jax import lax
from jax.experimental import pallas as pl
from jax.experimental.pallas import tpu as pltpu
from jax.experimental.pallas import tpu_sc as plsc

_N, _D, _H, _C, _E, _G = 10000, 128, 128, 10, 320000, 128
_NC, _NS = 2, 16
_NP = 10240
_HALF = _NP // _NC
_GARB = _HALF
_CH = 128
_EPT = 20096
_NCHUNK = _EPT // _CH
_RPT = _HALF // _NS
_SR = 64
_DPAD = _N + 8


def _segsum_body(h_hbm, src_hbm, dst_hbm, zrows_hbm, out_hbm,
                 sidx, didx, rows, stg, acc, sems):
  cid = lax.axis_index("c")
  sid = lax.axis_index("s")
  base = cid * _HALF

  pltpu.sync_copy(zrows_hbm, stg)
  def zinit(j, carry):
    pltpu.sync_copy(stg, acc.at[pl.ds(sid * _RPT + j * _SR, _SR)])
    return carry
  lax.fori_loop(0, _RPT // _SR, zinit, 0)

  pltpu.sync_copy(src_hbm.at[sid], sidx)
  pltpu.sync_copy(dst_hbm.at[sid], didx)

  def dloc(r, carry):
    for c in range(_CH // 16):
      v = didx[r, pl.ds(c * 16, 16)] - base
      bad = (v < 0) | (v >= _HALF)
      didx[r, pl.ds(c * 16, 16)] = jnp.where(bad, _GARB, v)
    return carry
  lax.fori_loop(0, _NCHUNK, dloc, 0)
  plsc.subcore_barrier()

  def chunk(cc, carry):
    b = lax.rem(cc, 2)

    @pl.when(cc < _NCHUNK)
    def _():
      pltpu.async_copy(h_hbm.at[sidx.at[cc]], rows.at[b], sems.at[b])

    @pl.when(cc > 0)
    def _():
      pc = cc - 1
      pb = 1 - b
      pltpu.make_async_copy(h_hbm.at[sidx.at[pc]], rows.at[pb],
                            sems.at[pb]).wait()
      pltpu.sync_copy(rows.at[pb], acc.at[didx.at[pc]], add=True)
    return carry
  lax.fori_loop(0, _NCHUNK + 1, chunk, 0)

  plsc.subcore_barrier()

  def outb(j, carry):
    r0 = sid * _RPT + j * _SR
    pltpu.sync_copy(acc.at[pl.ds(r0, _SR)], stg)
    pltpu.sync_copy(stg, out_hbm.at[cid, pl.ds(r0, _SR)])
    return carry
  lax.fori_loop(0, _RPT // _SR, outb, 0)


@functools.cache
def _get_segsum():
  mesh = plsc.VectorSubcoreMesh(
      core_axis_name="c", subcore_axis_name="s",
      num_cores=_NC, num_subcores=_NS)
  return pl.kernel(
      _segsum_body,
      out_type=jax.ShapeDtypeStruct((_NC, _HALF, _D), jnp.float32),
      mesh=mesh,
      scratch_types=[
          pltpu.VMEM((_NCHUNK, _CH), jnp.int32),
          pltpu.VMEM((_NCHUNK, _CH), jnp.int32),
          pltpu.VMEM((2, _CH, _D), jnp.float32),
          pltpu.VMEM((_SR, _D), jnp.float32),
          pltpu.VMEM_SHARED((_HALF + 8, _D), jnp.float32),
          pltpu.SemaphoreType.DMA((2,)),
      ],
  )


def _segsum(h, src, dst, zrows):
  return _get_segsum()(h, src, dst, zrows)


_BLK = 640
_NBLK = _NP // _BLK
_BPH = _HALF // _BLK


def _mlp_body(relu_out, xr, pr, War, bar, Wbr, bbr, outr):
  t = xr[...] + pr[0]
  u = jnp.maximum(
      jnp.dot(t, War[...], preferred_element_type=jnp.float32) + bar[...], 0.0)
  v = jnp.dot(u, Wbr[...], preferred_element_type=jnp.float32) + bbr[...]
  outr[...] = jnp.maximum(v, 0.0) if relu_out else v


def _mlp(x, parts, Wa, ba, Wb, bb, relu_out):
  return pl.pallas_call(
      functools.partial(_mlp_body, relu_out),
      grid=(_NBLK,),
      in_specs=[
          pl.BlockSpec((_BLK, _D), lambda i: (i, 0)),
          pl.BlockSpec((1, _BLK, _D), lambda i: (i // _BPH, i % _BPH, 0)),
          pl.BlockSpec((_D, _H), lambda i: (0, 0)),
          pl.BlockSpec((1, _H), lambda i: (0, 0)),
          pl.BlockSpec((_H, _H), lambda i: (0, 0)),
          pl.BlockSpec((1, _H), lambda i: (0, 0)),
      ],
      out_specs=pl.BlockSpec((_BLK, _H), lambda i: (i, 0)),
      out_shape=jax.ShapeDtypeStruct((_NP, _H), jnp.float32),
  )(x, parts, Wa, ba.reshape(1, _H), Wb, bb.reshape(1, _H))


def _final_body(xr, pr, War, bar, Wbr, bbr, batchr, linWr, linbr,
                outr, midr, sums, cnts):
  i = pl.program_id(0)

  @pl.when(i == 0)
  def _():
    sums[...] = jnp.zeros_like(sums)
    cnts[...] = jnp.zeros_like(cnts)

  t = xr[...] + pr[0]
  u = jnp.maximum(
      jnp.dot(t, War[...], preferred_element_type=jnp.float32) + bar[...], 0.0)
  v = jnp.dot(u, Wbr[...], preferred_element_type=jnp.float32) + bbr[...]
  onehot = (batchr[...] == lax.broadcasted_iota(jnp.int32, (_BLK, _G), 1)
            ).astype(jnp.float32)
  sums[...] += lax.dot_general(onehot, v, (((0,), (0,)), ((), ())),
                               preferred_element_type=jnp.float32)
  cnts[...] += lax.dot_general(onehot, jnp.ones((_BLK, 1), jnp.float32),
                               (((0,), (0,)), ((), ())),
                               preferred_element_type=jnp.float32)

  @pl.when(i == _NBLK - 1)
  def _():
    pooled = sums[...] / jnp.maximum(cnts[...], 1.0)
    midr[...] = pooled
    outr[...] = (jnp.dot(pooled, linWr[...], preferred_element_type=jnp.float32)
                 + linbr[...])


def _final(x, parts, Wa, ba, Wb, bb, batch2d, lin_W, lin_b):
  return pl.pallas_call(
      _final_body,
      grid=(_NBLK,),
      in_specs=[
          pl.BlockSpec((_BLK, _D), lambda i: (i, 0)),
          pl.BlockSpec((1, _BLK, _D), lambda i: (i // _BPH, i % _BPH, 0)),
          pl.BlockSpec((_D, _H), lambda i: (0, 0)),
          pl.BlockSpec((1, _H), lambda i: (0, 0)),
          pl.BlockSpec((_H, _H), lambda i: (0, 0)),
          pl.BlockSpec((1, _H), lambda i: (0, 0)),
          pl.BlockSpec((_BLK, 1), lambda i: (i, 0)),
          pl.BlockSpec((_H, _C), lambda i: (0, 0)),
          pl.BlockSpec((1, _C), lambda i: (0, 0)),
      ],
      out_specs=[
          pl.BlockSpec((_G, _C), lambda i: (0, 0)),
          pl.BlockSpec((_G, _H), lambda i: (0, 0)),
      ],
      out_shape=[
          jax.ShapeDtypeStruct((_G, _C), jnp.float32),
          jax.ShapeDtypeStruct((_G, _H), jnp.float32),
      ],
      scratch_shapes=[
          pltpu.VMEM((_G, _H), jnp.float32),
          pltpu.VMEM((_G, 1), jnp.float32),
      ],
  )(x, parts, Wa, ba.reshape(1, _H), Wb, bb.reshape(1, _H),
    batch2d, lin_W, lin_b.reshape(1, _C))


def kernel(x, edge_index, batch, W1a, b1a, W1b, b1b, W2a, b2a, W2b, b2b,
           W3a, b3a, W3b, b3b, lin_W, lin_b):
  pad_e = _NS * _EPT - _E
  src = jnp.pad(edge_index[0].reshape(_NS, _E // _NS),
                ((0, 0), (0, pad_e // _NS))).reshape(_NS, _NCHUNK, _CH)
  dst = jnp.pad(edge_index[1].reshape(_NS, _E // _NS),
                ((0, 0), (0, pad_e // _NS)),
                constant_values=_DPAD).reshape(_NS, _NCHUNK, _CH)
  zrows = jnp.zeros((_SR, _D), jnp.float32)
  xp = jnp.pad(x, ((0, _NP - _N), (0, 0)))
  batch2d = jnp.pad(batch, (0, _NP - _N), constant_values=_G).reshape(_NP, 1)

  p = _segsum(xp, src, dst, zrows)
  h = _mlp(xp, p, W1a, b1a, W1b, b1b, relu_out=True)
  p = _segsum(h, src, dst, zrows)
  h = _mlp(h, p, W2a, b2a, W2b, b2b, relu_out=True)
  p = _segsum(h, src, dst, zrows)
  out, x_mid = _final(h, p, W3a, b3a, W3b, b3b, batch2d, lin_W, lin_b)
  return (out, x_mid)

# --- scband reference (transcript-rebuilt; emitter-appended) ---
"""Pipeline reference for scband-gin-77446850281956 (READ-ONLY COPY).

The authoritative reference and input builder live on the scoring server;
editing this copy changes nothing except your own understanding.
"""

import jax, jax.numpy as jnp
import numpy as np

N, D, H, C, E, G = 10000, 128, 128, 10, 320000, 128


def _glorot(key, shape):
    lim = float(np.sqrt(6.0 / (shape[0] + shape[1])))
    return jax.random.uniform(key, shape, jnp.float32, -lim, lim)


def setup_inputs(seed: int = 0):
    key = jax.random.key(seed)
    ks = jax.random.split(key, 24)
    inp = {}
    inp["x"] = jax.random.normal(ks[0], (N, D), jnp.float32)
    inp["edge_index"] = jax.random.randint(ks[1], (2, E), 0, N, jnp.int32)
    inp["batch"] = jnp.sort(jax.random.randint(ks[2], (N,), 0, G, jnp.int32))
    dims = [(D, H), (H, H), (H, H)]
    for i, (din, dout) in enumerate(dims, 1):
        inp[f"W{i}a"] = _glorot(ks[3 + 4 * i], (din, dout))
        inp[f"b{i}a"] = jnp.zeros((dout,), jnp.float32)
        inp[f"W{i}b"] = _glorot(ks[4 + 4 * i], (dout, dout))
        inp[f"b{i}b"] = jnp.zeros((dout,), jnp.float32)
    inp["lin_W"] = _glorot(ks[20], (H, C))
    inp["lin_b"] = jnp.zeros((C,), jnp.float32)
    return inp


def _gin_conv(x, src, dst, Wa, ba, Wb, bb):
    # GIN aggregation: (1+eps)*x + sum_{j in N(i)} x_j, eps=0 (PyG default, non-trainable)
    agg = jax.ops.segment_sum(x[src], dst, num_segments=x.shape[0])
    h = x + agg
    # MLP: Linear -> ReLU -> Linear
    h = jnp.maximum(h @ Wa + ba, 0.0)
    return h @ Wb + bb


def reference(x, edge_index, batch, W1a, b1a, W1b, b1b, W2a, b2a, W2b, b2b, W3a, b3a, W3b, b3b, lin_W, lin_b):
    src, dst = edge_index[0], edge_index[1]
    h = jnp.maximum(_gin_conv(x, src, dst, W1a, b1a, W1b, b1b), 0.0)
    h = jnp.maximum(_gin_conv(h, src, dst, W2a, b2a, W2b, b2b), 0.0)
    h = _gin_conv(h, src, dst, W3a, b3a, W3b, b3b)
    # global_mean_pool over per-graph batch assignment
    sums = jax.ops.segment_sum(h, batch, num_segments=G)
    counts = jax.ops.segment_sum(jnp.ones((h.shape[0], 1), h.dtype), batch, num_segments=G)
    pooled = sums / jnp.maximum(counts, 1.0)
    # dropout: identity in eval mode (training=False)
    x_mid = pooled
    out = pooled @ lin_W + lin_b
    return (out, x_mid)

if __name__ == "__main__":
    import jax
    _d = setup_inputs()
    print(jax.jit(kernel)(*tuple(_d.values())))

</pallas_src>

<mosaic_0001>
#map = affine_map<(d0, d1) -> (0, 0)>
#map1 = affine_map<(d0, d1) -> (0, 0, 0)>
module attributes {stable_mosaic.version = 14 : i64} {
  func.func @_segsum_body(%arg0: i32, %arg1: i32, %arg2: memref<10240x128xf32, #tpu.memory_space<hbm>>, %arg3: memref<16x157x128xi32, #tpu.memory_space<hbm>>, %arg4: memref<16x157x128xi32, #tpu.memory_space<hbm>>, %arg5: memref<64x128xf32, #tpu.memory_space<hbm>>, %arg6: memref<2x5120x128xf32, #tpu.memory_space<hbm>>, %arg7: memref<157x128xi32, #tpu.memory_space<vmem>>, %arg8: memref<157x128xi32, #tpu.memory_space<vmem>>, %arg9: memref<2x128x128xf32, #tpu.memory_space<vmem>>, %arg10: memref<64x128xf32, #tpu.memory_space<vmem>>, %arg11: memref<5128x128xf32, #tpu.memory_space<vmem_shared>>, %arg12: memref<2x!tpu.dma_semaphore, #tpu.memory_space<semaphore_mem>>) attributes {dimension_semantics = [#tpu.dimension_semantics<core_parallel>, #tpu.dimension_semantics<subcore_parallel>], iteration_bounds = array<i64: 2, 16>, scalar_prefetch = 0 : i64, scratch_operands = 6 : i64, tpu.core_type = #tpu.core_type<sc_vector_subcore>, window_params = [{transform_indices = #map}, {transform_indices = #map1}, {transform_indices = #map1}, {transform_indices = #map}, {transform_indices = #map1}]} {
    %mul3A = arith.constant 5120 : i32
    %mul3A_0 = arith.muli %arg0, %mul3A : i32
    "tpu.region"() ({
      %run_scoped3A = tpu.sem_alloc : memref<!tpu.dma_semaphore, #tpu.memory_space<semaphore_mem>>
      tpu.enqueue_dma source(%arg5 : memref<64x128xf32, #tpu.memory_space<hbm>>) target(%arg10 : memref<64x128xf32, #tpu.memory_space<vmem>>) target_semaphore(%run_scoped3A : memref<!tpu.dma_semaphore, #tpu.memory_space<semaphore_mem>>)
      tpu.wait_dma2 semaphore(%run_scoped3A : memref<!tpu.dma_semaphore, #tpu.memory_space<semaphore_mem>>) src(%arg5 : memref<64x128xf32, #tpu.memory_space<hbm>>) dst(%arg10 : memref<64x128xf32, #tpu.memory_space<vmem>>)
      tpu.yield
    }) : () -> ()
    %scan3A = arith.constant 0 : i32
    %scan3A_1 = arith.constant 0 : i32
    %scan3A_2 = arith.constant 5 : i32
    %scan3A_3 = arith.addi %scan3A_1, %scan3A_2 : i32
    %scan3A_4 = arith.constant 1 : i32
    scf.for %scan3A_25 = %scan3A_1 to %scan3A_3 step %scan3A_4  : i32 {
      %mul3A_26 = arith.constant 320 : i32
      %mul3A_27 = arith.muli %arg1, %mul3A_26 : i32
      %mul3A_28 = arith.constant 64 : i32
      %mul3A_29 = arith.muli %scan3A_25, %mul3A_28 : i32
      %add3A = arith.addi %mul3A_27, %mul3A_29 : i32
      "tpu.region"() ({
        %run_scoped3A = tpu.sem_alloc : memref<!tpu.dma_semaphore, #tpu.memory_space<semaphore_mem>>
        %dma_start3A = arith.constant 0 : i32
        %dma_start3A_30 = tpu.memref_slice %arg11[%add3A, %dma_start3A] : memref<5128x128xf32, #tpu.memory_space<vmem_shared>> -> memref<64x128xf32, #tpu.memory_space<vmem_shared>>
        %dma_start3A_31 = arith.constant 0 : i32
        %dma_start3A_32 = tpu.memref_slice %arg11[%add3A, %dma_start3A_31] : memref<5128x128xf32, #tpu.memory_space<vmem_shared>> -> memref<64x128xf32, #tpu.memory_space<vmem_shared>>
        tpu.enqueue_dma source(%arg10 : memref<64x128xf32, #tpu.memory_space<vmem>>) target(%dma_start3A_32 : memref<64x128xf32, #tpu.memory_space<vmem_shared>>) target_semaphore(%run_scoped3A : memref<!tpu.dma_semaphore, #tpu.memory_space<semaphore_mem>>)
        %dma_wait3A = arith.constant 0 : i32
        %dma_wait3A_33 = tpu.memref_slice %arg11[%add3A, %dma_wait3A] : memref<5128x128xf32, #tpu.memory_space<vmem_shared>> -> memref<64x128xf32, #tpu.memory_space<vmem_shared>>
        %dma_wait3A_34 = arith.constant 0 : i32
        %dma_wait3A_35 = tpu.memref_slice %arg11[%add3A, %dma_wait3A_34] : memref<5128x128xf32, #tpu.memory_space<vmem_shared>> -> memref<64x128xf32, #tpu.memory_space<vmem_shared>>
        tpu.wait_dma2 semaphore(%run_scoped3A : memref<!tpu.dma_semaphore, #tpu.memory_space<semaphore_mem>>) src(%arg10 : memref<64x128xf32, #tpu.memory_space<vmem>>) dst(%dma_wait3A_35 : memref<64x128xf32, #tpu.memory_space<vmem_shared>>)
        tpu.yield
      }) : () -> ()
    }
    %scan3A_5 = arith.constant 5 : i32
    "tpu.region"() ({
      %run_scoped3A = tpu.sem_alloc : memref<!tpu.dma_semaphore, #tpu.memory_space<semaphore_mem>>
      %dma_start3A = arith.constant 0 : i32
      %dma_start3A_25 = arith.constant 0 : i32
      %dma_start3A_26 = tpu.memref_slice %arg3[%arg1, %dma_start3A, %dma_start3A_25] : memref<16x157x128xi32, #tpu.memory_space<hbm>> -> memref<1x157x128xi32, #tpu.memory_space<hbm>>
      %dma_start3A_27 = tpu.memref_squeeze %dma_start3A_26 : memref<1x157x128xi32, #tpu.memory_space<hbm>> -> memref<157x128xi32, #tpu.memory_space<hbm>>
      %dma_start3A_28 = arith.constant 0 : i32
      %dma_start3A_29 = arith.constant 0 : i32
      %dma_start3A_30 = tpu.memref_slice %arg3[%arg1, %dma_start3A_28, %dma_start3A_29] : memref<16x157x128xi32, #tpu.memory_space<hbm>> -> memref<1x157x128xi32, #tpu.memory_space<hbm>>
      %dma_start3A_31 = tpu.memref_squeeze %dma_start3A_30 : memref<1x157x128xi32, #tpu.memory_space<hbm>> -> memref<157x128xi32, #tpu.memory_space<hbm>>
      tpu.enqueue_dma source(%dma_start3A_31 : memref<157x128xi32, #tpu.memory_space<hbm>>) target(%arg7 : memref<157x128xi32, #tpu.memory_space<vmem>>) target_semaphore(%run_scoped3A : memref<!tpu.dma_semaphore, #tpu.memory_space<semaphore_mem>>)
      %dma_wait3A = arith.constant 0 : i32
      %dma_wait3A_32 = arith.constant 0 : i32
      %dma_wait3A_33 = tpu.memref_slice %arg3[%arg1, %dma_wait3A, %dma_wait3A_32] : memref<16x157x128xi32, #tpu.memory_space<hbm>> -> memref<1x157x128xi32, #tpu.memory_space<hbm>>
      %dma_wait3A_34 = tpu.memref_squeeze %dma_wait3A_33 : memref<1x157x128xi32, #tpu.memory_space<hbm>> -> memref<157x128xi32, #tpu.memory_space<hbm>>
      %dma_wait3A_35 = arith.constant 0 : i32
      %dma_wait3A_36 = arith.constant 0 : i32
      %dma_wait3A_37 = tpu.memref_slice %arg3[%arg1, %dma_wait3A_35, %dma_wait3A_36] : memref<16x157x128xi32, #tpu.memory_space<hbm>> -> memref<1x157x128xi32, #tpu.memory_space<hbm>>
      %dma_wait3A_38 = tpu.memref_squeeze %dma_wait3A_37 : memref<1x157x128xi32, #tpu.memory_space<hbm>> -> memref<157x128xi32, #tpu.memory_space<hbm>>
      tpu.wait_dma2 semaphore(%run_scoped3A : memref<!tpu.dma_semaphore, #tpu.memory_space<semaphore_mem>>) src(%dma_wait3A_38 : memref<157x128xi32, #tpu.memory_space<hbm>>) dst(%arg7 : memref<157x128xi32, #tpu.memory_space<vmem>>)
      tpu.yield
    }) : () -> ()
    "tpu.region"() ({
      %run_scoped3A = tpu.sem_alloc : memref<!tpu.dma_semaphore, #tpu.memory_space<semaphore_mem>>
      %dma_start3A = arith.constant 0 : i32
      %dma_start3A_25 = arith.constant 0 : i32
      %dma_start3A_26 = tpu.memref_slice %arg4[%arg1, %dma_start3A, %dma_start3A_25] : memref<16x157x128xi32, #tpu.memory_space<hbm>> -> memref<1x157x128xi32, #tpu.memory_space<hbm>>
      %dma_start3A_27 = tpu.memref_squeeze %dma_start3A_26 : memref<1x157x128xi32, #tpu.memory_space<hbm>> -> memref<157x128xi32, #tpu.memory_space<hbm>>
      %dma_start3A_28 = arith.constant 0 : i32
      %dma_start3A_29 = arith.constant 0 : i32
      %dma_start3A_30 = tpu.memref_slice %arg4[%arg1, %dma_start3A_28, %dma_start3A_29] : memref<16x157x128xi32, #tpu.memory_space<hbm>> -> memref<1x157x128xi32, #tpu.memory_space<hbm>>
      %dma_start3A_31 = tpu.memref_squeeze %dma_start3A_30 : memref<1x157x128xi32, #tpu.memory_space<hbm>> -> memref<157x128xi32, #tpu.memory_space<hbm>>
      tpu.enqueue_dma source(%dma_start3A_31 : memref<157x128xi32, #tpu.memory_space<hbm>>) target(%arg8 : memref<157x128xi32, #tpu.memory_space<vmem>>) target_semaphore(%run_scoped3A : memref<!tpu.dma_semaphore, #tpu.memory_space<semaphore_mem>>)
      %dma_wait3A = arith.constant 0 : i32
      %dma_wait3A_32 = arith.constant 0 : i32
      %dma_wait3A_33 = tpu.memref_slice %arg4[%arg1, %dma_wait3A, %dma_wait3A_32] : memref<16x157x128xi32, #tpu.memory_space<hbm>> -> memref<1x157x128xi32, #tpu.memory_space<hbm>>
      %dma_wait3A_34 = tpu.memref_squeeze %dma_wait3A_33 : memref<1x157x128xi32, #tpu.memory_space<hbm>> -> memref<157x128xi32, #tpu.memory_space<hbm>>
      %dma_wait3A_35 = arith.constant 0 : i32
      %dma_wait3A_36 = arith.constant 0 : i32
      %dma_wait3A_37 = tpu.memref_slice %arg4[%arg1, %dma_wait3A_35, %dma_wait3A_36] : memref<16x157x128xi32, #tpu.memory_space<hbm>> -> memref<1x157x128xi32, #tpu.memory_space<hbm>>
      %dma_wait3A_38 = tpu.memref_squeeze %dma_wait3A_37 : memref<1x157x128xi32, #tpu.memory_space<hbm>> -> memref<157x128xi32, #tpu.memory_space<hbm>>
      tpu.wait_dma2 semaphore(%run_scoped3A : memref<!tpu.dma_semaphore, #tpu.memory_space<semaphore_mem>>) src(%dma_wait3A_38 : memref<157x128xi32, #tpu.memory_space<hbm>>) dst(%arg8 : memref<157x128xi32, #tpu.memory_space<vmem>>)
      tpu.yield
    }) : () -> ()
    %scan3A_6 = arith.constant 0 : i32
    %scan3A_7 = arith.constant 0 : i32
    %scan3A_8 = arith.constant 157 : i32
    %scan3A_9 = arith.addi %scan3A_7, %scan3A_8 : i32
    %scan3A_10 = arith.constant 1 : i32
    scf.for %scan3A_25 = %scan3A_7 to %scan3A_9 step %scan3A_10  : i32 {
      %get3A = arith.index_cast %scan3A_25 : i32 to index
      %get3A_26 = arith.constant 0 : index
      %get3A_27 = tpu.vector_load %arg8[%get3A, %get3A_26] {strides = array<i32>} : memref<157x128xi32, #tpu.memory_space<vmem>>, vector<1x16xi32>,
      %get3A_28 = vector.shape_cast %get3A_27 : vector<1x16xi32> to vector<16xi32>
      %sub3A = vector.broadcast %mul3A_0 : i32 to vector<16xi32>
      %sub3A_29 = arith.subi %get3A_28, %sub3A : vector<16xi32>
      %lt3A = arith.constant 0 : i32
      %lt3A_30 = vector.broadcast %lt3A : i32 to vector<16xi32>
      %lt3A_31 = arith.cmpi slt, %sub3A_29, %lt3A_30 : vector<16xi32>
      %ge3A = arith.constant 5120 : i32
      %ge3A_32 = vector.broadcast %ge3A : i32 to vector<16xi32>
      %ge3A_33 = arith.cmpi sge, %sub3A_29, %ge3A_32 : vector<16xi32>
      %or3A = arith.ori %lt3A_31, %ge3A_33 : vector<16xi1>
      %jit3A = arith.constant 5120 : i32
      %broadcast_in_dim3A = vector.broadcast %jit3A : i32 to vector<16xi32>
      %select_n3A = arith.select %or3A, %broadcast_in_dim3A, %sub3A_29 : vector<16xi1>, vector<16xi32>
      %swap3A = arith.index_cast %scan3A_25 : i32 to index
      %swap3A_34 = arith.constant 0 : index
      %swap3A_35 = tpu.vector_load %arg8[%swap3A, %swap3A_34] {strides = array<i32>} : memref<157x128xi32, #tpu.memory_space<vmem>>, vector<1x16xi32>,
      %swap3A_36 = vector.shape_cast %swap3A_35 : vector<1x16xi32> to vector<16xi32>
      %swap3A_37 = vector.shape_cast %select_n3A : vector<16xi32> to vector<1x16xi32>
      tpu.vector_store %arg8[%swap3A, %swap3A_34], %swap3A_37 {strides = array<i32>} : memref<157x128xi32, #tpu.memory_space<vmem>>, vector<1x16xi32>,
      %get3A_38 = arith.index_cast %scan3A_25 : i32 to index
      %get3A_39 = arith.constant 16 : index
      %get3A_40 = tpu.vector_load %arg8[%get3A_38, %get3A_39] {strides = array<i32>} : memref<157x128xi32, #tpu.memory_space<vmem>>, vector<1x16xi32>,
      %get3A_41 = vector.shape_cast %get3A_40 : vector<1x16xi32> to vector<16xi32>
      %sub3A_42 = vector.broadcast %mul3A_0 : i32 to vector<16xi32>
      %sub3A_43 = arith.subi %get3A_41, %sub3A_42 : vector<16xi32>
      %lt3A_44 = arith.constant 0 : i32
      %lt3A_45 = vector.broadcast %lt3A_44 : i32 to vector<16xi32>
      %lt3A_46 = arith.cmpi slt, %sub3A_43, %lt3A_45 : vector<16xi32>
      %ge3A_47 = arith.constant 5120 : i32
      %ge3A_48 = vector.broadcast %ge3A_47 : i32 to vector<16xi32>
      %ge3A_49 = arith.cmpi sge, %sub3A_43, %ge3A_48 : vector<16xi32>
      %or3A_50 = arith.ori %lt3A_46, %ge3A_49 : vector<16xi1>
      %jit3A_51 = arith.constant 5120 : i32
      %broadcast_in_dim3A_52 = vector.broadcast %jit3A_51 : i32 to vector<16xi32>
      %select_n3A_53 = arith.select %or3A_50, %broadcast_in_dim3A_52, %sub3A_43 : vector<16xi1>, vector<16xi32>
      %swap3A_54 = arith.index_cast %scan3A_25 : i32 to index
      %swap3A_55 = arith.constant 16 : index
      %swap3A_56 = tpu.vector_load %arg8[%swap3A_54, %swap3A_55] {strides = array<i32>} : memref<157x128xi32, #tpu.memory_space<vmem>>, vector<1x16xi32>,
      %swap3A_57 = vector.shape_cast %swap3A_56 : vector<1x16xi32> to vector<16xi32>
      %swap3A_58 = vector.shape_cast %select_n3A_53 : vector<16xi32> to vector<1x16xi32>
      tpu.vector_store %arg8[%swap3A_54, %swap3A_55], %swap3A_58 {strides = array<i32>} : memref<157x128xi32, #tpu.memory_space<vmem>>, vector<1x16xi32>,
      %get3A_59 = arith.index_cast %scan3A_25 : i32 to index
      %get3A_60 = arith.constant 32 : index
      %get3A_61 = tpu.vector_load %arg8[%get3A_59, %get3A_60] {strides = array<i32>} : memref<157x128xi32, #tpu.memory_space<vmem>>, vector<1x16xi32>,
      %get3A_62 = vector.shape_cast %get3A_61 : vector<1x16xi32> to vector<16xi32>
      %sub3A_63 = vector.broadcast %mul3A_0 : i32 to vector<16xi32>
      %sub3A_64 = arith.subi %get3A_62, %sub3A_63 : vector<16xi32>
      %lt3A_65 = arith.constant 0 : i32
      %lt3A_66 = vector.broadcast %lt3A_65 : i32 to vector<16xi32>
      %lt3A_67 = arith.cmpi slt, %sub3A_64, %lt3A_66 : vector<16xi32>
      %ge3A_68 = arith.constant 5120 : i32
      %ge3A_69 = vector.broadcast %ge3A_68 : i32 to vector<16xi32>
      %ge3A_70 = arith.cmpi sge, %sub3A_64, %ge3A_69 : vector<16xi32>
      %or3A_71 = arith.ori %lt3A_67, %ge3A_70 : vector<16xi1>
      %jit3A_72 = arith.constant 5120 : i32
      %broadcast_in_dim3A_73 = vector.broadcast %jit3A_72 : i32 to vector<16xi32>
      %select_n3A_74 = arith.select %or3A_71, %broadcast_in_dim3A_73, %sub3A_64 : vector<16xi1>, vector<16xi32>
      %swap3A_75 = arith.index_cast %scan3A_25 : i32 to index
      %swap3A_76 = arith.constant 32 : index
      %swap3A_77 = tpu.vector_load %arg8[%swap3A_75, %swap3A_76] {strides = array<i32>} : memref<157x128xi32, #tpu.memory_space<vmem>>, vector<1x16xi32>,
      %swap3A_78 = vector.shape_cast %swap3A_77 : vector<1x16xi32> to vector<16xi32>
      %swap3A_79 = vector.shape_cast %select_n3A_74 : vector<16xi32> to vector<1x16xi32>
      tpu.vector_store %arg8[%swap3A_75, %swap3A_76], %swap3A_79 {strides = array<i32>} : memref<157x128xi32, #tpu.memory_space<vmem>>, vector<1x16xi32>,
      %get3A_80 = arith.index_cast %scan3A_25 : i32 to index
      %get3A_81 = arith.constant 48 : index
      %get3A_82 = tpu.vector_load %arg8[%get3A_80, %get3A_81] {strides = array<i32>} : memref<157x128xi32, #tpu.memory_space<vmem>>, vector<1x16xi32>,
      %get3A_83 = vector.shape_cast %get3A_82 : vector<1x16xi32> to vector<16xi32>
      %sub3A_84 = vector.broadcast %mul3A_0 : i32 to vector<16xi32>
      %sub3A_85 = arith.subi %get3A_83, %sub3A_84 : vector<16xi32>
      %lt3A_86 = arith.constant 0 : i32
      %lt3A_87 = vector.broadcast %lt3A_86 : i32 to vector<16xi32>
      %lt3A_88 = arith.cmpi slt, %sub3A_85, %lt3A_87 : vector<16xi32>
      %ge3A_89 = arith.constant 5120 : i32
      %ge3A_90 = vector.broadcast %ge3A_89 : i32 to vector<16xi32>
      %ge3A_91 = arith.cmpi sge, %sub3A_85, %ge3A_90 : vector<16xi32>
      %or3A_92 = arith.ori %lt3A_88, %ge3A_91 : vector<16xi1>
      %jit3A_93 = arith.constant 5120 : i32
      %broadcast_in_dim3A_94 = vector.broadcast %jit3A_93 : i32 to vector<16xi32>
      %select_n3A_95 = arith.select %or3A_92, %broadcast_in_dim3A_94, %sub3A_85 : vector<16xi1>, vector<16xi32>
      %swap3A_96 = arith.index_cast %scan3A_25 : i32 to index
      %swap3A_97 = arith.constant 48 : index
      %swap3A_98 = tpu.vector_load %arg8[%swap3A_96, %swap3A_97] {strides = array<i32>} : memref<157x128xi32, #tpu.memory_space<vmem>>, vector<1x16xi32>,
      %swap3A_99 = vector.shape_cast %swap3A_98 : vector<1x16xi32> to vector<16xi32>
      %swap3A_100 = vector.shape_cast %select_n3A_95 : vector<16xi32> to vector<1x16xi32>
      tpu.vector_store %arg8[%swap3A_96, %swap3A_97], %swap3A_100 {strides = array<i32>} : memref<157x128xi32, #tpu.memory_space<vmem>>, vector<1x16xi32>,
      %get3A_101 = arith.index_cast %scan3A_25 : i32 to index
      %get3A_102 = arith.constant 64 : index
      %get3A_103 = tpu.vector_load %arg8[%get3A_101, %get3A_102] {strides = array<i32>} : memref<157x128xi32, #tpu.memory_space<vmem>>, vector<1x16xi32>,
      %get3A_104 = vector.shape_cast %get3A_103 : vector<1x16xi32> to vector<16xi32>
      %sub3A_105 = vector.broadcast %mul3A_0 : i32 to vector<16xi32>
      %sub3A_106 = arith.subi %get3A_104, %sub3A_105 : vector<16xi32>
      %lt3A_107 = arith.constant 0 : i32
      %lt3A_108 = vector.broadcast %lt3A_107 : i32 to vector<16xi32>
      %lt3A_109 = arith.cmpi slt, %sub3A_106, %lt3A_108 : vector<16xi32>
      %ge3A_110 = arith.constant 5120 : i32
      %ge3A_111 = vector.broadcast %ge3A_110 : i32 to vector<16xi32>
      %ge3A_112 = arith.cmpi sge, %sub3A_106, %ge3A_111 : vector<16xi32>
      %or3A_113 = arith.ori %lt3A_109, %ge3A_112 : vector<16xi1>
      %jit3A_114 = arith.constant 5120 : i32
      %broadcast_in_dim3A_115 = vector.broadcast %jit3A_114 : i32 to vector<16xi32>
      %select_n3A_116 = arith.select %or3A_113, %broadcast_in_dim3A_115, %sub3A_106 : vector<16xi1>, vector<16xi32>
      %swap3A_117 = arith.index_cast %scan3A_25 : i32 to index
      %swap3A_118 = arith.constant 64 : index
      %swap3A_119 = tpu.vector_load %arg8[%swap3A_117, %swap3A_118] {strides = array<i32>} : memref<157x128xi32, #tpu.memory_space<vmem>>, vector<1x16xi32>,
      %swap3A_120 = vector.shape_cast %swap3A_119 : vector<1x16xi32> to vector<16xi32>
      %swap3A_121 = vector.shape_cast %select_n3A_116 : vector<16xi32> to vector<1x16xi32>
      tpu.vector_store %arg8[%swap3A_117, %swap3A_118], %swap3A_121 {strides = array<i32>} : memref<157x128xi32, #tpu.memory_space<vmem>>, vector<1x16xi32>,
      %get3A_122 = arith.index_cast %scan3A_25 : i32 to index
      %get3A_123 = arith.constant 80 : index
      %get3A_124 = tpu.vector_load %arg8[%get3A_122, %get3A_123] {strides = array<i32>} : memref<157x128xi32, #tpu.memory_space<vmem>>, vector<1x16xi32>,
      %get3A_125 = vector.shape_cast %get3A_124 : vector<1x16xi32> to vector<16xi32>
      %sub3A_126 = vector.broadcast %mul3A_0 : i32 to vector<16xi32>
      %sub3A_127 = arith.subi %get3A_125, %sub3A_126 : vector<16xi32>
      %lt3A_128 = arith.constant 0 : i32
      %lt3A_129 = vector.broadcast %lt3A_128 : i32 to vector<16xi32>
      %lt3A_130 = arith.cmpi slt, %sub3A_127, %lt3A_129 : vector<16xi32>
      %ge3A_131 = arith.constant 5120 : i32
      %ge3A_132 = vector.broadcast %ge3A_131 : i32 to vector<16xi32>
      %ge3A_133 = arith.cmpi sge, %sub3A_127, %ge3A_132 : vector<16xi32>
      %or3A_134 = arith.ori %lt3A_130, %ge3A_133 : vector<16xi1>
      %jit3A_135 = arith.constant 5120 : i32
      %broadcast_in_dim3A_136 = vector.broadcast %jit3A_135 : i32 to vector<16xi32>
      %select_n3A_137 = arith.select %or3A_134, %broadcast_in_dim3A_136, %sub3A_127 : vector<16xi1>, vector<16xi32>
      %swap3A_138 = arith.index_cast %scan3A_25 : i32 to index
      %swap3A_139 = arith.constant 80 : index
      %swap3A_140 = tpu.vector_load %arg8[%swap3A_138, %swap3A_139] {strides = array<i32>} : memref<157x128xi32, #tpu.memory_space<vmem>>, vector<1x16xi32>,
      %swap3A_141 = vector.shape_cast %swap3A_140 : vector<1x16xi32> to vector<16xi32>
      %swap3A_142 = vector.shape_cast %select_n3A_137 : vector<16xi32> to vector<1x16xi32>
      tpu.vector_store %arg8[%swap3A_138, %swap3A_139], %swap3A_142 {strides = array<i32>} : memref<157x128xi32, #tpu.memory_space<vmem>>, vector<1x16xi32>,
      %get3A_143 = arith.index_cast %scan3A_25 : i32 to index
      %get3A_144 = arith.constant 96 : index
      %get3A_145 = tpu.vector_load %arg8[%get3A_143, %get3A_144] {strides = array<i32>} : memref<157x128xi32, #tpu.memory_space<vmem>>, vector<1x16xi32>,
      %get3A_146 = vector.shape_cast %get3A_145 : vector<1x16xi32> to vector<16xi32>
      %sub3A_147 = vector.broadcast %mul3A_0 : i32 to vector<16xi32>
      %sub3A_148 = arith.subi %get3A_146, %sub3A_147 : vector<16xi32>
      %lt3A_149 = arith.constant 0 : i32
      %lt3A_150 = vector.broadcast %lt3A_149 : i32 to vector<16xi32>
      %lt3A_151 = arith.cmpi slt, %sub3A_148, %lt3A_150 : vector<16xi32>
      %ge3A_152 = arith.constant 5120 : i32
      %ge3A_153 = vector.broadcast %ge3A_152 : i32 to vector<16xi32>
      %ge3A_154 = arith.cmpi sge, %sub3A_148, %ge3A_153 : vector<16xi32>
      %or3A_155 = arith.ori %lt3A_151, %ge3A_154 : vector<16xi1>
      %jit3A_156 = arith.constant 5120 : i32
      %broadcast_in_dim3A_157 = vector.broadcast %jit3A_156 : i32 to vector<16xi32>
      %select_n3A_158 = arith.select %or3A_155, %broadcast_in_dim3A_157, %sub3A_148 : vector<16xi1>, vector<16xi32>
      %swap3A_159 = arith.index_cast %scan3A_25 : i32 to index
      %swap3A_160 = arith.constant 96 : index
      %swap3A_161 = tpu.vector_load %arg8[%swap3A_159, %swap3A_160] {strides = array<i32>} : memref<157x128xi32, #tpu.memory_space<vmem>>, vector<1x16xi32>,
      %swap3A_162 = vector.shape_cast %swap3A_161 : vector<1x16xi32> to vector<16xi32>
      %swap3A_163 = vector.shape_cast %select_n3A_158 : vector<16xi32> to vector<1x16xi32>
      tpu.vector_store %arg8[%swap3A_159, %swap3A_160], %swap3A_163 {strides = array<i32>} : memref<157x128xi32, #tpu.memory_space<vmem>>, vector<1x16xi32>,
      %get3A_164 = arith.index_cast %scan3A_25 : i32 to index
      %get3A_165 = arith.constant 112 : index
      %get3A_166 = tpu.vector_load %arg8[%get3A_164, %get3A_165] {strides = array<i32>} : memref<157x128xi32, #tpu.memory_space<vmem>>, vector<1x16xi32>,
      %get3A_167 = vector.shape_cast %get3A_166 : vector<1x16xi32> to vector<16xi32>
      %sub3A_168 = vector.broadcast %mul3A_0 : i32 to vector<16xi32>
      %sub3A_169 = arith.subi %get3A_167, %sub3A_168 : vector<16xi32>
      %lt3A_170 = arith.constant 0 : i32
      %lt3A_171 = vector.broadcast %lt3A_170 : i32 to vector<16xi32>
      %lt3A_172 = arith.cmpi slt, %sub3A_169, %lt3A_171 : vector<16xi32>
      %ge3A_173 = arith.constant 5120 : i32
      %ge3A_174 = vector.broadcast %ge3A_173 : i32 to vector<16xi32>
      %ge3A_175 = arith.cmpi sge, %sub3A_169, %ge3A_174 : vector<16xi32>
      %or3A_176 = arith.ori %lt3A_172, %ge3A_175 : vector<16xi1>
      %jit3A_177 = arith.constant 5120 : i32
      %broadcast_in_dim3A_178 = vector.broadcast %jit3A_177 : i32 to vector<16xi32>
      %select_n3A_179 = arith.select %or3A_176, %broadcast_in_dim3A_178, %sub3A_169 : vector<16xi1>, vector<16xi32>
      %swap3A_180 = arith.index_cast %scan3A_25 : i32 to index
      %swap3A_181 = arith.constant 112 : index
      %swap3A_182 = tpu.vector_load %arg8[%swap3A_180, %swap3A_181] {strides = array<i32>} : memref<157x128xi32, #tpu.memory_space<vmem>>, vector<1x16xi32>,
      %swap3A_183 = vector.shape_cast %swap3A_182 : vector<1x16xi32> to vector<16xi32>
      %swap3A_184 = vector.shape_cast %select_n3A_179 : vector<16xi32> to vector<1x16xi32>
      tpu.vector_store %arg8[%swap3A_180, %swap3A_181], %swap3A_184 {strides = array<i32>} : memref<157x128xi32, #tpu.memory_space<vmem>>, vector<1x16xi32>,
    }
    %scan3A_11 = arith.constant 157 : i32
    %barrier3A = arith.constant 0 : index
    tpu.barrier barrier_id(%barrier3A)
    %scan3A_12 = arith.constant 0 : i32
    %scan3A_13 = arith.constant 0 : i32
    %scan3A_14 = arith.constant 158 : i32
    %scan3A_15 = arith.addi %scan3A_13, %scan3A_14 : i32
    %scan3A_16 = arith.constant 1 : i32
    scf.for %scan3A_25 = %scan3A_13 to %scan3A_15 step %scan3A_16  : i32 {
      %rem3A = arith.constant 2 : i32
      %rem3A_26 = arith.remsi %scan3A_25, %rem3A : i32
      %lt3A = arith.constant 157 : i32
      %lt3A_27 = arith.cmpi slt, %scan3A_25, %lt3A : i32
      %convert_element_type3A = arith.extui %lt3A_27 : i1 to i32
      %cond3A = arith.constant 0 : i32
      %cond3A_28 = arith.cmpi ne, %convert_element_type3A, %cond3A : i32
      scf.if %cond3A_28 {
        %dma_start3A = arith.constant 0 : i32
        %dma_start3A_33 = arith.constant 0 : i32
        %dma_start3A_34 = tpu.memref_slice %arg9[%rem3A_26, %dma_start3A, %dma_start3A_33] : memref<2x128x128xf32, #tpu.memory_space<vmem>> -> memref<1x128x128xf32, #tpu.memory_space<vmem>>
        %dma_start3A_35 = tpu.memref_squeeze %dma_start3A_34 : memref<1x128x128xf32, #tpu.memory_space<vmem>> -> memref<128x128xf32, #tpu.memory_space<vmem>>
        %dma_start3A_36 = arith.constant 0 : i32
        %dma_start3A_37 = tpu.memref_slice %arg7[%scan3A_25, %dma_start3A_36] : memref<157x128xi32, #tpu.memory_space<vmem>> -> memref<1x128xi32, #tpu.memory_space<vmem>>
        %dma_start3A_38 = tpu.memref_squeeze %dma_start3A_37 : memref<1x128xi32, #tpu.memory_space<vmem>> -> memref<128xi32, #tpu.memory_space<vmem>>
        %dma_start3A_39 = arith.constant 0 : i32
        %dma_start3A_40 = arith.constant 0 : i32
        %dma_start3A_41 = tpu.memref_slice %arg2[%dma_start3A_39, %dma_start3A_40] : memref<10240x128xf32, #tpu.memory_space<hbm>> -> memref<10240x128xf32, #tpu.memory_space<hbm>>
        %dma_start3A_42 = tpu.memref_slice %arg12[%rem3A_26] : memref<2x!tpu.dma_semaphore, #tpu.memory_space<semaphore_mem>> -> memref<1x!tpu.dma_semaphore, #tpu.memory_space<semaphore_mem>>
        %dma_start3A_43 = tpu.memref_squeeze %dma_start3A_42 : memref<1x!tpu.dma_semaphore, #tpu.memory_space<semaphore_mem>> -> memref<!tpu.dma_semaphore, #tpu.memory_space<semaphore_mem>>
        tpu.enqueue_indirect_dma source(%dma_start3A_41 : memref<10240x128xf32, #tpu.memory_space<hbm>>) target(%dma_start3A_35 : memref<128x128xf32, #tpu.memory_space<vmem>>) offsets(%dma_start3A_38 : memref<128xi32, #tpu.memory_space<vmem>>) semaphore(%dma_start3A_43 : memref<!tpu.dma_semaphore, #tpu.memory_space<semaphore_mem>>)
      } else {
      }
      %gt3A = arith.constant 0 : i32
      %gt3A_29 = arith.cmpi sgt, %scan3A_25, %gt3A : i32
      %convert_element_type3A_30 = arith.extui %gt3A_29 : i1 to i32
      %cond3A_31 = arith.constant 0 : i32
      %cond3A_32 = arith.cmpi ne, %convert_element_type3A_30, %cond3A_31 : i32
      scf.if %cond3A_32 {
        %sub3A = arith.constant 1 : i32
        %sub3A_33 = arith.subi %scan3A_25, %sub3A : i32
        %sub3A_34 = arith.constant 1 : i32
        %sub3A_35 = arith.subi %sub3A_34, %rem3A_26 : i32
        %dma_wait3A = arith.constant 0 : i32
        %dma_wait3A_36 = arith.constant 0 : i32
        %dma_wait3A_37 = tpu.memref_slice %arg9[%sub3A_35, %dma_wait3A, %dma_wait3A_36] : memref<2x128x128xf32, #tpu.memory_space<vmem>> -> memref<1x128x128xf32, #tpu.memory_space<vmem>>
        %dma_wait3A_38 = tpu.memref_squeeze %dma_wait3A_37 : memref<1x128x128xf32, #tpu.memory_space<vmem>> -> memref<128x128xf32, #tpu.memory_space<vmem>>
        %dma_wait3A_39 = arith.constant 0 : i32
        %dma_wait3A_40 = tpu.memref_slice %arg7[%sub3A_33, %dma_wait3A_39] : memref<157x128xi32, #tpu.memory_space<vmem>> -> memref<1x128xi32, #tpu.memory_space<vmem>>
        %dma_wait3A_41 = tpu.memref_squeeze %dma_wait3A_40 : memref<1x128xi32, #tpu.memory_space<vmem>> -> memref<128xi32, #tpu.memory_space<vmem>>
        %dma_wait3A_42 = arith.constant 0 : i32
        %dma_wait3A_43 = arith.constant 0 : i32
        %dma_wait3A_44 = tpu.memref_slice %arg2[%dma_wait3A_42, %dma_wait3A_43] : memref<10240x128xf32, #tpu.memory_space<hbm>> -> memref<10240x128xf32, #tpu.memory_space<hbm>>
        %dma_wait3A_45 = tpu.memref_slice %arg12[%sub3A_35] : memref<2x!tpu.dma_semaphore, #tpu.memory_space<semaphore_mem>> -> memref<1x!tpu.dma_semaphore, #tpu.memory_space<semaphore_mem>>
        %dma_wait3A_46 = tpu.memref_squeeze %dma_wait3A_45 : memref<1x!tpu.dma_semaphore, #tpu.memory_space<semaphore_mem>> -> memref<!tpu.dma_semaphore, #tpu.memory_space<semaphore_mem>>
        tpu.wait_indirect_dma semaphore(%dma_wait3A_46 : memref<!tpu.dma_semaphore, #tpu.memory_space<semaphore_mem>>) src(%dma_wait3A_44 : memref<10240x128xf32, #tpu.memory_space<hbm>>) dst(%dma_wait3A_38 : memref<128x128xf32, #tpu.memory_space<vmem>>)
        "tpu.region"() ({
          %run_scoped3A = tpu.sem_alloc : memref<!tpu.dma_semaphore, #tpu.memory_space<semaphore_mem>>
          %dma_start3A = arith.constant 0 : i32
          %dma_start3A_47 = arith.constant 0 : i32
          %dma_start3A_48 = tpu.memref_slice %arg9[%sub3A_35, %dma_start3A, %dma_start3A_47] : memref<2x128x128xf32, #tpu.memory_space<vmem>> -> memref<1x128x128xf32, #tpu.memory_space<vmem>>
          %dma_start3A_49 = tpu.memref_squeeze %dma_start3A_48 : memref<1x128x128xf32, #tpu.memory_space<vmem>> -> memref<128x128xf32, #tpu.memory_space<vmem>>
          %dma_start3A_50 = arith.constant 0 : i32
          %dma_start3A_51 = tpu.memref_slice %arg8[%sub3A_33, %dma_start3A_50] : memref<157x128xi32, #tpu.memory_space<vmem>> -> memref<1x128xi32, #tpu.memory_space<vmem>>
          %dma_start3A_52 = tpu.memref_squeeze %dma_start3A_51 : memref<1x128xi32, #tpu.memory_space<vmem>> -> memref<128xi32, #tpu.memory_space<vmem>>
          %dma_start3A_53 = arith.constant 0 : i32
          %dma_start3A_54 = arith.constant 0 : i32
          %dma_start3A_55 = tpu.memref_slice %arg11[%dma_start3A_53, %dma_start3A_54] : memref<5128x128xf32, #tpu.memory_space<vmem_shared>> -> memref<5128x128xf32, #tpu.memory_space<vmem_shared>>
          tpu.enqueue_indirect_dma source(%dma_start3A_49 : memref<128x128xf32, #tpu.memory_space<vmem>>) target(%dma_start3A_55 : memref<5128x128xf32, #tpu.memory_space<vmem_shared>>) offsets(%dma_start3A_52 : memref<128xi32, #tpu.memory_space<vmem>>) semaphore(%run_scoped3A : memref<!tpu.dma_semaphore, #tpu.memory_space<semaphore_mem>>) {add = true}
          %dma_wait3A_56 = arith.constant 0 : i32
          %dma_wait3A_57 = arith.constant 0 : i32
          %dma_wait3A_58 = tpu.memref_slice %arg9[%sub3A_35, %dma_wait3A_56, %dma_wait3A_57] : memref<2x128x128xf32, #tpu.memory_space<vmem>> -> memref<1x128x128xf32, #tpu.memory_space<vmem>>
          %dma_wait3A_59 = tpu.memref_squeeze %dma_wait3A_58 : memref<1x128x128xf32, #tpu.memory_space<vmem>> -> memref<128x128xf32, #tpu.memory_space<vmem>>
          %dma_wait3A_60 = arith.constant 0 : i32
          %dma_wait3A_61 = tpu.memref_slice %arg8[%sub3A_33, %dma_wait3A_60] : memref<157x128xi32, #tpu.memory_space<vmem>> -> memref<1x128xi32, #tpu.memory_space<vmem>>
          %dma_wait3A_62 = tpu.memref_squeeze %dma_wait3A_61 : memref<1x128xi32, #tpu.memory_space<vmem>> -> memref<128xi32, #tpu.memory_space<vmem>>
          %dma_wait3A_63 = arith.constant 0 : i32
          %dma_wait3A_64 = arith.constant 0 : i32
          %dma_wait3A_65 = tpu.memref_slice %arg11[%dma_wait3A_63, %dma_wait3A_64] : memref<5128x128xf32, #tpu.memory_space<vmem_shared>> -> memref<5128x128xf32, #tpu.memory_space<vmem_shared>>
          tpu.wait_indirect_dma semaphore(%run_scoped3A : memref<!tpu.dma_semaphore, #tpu.memory_space<semaphore_mem>>) src(%dma_wait3A_59 : memref<128x128xf32, #tpu.memory_space<vmem>>) dst(%dma_wait3A_65 : memref<5128x128xf32, #tpu.memory_space<vmem_shared>>)
          tpu.yield
        }) : () -> ()
      } else {
      }
    }
    %scan3A_17 = arith.constant 158 : i32
    %barrier3A_18 = arith.constant 0 : index
    tpu.barrier barrier_id(%barrier3A_18)
    %scan3A_19 = arith.constant 0 : i32
    %scan3A_20 = arith.constant 0 : i32
    %scan3A_21 = arith.constant 5 : i32
    %scan3A_22 = arith.addi %scan3A_20, %scan3A_21 : i32
    %scan3A_23 = arith.constant 1 : i32
    scf.for %scan3A_25 = %scan3A_20 to %scan3A_22 step %scan3A_23  : i32 {
      %mul3A_26 = arith.constant 320 : i32
      %mul3A_27 = arith.muli %arg1, %mul3A_26 : i32
      %mul3A_28 = arith.constant 64 : i32
      %mul3A_29 = arith.muli %scan3A_25, %mul3A_28 : i32
      %add3A = arith.addi %mul3A_27, %mul3A_29 : i32
      "tpu.region"() ({
        %run_scoped3A = tpu.sem_alloc : memref<!tpu.dma_semaphore, #tpu.memory_space<semaphore_mem>>
        %dma_start3A = arith.constant 0 : i32
        %dma_start3A_30 = tpu.memref_slice %arg11[%add3A, %dma_start3A] : memref<5128x128xf32, #tpu.memory_space<vmem_shared>> -> memref<64x128xf32, #tpu.memory_space<vmem_shared>>
        %dma_start3A_31 = arith.constant 0 : i32
        %dma_start3A_32 = tpu.memref_slice %arg11[%add3A, %dma_start3A_31] : memref<5128x128xf32, #tpu.memory_space<vmem_shared>> -> memref<64x128xf32, #tpu.memory_space<vmem_shared>>
        tpu.enqueue_dma source(%dma_start3A_32 : memref<64x128xf32, #tpu.memory_space<vmem_shared>>) target(%arg10 : memref<64x128xf32, #tpu.memory_space<vmem>>) target_semaphore(%run_scoped3A : memref<!tpu.dma_semaphore, #tpu.memory_space<semaphore_mem>>)
        %dma_wait3A = arith.constant 0 : i32
        %dma_wait3A_33 = tpu.memref_slice %arg11[%add3A, %dma_wait3A] : memref<5128x128xf32, #tpu.memory_space<vmem_shared>> -> memref<64x128xf32, #tpu.memory_space<vmem_shared>>
        %dma_wait3A_34 = arith.constant 0 : i32
        %dma_wait3A_35 = tpu.memref_slice %arg11[%add3A, %dma_wait3A_34] : memref<5128x128xf32, #tpu.memory_space<vmem_shared>> -> memref<64x128xf32, #tpu.memory_space<vmem_shared>>
        tpu.wait_dma2 semaphore(%run_scoped3A : memref<!tpu.dma_semaphore, #tpu.memory_space<semaphore_mem>>) src(%dma_wait3A_35 : memref<64x128xf32, #tpu.memory_space<vmem_shared>>) dst(%arg10 : memref<64x128xf32, #tpu.memory_space<vmem>>)
        tpu.yield
      }) : () -> ()
      "tpu.region"() ({
        %run_scoped3A = tpu.sem_alloc : memref<!tpu.dma_semaphore, #tpu.memory_space<semaphore_mem>>
        %dma_start3A = arith.constant 0 : i32
        %dma_start3A_30 = tpu.memref_slice %arg6[%arg0, %add3A, %dma_start3A] : memref<2x5120x128xf32, #tpu.memory_space<hbm>> -> memref<1x64x128xf32, #tpu.memory_space<hbm>>
        %dma_start3A_31 = tpu.memref_squeeze %dma_start3A_30 : memref<1x64x128xf32, #tpu.memory_space<hbm>> -> memref<64x128xf32, #tpu.memory_space<hbm>>
        %dma_start3A_32 = arith.constant 0 : i32
        %dma_start3A_33 = tpu.memref_slice %arg6[%arg0, %add3A, %dma_start3A_32] : memref<2x5120x128xf32, #tpu.memory_space<hbm>> -> memref<1x64x128xf32, #tpu.memory_space<hbm>>
        %dma_start3A_34 = tpu.memref_squeeze %dma_start3A_33 : memref<1x64x128xf32, #tpu.memory_space<hbm>> -> memref<64x128xf32, #tpu.memory_space<hbm>>
        tpu.enqueue_dma source(%arg10 : memref<64x128xf32, #tpu.memory_space<vmem>>) target(%dma_start3A_34 : memref<64x128xf32, #tpu.memory_space<hbm>>) target_semaphore(%run_scoped3A : memref<!tpu.dma_semaphore, #tpu.memory_space<semaphore_mem>>)
        %dma_wait3A = arith.constant 0 : i32
        %dma_wait3A_35 = tpu.memref_slice %arg6[%arg0, %add3A, %dma_wait3A] : memref<2x5120x128xf32, #tpu.memory_space<hbm>> -> memref<1x64x128xf32, #tpu.memory_space<hbm>>
        %dma_wait3A_36 = tpu.memref_squeeze %dma_wait3A_35 : memref<1x64x128xf32, #tpu.memory_space<hbm>> -> memref<64x128xf32, #tpu.memory_space<hbm>>
        %dma_wait3A_37 = arith.constant 0 : i32
        %dma_wait3A_38 = tpu.memref_slice %arg6[%arg0, %add3A, %dma_wait3A_37] : memref<2x5120x128xf32, #tpu.memory_space<hbm>> -> memref<1x64x128xf32, #tpu.memory_space<hbm>>
        %dma_wait3A_39 = tpu.memref_squeeze %dma_wait3A_38 : memref<1x64x128xf32, #tpu.memory_space<hbm>> -> memref<64x128xf32, #tpu.memory_space<hbm>>
        tpu.wait_dma2 semaphore(%run_scoped3A : memref<!tpu.dma_semaphore, #tpu.memory_space<semaphore_mem>>) src(%arg10 : memref<64x128xf32, #tpu.memory_space<vmem>>) dst(%dma_wait3A_39 : memref<64x128xf32, #tpu.memory_space<hbm>>)
        tpu.yield
      }) : () -> ()
    }
    %scan3A_24 = arith.constant 5 : i32
    return
  }
}

#map = affine_map<(d0, d1) -> (0, 0)>
#map1 = affine_map<(d0, d1) -> (0, 0, 0)>
module attributes {stable_mosaic.version = 14 : i64} {
  func.func @_segsum_body(%arg0: i32, %arg1: i32, %arg2: memref<10240x128xf32, #tpu.memory_space<hbm>>, %arg3: memref<16x157x128xi32, #tpu.memory_space<hbm>>, %arg4: memref<16x157x128xi32, #tpu.memory_space<hbm>>, %arg5: memref<64x128xf32, #tpu.memory_space<hbm>>, %arg6: memref<2x5120x128xf32, #tpu.memory_space<hbm>>, %arg7: memref<157x128xi32, #tpu.memory_space<vmem>>, %arg8: memref<157x128xi32, #tpu.memory_space<vmem>>, %arg9: memref<2x128x128xf32, #tpu.memory_space<vmem>>, %arg10: memref<64x128xf32, #tpu.memory_space<vmem>>, %arg11: memref<5128x128xf32, #tpu.memory_space<vmem_shared>>, %arg12: memref<2x!tpu.dma_semaphore, #tpu.memory_space<semaphore_mem>>) attributes {dimension_semantics = [#tpu.dimension_semantics<core_parallel>, #tpu.dimension_semantics<subcore_parallel>], iteration_bounds = array<i64: 2, 16>, scalar_prefetch = 0 : i64, scratch_operands = 6 : i64, tpu.core_type = #tpu.core_type<sc_vector_subcore>, window_params = [{transform_indices = #map}, {transform_indices = #map1}, {transform_indices = #map1}, {transform_indices = #map}, {transform_indices = #map1}]} {
    %mul3A = arith.constant 5120 : i32
    %mul3A_0 = arith.muli %arg0, %mul3A : i32
    "tpu.region"() ({
      %run_scoped3A = tpu.sem_alloc : memref<!tpu.dma_semaphore, #tpu.memory_space<semaphore_mem>>
      tpu.enqueue_dma source(%arg5 : memref<64x128xf32, #tpu.memory_space<hbm>>) target(%arg10 : memref<64x128xf32, #tpu.memory_space<vmem>>) target_semaphore(%run_scoped3A : memref<!tpu.dma_semaphore, #tpu.memory_space<semaphore_mem>>)
      tpu.wait_dma2 semaphore(%run_scoped3A : memref<!tpu.dma_semaphore, #tpu.memory_space<semaphore_mem>>) src(%arg5 : memref<64x128xf32, #tpu.memory_space<hbm>>) dst(%arg10 : memref<64x128xf32, #tpu.memory_space<vmem>>)
      tpu.yield
    }) : () -> ()
    %scan3A = arith.constant 0 : i32
    %scan3A_1 = arith.constant 0 : i32
    %scan3A_2 = arith.constant 5 : i32
    %scan3A_3 = arith.addi %scan3A_1, %scan3A_2 : i32
    %scan3A_4 = arith.constant 1 : i32
    scf.for %scan3A_25 = %scan3A_1 to %scan3A_3 step %scan3A_4  : i32 {
      %mul3A_26 = arith.constant 320 : i32
      %mul3A_27 = arith.muli %arg1, %mul3A_26 : i32
      %mul3A_28 = arith.constant 64 : i32
      %mul3A_29 = arith.muli %scan3A_25, %mul3A_28 : i32
      %add3A = arith.addi %mul3A_27, %mul3A_29 : i32
      "tpu.region"() ({
        %run_scoped3A = tpu.sem_alloc : memref<!tpu.dma_semaphore, #tpu.memory_space<semaphore_mem>>
        %dma_start3A = arith.constant 0 : i32
        %dma_start3A_30 = tpu.memref_slice %arg11[%add3A, %dma_start3A] : memref<5128x128xf32, #tpu.memory_space<vmem_shared>> -> memref<64x128xf32, #tpu.memory_space<vmem_shared>>
        %dma_start3A_31 = arith.constant 0 : i32
        %dma_start3A_32 = tpu.memref_slice %arg11[%add3A, %dma_start3A_31] : memref<5128x128xf32, #tpu.memory_space<vmem_shared>> -> memref<64x128xf32, #tpu.memory_space<vmem_shared>>
        tpu.enqueue_dma source(%arg10 : memref<64x128xf32, #tpu.memory_space<vmem>>) target(%dma_start3A_32 : memref<64x128xf32, #tpu.memory_space<vmem_shared>>) target_semaphore(%run_scoped3A : memref<!tpu.dma_semaphore, #tpu.memory_space<semaphore_mem>>)
        %dma_wait3A = arith.constant 0 : i32
        %dma_wait3A_33 = tpu.memref_slice %arg11[%add3A, %dma_wait3A] : memref<5128x128xf32, #tpu.memory_space<vmem_shared>> -> memref<64x128xf32, #tpu.memory_space<vmem_shared>>
        %dma_wait3A_34 = arith.constant 0 : i32
        %dma_wait3A_35 = tpu.memref_slice %arg11[%add3A, %dma_wait3A_34] : memref<5128x128xf32, #tpu.memory_space<vmem_shared>> -> memref<64x128xf32, #tpu.memory_space<vmem_shared>>
        tpu.wait_dma2 semaphore(%run_scoped3A : memref<!tpu.dma_semaphore, #tpu.memory_space<semaphore_mem>>) src(%arg10 : memref<64x128xf32, #tpu.memory_space<vmem>>) dst(%dma_wait3A_35 : memref<64x128xf32, #tpu.memory_space<vmem_shared>>)
        tpu.yield
      }) : () -> ()
    }
    %scan3A_5 = arith.constant 5 : i32
    "tpu.region"() ({
      %run_scoped3A = tpu.sem_alloc : memref<!tpu.dma_semaphore, #tpu.memory_space<semaphore_mem>>
      %dma_start3A = arith.constant 0 : i32
      %dma_start3A_25 = arith.constant 0 : i32
      %dma_start3A_26 = tpu.memref_slice %arg3[%arg1, %dma_start3A, %dma_start3A_25] : memref<16x157x128xi32, #tpu.memory_space<hbm>> -> memref<1x157x128xi32, #tpu.memory_space<hbm>>
      %dma_start3A_27 = tpu.memref_squeeze %dma_start3A_26 : memref<1x157x128xi32, #tpu.memory_space<hbm>> -> memref<157x128xi32, #tpu.memory_space<hbm>>
      %dma_start3A_28 = arith.constant 0 : i32
      %dma_start3A_29 = arith.constant 0 : i32
      %dma_start3A_30 = tpu.memref_slice %arg3[%arg1, %dma_start3A_28, %dma_start3A_29] : memref<16x157x128xi32, #tpu.memory_space<hbm>> -> memref<1x157x128xi32, #tpu.memory_space<hbm>>
      %dma_start3A_31 = tpu.memref_squeeze %dma_start3A_30 : memref<1x157x128xi32, #tpu.memory_space<hbm>> -> memref<157x128xi32, #tpu.memory_space<hbm>>
      tpu.enqueue_dma source(%dma_start3A_31 : memref<157x128xi32, #tpu.memory_space<hbm>>) target(%arg7 : memref<157x128xi32, #tpu.memory_space<vmem>>) target_semaphore(%run_scoped3A : memref<!tpu.dma_semaphore, #tpu.memory_space<semaphore_mem>>)
      %dma_wait3A = arith.constant 0 : i32
      %dma_wait3A_32 = arith.constant 0 : i32
      %dma_wait3A_33 = tpu.memref_slice %arg3[%arg1, %dma_wait3A, %dma_wait3A_32] : memref<16x157x128xi32, #tpu.memory_space<hbm>> -> memref<1x157x128xi32, #tpu.memory_space<hbm>>
      %dma_wait3A_34 = tpu.memref_squeeze %dma_wait3A_33 : memref<1x157x128xi32, #tpu.memory_space<hbm>> -> memref<157x128xi32, #tpu.memory_space<hbm>>
      %dma_wait3A_35 = arith.constant 0 : i32
      %dma_wait3A_36 = arith.constant 0 : i32
      %dma_wait3A_37 = tpu.memref_slice %arg3[%arg1, %dma_wait3A_35, %dma_wait3A_36] : memref<16x157x128xi32, #tpu.memory_space<hbm>> -> memref<1x157x128xi32, #tpu.memory_space<hbm>>
      %dma_wait3A_38 = tpu.memref_squeeze %dma_wait3A_37 : memref<1x157x128xi32, #tpu.memory_space<hbm>> -> memref<157x128xi32, #tpu.memory_space<hbm>>
      tpu.wait_dma2 semaphore(%run_scoped3A : memref<!tpu.dma_semaphore, #tpu.memory_space<semaphore_mem>>) src(%dma_wait3A_38 : memref<157x128xi32, #tpu.memory_space<hbm>>) dst(%arg7 : memref<157x128xi32, #tpu.memory_space<vmem>>)
      tpu.yield
    }) : () -> ()
    "tpu.region"() ({
      %run_scoped3A = tpu.sem_alloc : memref<!tpu.dma_semaphore, #tpu.memory_space<semaphore_mem>>
      %dma_start3A = arith.constant 0 : i32
      %dma_start3A_25 = arith.constant 0 : i32
      %dma_start3A_26 = tpu.memref_slice %arg4[%arg1, %dma_start3A, %dma_start3A_25] : memref<16x157x128xi32, #tpu.memory_space<hbm>> -> memref<1x157x128xi32, #tpu.memory_space<hbm>>
      %dma_start3A_27 = tpu.memref_squeeze %dma_start3A_26 : memref<1x157x128xi32, #tpu.memory_space<hbm>> -> memref<157x128xi32, #tpu.memory_space<hbm>>
      %dma_start3A_28 = arith.constant 0 : i32
      %dma_start3A_29 = arith.constant 0 : i32
      %dma_start3A_30 = tpu.memref_slice %arg4[%arg1, %dma_start3A_28, %dma_start3A_29] : memref<16x157x128xi32, #tpu.memory_space<hbm>> -> memref<1x157x128xi32, #tpu.memory_space<hbm>>
      %dma_start3A_31 = tpu.memref_squeeze %dma_start3A_30 : memref<1x157x128xi32, #tpu.memory_space<hbm>> -> memref<157x128xi32, #tpu.memory_space<hbm>>
      tpu.enqueue_dma source(%dma_start3A_31 : memref<157x128xi32, #tpu.memory_space<hbm>>) target(%arg8 : memref<157x128xi32, #tpu.memory_space<vmem>>) target_semaphore(%run_scoped3A : memref<!tpu.dma_semaphore, #tpu.memory_space<semaphore_mem>>)
      %dma_wait3A = arith.constant 0 : i32
      %dma_wait3A_32 = arith.constant 0 : i32
      %dma_wait3A_33 = tpu.memref_slice %arg4[%arg1, %dma_wait3A, %dma_wait3A_32] : memref<16x157x128xi32, #tpu.memory_space<hbm>> -> memref<1x157x128xi32, #tpu.memory_space<hbm>>
      %dma_wait3A_34 = tpu.memref_squeeze %dma_wait3A_33 : memref<1x157x128xi32, #tpu.memory_space<hbm>> -> memref<157x128xi32, #tpu.memory_space<hbm>>
      %dma_wait3A_35 = arith.constant 0 : i32
      %dma_wait3A_36 = arith.constant 0 : i32
      %dma_wait3A_37 = tpu.memref_slice %arg4[%arg1, %dma_wait3A_35, %dma_wait3A_36] : memref<16x157x128xi32, #tpu.memory_space<hbm>> -> memref<1x157x128xi32, #tpu.memory_space<hbm>>
      %dma_wait3A_38 = tpu.memref_squeeze %dma_wait3A_37 : memref<1x157x128xi32, #tpu.memory_space<hbm>> -> memref<157x128xi32, #tpu.memory_space<hbm>>
      tpu.wait_dma2 semaphore(%run_scoped3A : memref<!tpu.dma_semaphore, #tpu.memory_space<semaphore_mem>>) src(%dma_wait3A_38 : memref<157x128xi32, #tpu.memory_space<hbm>>) dst(%arg8 : memref<157x128xi32, #tpu.memory_space<vmem>>)
      tpu.yield
    }) : () -> ()
    %scan3A_6 = arith.constant 0 : i32
    %scan3A_7 = arith.constant 0 : i32
    %scan3A_8 = arith.constant 157 : i32
    %scan3A_9 = arith.addi %scan3A_7, %scan3A_8 : i32
    %scan3A_10 = arith.constant 1 : i32
    scf.for %scan3A_25 = %scan3A_7 to %scan3A_9 step %scan3A_10  : i32 {
      %get3A = arith.index_cast %scan3A_25 : i32 to index
      %get3A_26 = arith.constant 0 : index
      %get3A_27 = tpu.vector_load %arg8[%get3A, %get3A_26] {strides = array<i32>} : memref<157x128xi32, #tpu.memory_space<vmem>>, vector<1x16xi32>,
      %get3A_28 = vector.shape_cast %get3A_27 : vector<1x16xi32> to vector<16xi32>
      %sub3A = vector.broadcast %mul3A_0 : i32 to vector<16xi32>
      %sub3A_29 = arith.subi %get3A_28, %sub3A : vector<16xi32>
      %lt3A = arith.constant 0 : i32
      %lt3A_30 = vector.broadcast %lt3A : i32 to vector<16xi32>
      %lt3A_31 = arith.cmpi slt, %sub3A_29, %lt3A_30 : vector<16xi32>
      %ge3A = arith.constant 5120 : i32
      %ge3A_32 = vector.broadcast %ge3A : i32 to vector<16xi32>
      %ge3A_33 = arith.cmpi sge, %sub3A_29, %ge3A_32 : vector<16xi32>
      %or3A = arith.ori %lt3A_31, %ge3A_33 : vector<16xi1>
      %jit3A = arith.constant 5120 : i32
      %broadcast_in_dim3A = vector.broadcast %jit3A : i32 to vector<16xi32>
      %select_n3A = arith.select %or3A, %broadcast_in_dim3A, %sub3A_29 : vector<16xi1>, vector<16xi32>
      %swap3A = arith.index_cast %scan3A_25 : i32 to index
      %swap3A_34 = arith.constant 0 : index
      %swap3A_35 = tpu.vector_load %arg8[%swap3A, %swap3A_34] {strides = array<i32>} : memref<157x128xi32, #tpu.memory_space<vmem>>, vector<1x16xi32>,
      %swap3A_36 = vector.shape_cast %swap3A_35 : vector<1x16xi32> to vector<16xi32>
      %swap3A_37 = vector.shape_cast %select_n3A : vector<16xi32> to vector<1x16xi32>
      tpu.vector_store %arg8[%swap3A, %swap3A_34], %swap3A_37 {strides = array<i32>} : memref<157x128xi32, #tpu.memory_space<vmem>>, vector<1x16xi32>,
      %get3A_38 = arith.index_cast %scan3A_25 : i32 to index
      %get3A_39 = arith.constant 16 : index
      %get3A_40 = tpu.vector_load %arg8[%get3A_38, %get3A_39] {strides = array<i32>} : memref<157x128xi32, #tpu.memory_space<vmem>>, vector<1x16xi32>,
      %get3A_41 = vector.shape_cast %get3A_40 : vector<1x16xi32> to vector<16xi32>
      %sub3A_42 = vector.broadcast %mul3A_0 : i32 to vector<16xi32>
      %sub3A_43 = arith.subi %get3A_41, %sub3A_42 : vector<16xi32>
      %lt3A_44 = arith.constant 0 : i32
      %lt3A_45 = vector.broadcast %lt3A_44 : i32 to vector<16xi32>
      %lt3A_46 = arith.cmpi slt, %sub3A_43, %lt3A_45 : vector<16xi32>
      %ge3A_47 = arith.constant 5120 : i32
      %ge3A_48 = vector.broadcast %ge3A_47 : i32 to vector<16xi32>
      %ge3A_49 = arith.cmpi sge, %sub3A_43, %ge3A_48 : vector<16xi32>
      %or3A_50 = arith.ori %lt3A_46, %ge3A_49 : vector<16xi1>
      %jit3A_51 = arith.constant 5120 : i32
      %broadcast_in_dim3A_52 = vector.broadcast %jit3A_51 : i32 to vector<16xi32>
      %select_n3A_53 = arith.select %or3A_50, %broadcast_in_dim3A_52, %sub3A_43 : vector<16xi1>, vector<16xi32>
      %swap3A_54 = arith.index_cast %scan3A_25 : i32 to index
      %swap3A_55 = arith.constant 16 : index
      %swap3A_56 = tpu.vector_load %arg8[%swap3A_54, %swap3A_55] {strides = array<i32>} : memref<157x128xi32, #tpu.memory_space<vmem>>, vector<1x16xi32>,
      %swap3A_57 = vector.shape_cast %swap3A_56 : vector<1x16xi32> to vector<16xi32>
      %swap3A_58 = vector.shape_cast %select_n3A_53 : vector<16xi32> to vector<1x16xi32>
      tpu.vector_store %arg8[%swap3A_54, %swap3A_55], %swap3A_58 {strides = array<i32>} : memref<157x128xi32, #tpu.memory_space<vmem>>, vector<1x16xi32>,
      %get3A_59 = arith.index_cast %scan3A_25 : i32 to index
      %get3A_60 = arith.constant 32 : index
      %get3A_61 = tpu.vector_load %arg8[%get3A_59, %get3A_60] {strides = array<i32>} : memref<157x128xi32, #tpu.memory_space<vmem>>, vector<1x16xi32>,
      %get3A_62 = vector.shape_cast %get3A_61 : vector<1x16xi32> to vector<16xi32>
      %sub3A_63 = vector.broadcast %mul3A_0 : i32 to vector<16xi32>
      %sub3A_64 = arith.subi %get3A_62, %sub3A_63 : vector<16xi32>
      %lt3A_65 = arith.constant 0 : i32
      %lt3A_66 = vector.broadcast %lt3A_65 : i32 to vector<16xi32>
      %lt3A_67 = arith.cmpi slt, %sub3A_64, %lt3A_66 : vector<16xi32>
      %ge3A_68 = arith.constant 5120 : i32
      %ge3A_69 = vector.broadcast %ge3A_68 : i32 to vector<16xi32>
      %ge3A_70 = arith.cmpi sge, %sub3A_64, %ge3A_69 : vector<16xi32>
      %or3A_71 = arith.ori %lt3A_67, %ge3A_70 : vector<16xi1>
      %jit3A_72 = arith.constant 5120 : i32
      %broadcast_in_dim3A_73 = vector.broadcast %jit3A_72 : i32 to vector<16xi32>
      %select_n3A_74 = arith.select %or3A_71, %broadcast_in_dim3A_73, %sub3A_64 : vector<16xi1>, vector<16xi32>
      %swap3A_75 = arith.index_cast %scan3A_25 : i32 to index
      %swap3A_76 = arith.constant 32 : index
      %swap3A_77 = tpu.vector_load %arg8[%swap3A_75, %swap3A_76] {strides = array<i32>} : memref<157x128xi32, #tpu.memory_space<vmem>>, vector<1x16xi32>,
      %swap3A_78 = vector.shape_cast %swap3A_77 : vector<1x16xi32> to vector<16xi32>
      %swap3A_79 = vector.shape_cast %select_n3A_74 : vector<16xi32> to vector<1x16xi32>
      tpu.vector_store %arg8[%swap3A_75, %swap3A_76], %swap3A_79 {strides = array<i32>} : memref<157x128xi32, #tpu.memory_space<vmem>>, vector<1x16xi32>,
      %get3A_80 = arith.index_cast %scan3A_25 : i32 to index
      %get3A_81 = arith.constant 48 : index
      %get3A_82 = tpu.vector_load %arg8[%get3A_80, %get3A_81] {strides = array<i32>} : memref<157x128xi32, #tpu.memory_space<vmem>>, vector<1x16xi32>,
      %get3A_83 = vector.shape_cast %get3A_82 : vector<1x16xi32> to vector<16xi32>
      %sub3A_84 = vector.broadcast %mul3A_0 : i32 to vector<16xi32>
      %sub3A_85 = arith.subi %get3A_83, %sub3A_84 : vector<16xi32>
      %lt3A_86 = arith.constant 0 : i32
      %lt3A_87 = vector.broadcast %lt3A_86 : i32 to vector<16xi32>
      %lt3A_88 = arith.cmpi slt, %sub3A_85, %lt3A_87 : vector<16xi32>
      %ge3A_89 = arith.constant 5120 : i32
      %ge3A_90 = vector.broadcast %ge3A_89 : i32 to vector<16xi32>
      %ge3A_91 = arith.cmpi sge, %sub3A_85, %ge3A_90 : vector<16xi32>
      %or3A_92 = arith.ori %lt3A_88, %ge3A_91 : vector<16xi1>
      %jit3A_93 = arith.constant 5120 : i32
      %broadcast_in_dim3A_94 = vector.broadcast %jit3A_93 : i32 to vector<16xi32>
      %select_n3A_95 = arith.select %or3A_92, %broadcast_in_dim3A_94, %sub3A_85 : vector<16xi1>, vector<16xi32>
      %swap3A_96 = arith.index_cast %scan3A_25 : i32 to index
      %swap3A_97 = arith.constant 48 : index
      %swap3A_98 = tpu.vector_load %arg8[%swap3A_96, %swap3A_97] {strides = array<i32>} : memref<157x128xi32, #tpu.memory_space<vmem>>, vector<1x16xi32>,
      %swap3A_99 = vector.shape_cast %swap3A_98 : vector<1x16xi32> to vector<16xi32>
      %swap3A_100 = vector.shape_cast %select_n3A_95 : vector<16xi32> to vector<1x16xi32>
      tpu.vector_store %arg8[%swap3A_96, %swap3A_97], %swap3A_100 {strides = array<i32>} : memref<157x128xi32, #tpu.memory_space<vmem>>, vector<1x16xi32>,
      %get3A_101 = arith.index_cast %scan3A_25 : i32 to index
      %get3A_102 = arith.constant 64 : index
      %get3A_103 = tpu.vector_load %arg8[%get3A_101, %get3A_102] {strides = array<i32>} : memref<157x128xi32, #tpu.memory_space<vmem>>, vector<1x16xi32>,
      %get3A_104 = vector.shape_cast %get3A_103 : vector<1x16xi32> to vector<16xi32>
      %sub3A_105 = vector.broadcast %mul3A_0 : i32 to vector<16xi32>
      %sub3A_106 = arith.subi %get3A_104, %sub3A_105 : vector<16xi32>
      %lt3A_107 = arith.constant 0 : i32
      %lt3A_108 = vector.broadcast %lt3A_107 : i32 to vector<16xi32>
      %lt3A_109 = arith.cmpi slt, %sub3A_106, %lt3A_108 : vector<16xi32>
      %ge3A_110 = arith.constant 5120 : i32
      %ge3A_111 = vector.broadcast %ge3A_110 : i32 to vector<16xi32>
      %ge3A_112 = arith.cmpi sge, %sub3A_106, %ge3A_111 : vector<16xi32>
      %or3A_113 = arith.ori %lt3A_109, %ge3A_112 : vector<16xi1>
      %jit3A_114 = arith.constant 5120 : i32
      %broadcast_in_dim3A_115 = vector.broadcast %jit3A_114 : i32 to vector<16xi32>
      %select_n3A_116 = arith.select %or3A_113, %broadcast_in_dim3A_115, %sub3A_106 : vector<16xi1>, vector<16xi32>
      %swap3A_117 = arith.index_cast %scan3A_25 : i32 to index
      %swap3A_118 = arith.constant 64 : index
      %swap3A_119 = tpu.vector_load %arg8[%swap3A_117, %swap3A_118] {strides = array<i32>} : memref<157x128xi32, #tpu.memory_space<vmem>>, vector<1x16xi32>,
      %swap3A_120 = vector.shape_cast %swap3A_119 : vector<1x16xi32> to vector<16xi32>
      %swap3A_121 = vector.shape_cast %select_n3A_116 : vector<16xi32> to vector<1x16xi32>
      tpu.vector_store %arg8[%swap3A_117, %swap3A_118], %swap3A_121 {strides = array<i32>} : memref<157x128xi32, #tpu.memory_space<vmem>>, vector<1x16xi32>,
      %get3A_122 = arith.index_cast %scan3A_25 : i32 to index
      %get3A_123 = arith.constant 80 : index
      %get3A_124 = tpu.vector_load %arg8[%get3A_122, %get3A_123] {strides = array<i32>} : memref<157x128xi32, #tpu.memory_space<vmem>>, vector<1x16xi32>,
      %get3A_125 = vector.shape_cast %get3A_124 : vector<1x16xi32> to vector<16xi32>
      %sub3A_126 = vector.broadcast %mul3A_0 : i32 to vector<16xi32>
      %sub3A_127 = arith.subi %get3A_125, %sub3A_126 : vector<16xi32>
      %lt3A_128 = arith.constant 0 : i32
      %lt3A_129 = vector.broadcast %lt3A_128 : i32 to vector<16xi32>
      %lt3A_130 = arith.cmpi slt, %sub3A_127, %lt3A_129 : vector<16xi32>
      %ge3A_131 = arith.constant 5120 : i32
      %ge3A_132 = vector.broadcast %ge3A_131 : i32 to vector<16xi32>
      %ge3A_133 = arith.cmpi sge, %sub3A_127, %ge3A_132 : vector<16xi32>
      %or3A_134 = arith.ori %lt3A_130, %ge3A_133 : vector<16xi1>
      %jit3A_135 = arith.constant 5120 : i32
      %broadcast_in_dim3A_136 = vector.broadcast %jit3A_135 : i32 to vector<16xi32>
      %select_n3A_137 = arith.select %or3A_134, %broadcast_in_dim3A_136, %sub3A_127 : vector<16xi1>, vector<16xi32>
      %swap3A_138 = arith.index_cast %scan3A_25 : i32 to index
      %swap3A_139 = arith.constant 80 : index
      %swap3A_140 = tpu.vector_load %arg8[%swap3A_138, %swap3A_139] {strides = array<i32>} : memref<157x128xi32, #tpu.memory_space<vmem>>, vector<1x16xi32>,
      %swap3A_141 = vector.shape_cast %swap3A_140 : vector<1x16xi32> to vector<16xi32>
      %swap3A_142 = vector.shape_cast %select_n3A_137 : vector<16xi32> to vector<1x16xi32>
      tpu.vector_store %arg8[%swap3A_138, %swap3A_139], %swap3A_142 {strides = array<i32>} : memref<157x128xi32, #tpu.memory_space<vmem>>, vector<1x16xi32>,
      %get3A_143 = arith.index_cast %scan3A_25 : i32 to index
      %get3A_144 = arith.constant 96 : index
      %get3A_145 = tpu.vector_load %arg8[%get3A_143, %get3A_144] {strides = array<i32>} : memref<157x128xi32, #tpu.memory_space<vmem>>, vector<1x16xi32>,
      %get3A_146 = vector.shape_cast %get3A_145 : vector<1x16xi32> to vector<16xi32>
      %sub3A_147 = vector.broadcast %mul3A_0 : i32 to vector<16xi32>
      %sub3A_148 = arith.subi %get3A_146, %sub3A_147 : vector<16xi32>
      %lt3A_149 = arith.constant 0 : i32
      %lt3A_150 = vector.broadcast %lt3A_149 : i32 to vector<16xi32>
      %lt3A_151 = arith.cmpi slt, %sub3A_148, %lt3A_150 : vector<16xi32>
      %ge3A_152 = arith.constant 5120 : i32
      %ge3A_153 = vector.broadcast %ge3A_152 : i32 to vector<16xi32>
      %ge3A_154 = arith.cmpi sge, %sub3A_148, %ge3A_153 : vector<16xi32>
      %or3A_155 = arith.ori %lt3A_151, %ge3A_154 : vector<16xi1>
      %jit3A_156 = arith.constant 5120 : i32
      %broadcast_in_dim3A_157 = vector.broadcast %jit3A_156 : i32 to vector<16xi32>
      %select_n3A_158 = arith.select %or3A_155, %broadcast_in_dim3A_157, %sub3A_148 : vector<16xi1>, vector<16xi32>
      %swap3A_159 = arith.index_cast %scan3A_25 : i32 to index
      %swap3A_160 = arith.constant 96 : index
      %swap3A_161 = tpu.vector_load %arg8[%swap3A_159, %swap3A_160] {strides = array<i32>} : memref<157x128xi32, #tpu.memory_space<vmem>>, vector<1x16xi32>,
      %swap3A_162 = vector.shape_cast %swap3A_161 : vector<1x16xi32> to vector<16xi32>
      %swap3A_163 = vector.shape_cast %select_n3A_158 : vector<16xi32> to vector<1x16xi32>
      tpu.vector_store %arg8[%swap3A_159, %swap3A_160], %swap3A_163 {strides = array<i32>} : memref<157x128xi32, #tpu.memory_space<vmem>>, vector<1x16xi32>,
      %get3A_164 = arith.index_cast %scan3A_25 : i32 to index
      %get3A_165 = arith.constant 112 : index
      %get3A_166 = tpu.vector_load %arg8[%get3A_164, %get3A_165] {strides = array<i32>} : memref<157x128xi32, #tpu.memory_space<vmem>>, vector<1x16xi32>,
      %get3A_167 = vector.shape_cast %get3A_166 : vector<1x16xi32> to vector<16xi32>
      %sub3A_168 = vector.broadcast %mul3A_0 : i32 to vector<16xi32>
      %sub3A_169 = arith.subi %get3A_167, %sub3A_168 : vector<16xi32>
      %lt3A_170 = arith.constant 0 : i32
      %lt3A_171 = vector.broadcast %lt3A_170 : i32 to vector<16xi32>
      %lt3A_172 = arith.cmpi slt, %sub3A_169, %lt3A_171 : vector<16xi32>
      %ge3A_173 = arith.constant 5120 : i32
      %ge3A_174 = vector.broadcast %ge3A_173 : i32 to vector<16xi32>
      %ge3A_175 = arith.cmpi sge, %sub3A_169, %ge3A_174 : vector<16xi32>
      %or3A_176 = arith.ori %lt3A_172, %ge3A_175 : vector<16xi1>
      %jit3A_177 = arith.constant 5120 : i32
      %broadcast_in_dim3A_178 = vector.broadcast %jit3A_177 : i32 to vector<16xi32>
      %select_n3A_179 = arith.select %or3A_176, %broadcast_in_dim3A_178, %sub3A_169 : vector<16xi1>, vector<16xi32>
      %swap3A_180 = arith.index_cast %scan3A_25 : i32 to index
      %swap3A_181 = arith.constant 112 : index
      %swap3A_182 = tpu.vector_load %arg8[%swap3A_180, %swap3A_181] {strides = array<i32>} : memref<157x128xi32, #tpu.memory_space<vmem>>, vector<1x16xi32>,
      %swap3A_183 = vector.shape_cast %swap3A_182 : vector<1x16xi32> to vector<16xi32>
      %swap3A_184 = vector.shape_cast %select_n3A_179 : vector<16xi32> to vector<1x16xi32>
      tpu.vector_store %arg8[%swap3A_180, %swap3A_181], %swap3A_184 {strides = array<i32>} : memref<157x128xi32, #tpu.memory_space<vmem>>, vector<1x16xi32>,
    }
    %scan3A_11 = arith.constant 157 : i32
    %barrier3A = arith.constant 0 : index
    tpu.barrier barrier_id(%barrier3A)
    %scan3A_12 = arith.constant 0 : i32
    %scan3A_13 = arith.constant 0 : i32
    %scan3A_14 = arith.constant 158 : i32
    %scan3A_15 = arith.addi %scan3A_13, %scan3A_14 : i32
    %scan3A_16 = arith.constant 1 : i32
    scf.for %scan3A_25 = %scan3A_13 to %scan3A_15 step %scan3A_16  : i32 {
      %rem3A = arith.constant 2 : i32
      %rem3A_26 = arith.remsi %scan3A_25, %rem3A : i32
      %lt3A = arith.constant 157 : i32
      %lt3A_27 = arith.cmpi slt, %scan3A_25, %lt3A : i32
      %convert_element_type3A = arith.extui %lt3A_27 : i1 to i32
      %cond3A = arith.constant 0 : i32
      %cond3A_28 = arith.cmpi ne, %convert_element_type3A, %cond3A : i32
      scf.if %cond3A_28 {
        %dma_start3A = arith.constant 0 : i32
        %dma_start3A_33 = arith.constant 0 : i32
        %dma_start3A_34 = tpu.memref_slice %arg9[%rem3A_26, %dma_start3A, %dma_start3A_33] : memref<2x128x128xf32, #tpu.memory_space<vmem>> -> memref<1x128x128xf32, #tpu.memory_space<vmem>>
        %dma_start3A_35 = tpu.memref_squeeze %dma_start3A_34 : memref<1x128x128xf32, #tpu.memory_space<vmem>> -> memref<128x128xf32, #tpu.memory_space<vmem>>
        %dma_start3A_36 = arith.constant 0 : i32
        %dma_start3A_37 = tpu.memref_slice %arg7[%scan3A_25, %dma_start3A_36] : memref<157x128xi32, #tpu.memory_space<vmem>> -> memref<1x128xi32, #tpu.memory_space<vmem>>
        %dma_start3A_38 = tpu.memref_squeeze %dma_start3A_37 : memref<1x128xi32, #tpu.memory_space<vmem>> -> memref<128xi32, #tpu.memory_space<vmem>>
        %dma_start3A_39 = arith.constant 0 : i32
        %dma_start3A_40 = arith.constant 0 : i32
        %dma_start3A_41 = tpu.memref_slice %arg2[%dma_start3A_39, %dma_start3A_40] : memref<10240x128xf32, #tpu.memory_space<hbm>> -> memref<10240x128xf32, #tpu.memory_space<hbm>>
        %dma_start3A_42 = tpu.memref_slice %arg12[%rem3A_26] : memref<2x!tpu.dma_semaphore, #tpu.memory_space<semaphore_mem>> -> memref<1x!tpu.dma_semaphore, #tpu.memory_space<semaphore_mem>>
        %dma_start3A_43 = tpu.memref_squeeze %dma_start3A_42 : memref<1x!tpu.dma_semaphore, #tpu.memory_space<semaphore_mem>> -> memref<!tpu.dma_semaphore, #tpu.memory_space<semaphore_mem>>
        tpu.enqueue_indirect_dma source(%dma_start3A_41 : memref<10240x128xf32, #tpu.memory_space<hbm>>) target(%dma_start3A_35 : memref<128x128xf32, #tpu.memory_space<vmem>>) offsets(%dma_start3A_38 : memref<128xi32, #tpu.memory_space<vmem>>) semaphore(%dma_start3A_43 : memref<!tpu.dma_semaphore, #tpu.memory_space<semaphore_mem>>)
      } else {
      }
      %gt3A = arith.constant 0 : i32
      %gt3A_29 = arith.cmpi sgt, %scan3A_25, %gt3A : i32
      %convert_element_type3A_30 = arith.extui %gt3A_29 : i1 to i32
      %cond3A_31 = arith.constant 0 : i32
      %cond3A_32 = arith.cmpi ne, %convert_element_type3A_30, %cond3A_31 : i32
      scf.if %cond3A_32 {
        %sub3A = arith.constant 1 : i32
        %sub3A_33 = arith.subi %scan3A_25, %sub3A : i32
        %sub3A_34 = arith.constant 1 : i32
        %sub3A_35 = arith.subi %sub3A_34, %rem3A_26 : i32
        %dma_wait3A = arith.constant 0 : i32
        %dma_wait3A_36 = arith.constant 0 : i32
        %dma_wait3A_37 = tpu.memref_slice %arg9[%sub3A_35, %dma_wait3A, %dma_wait3A_36] : memref<2x128x128xf32, #tpu.memory_space<vmem>> -> memref<1x128x128xf32, #tpu.memory_space<vmem>>
        %dma_wait3A_38 = tpu.memref_squeeze %dma_wait3A_37 : memref<1x128x128xf32, #tpu.memory_space<vmem>> -> memref<128x128xf32, #tpu.memory_space<vmem>>
        %dma_wait3A_39 = arith.constant 0 : i32
        %dma_wait3A_40 = tpu.memref_slice %arg7[%sub3A_33, %dma_wait3A_39] : memref<157x128xi32, #tpu.memory_space<vmem>> -> memref<1x128xi32, #tpu.memory_space<vmem>>
        %dma_wait3A_41 = tpu.memref_squeeze %dma_wait3A_40 : memref<1x128xi32, #tpu.memory_space<vmem>> -> memref<128xi32, #tpu.memory_space<vmem>>
        %dma_wait3A_42 = arith.constant 0 : i32
        %dma_wait3A_43 = arith.constant 0 : i32
        %dma_wait3A_44 = tpu.memref_slice %arg2[%dma_wait3A_42, %dma_wait3A_43] : memref<10240x128xf32, #tpu.memory_space<hbm>> -> memref<10240x128xf32, #tpu.memory_space<hbm>>
        %dma_wait3A_45 = tpu.memref_slice %arg12[%sub3A_35] : memref<2x!tpu.dma_semaphore, #tpu.memory_space<semaphore_mem>> -> memref<1x!tpu.dma_semaphore, #tpu.memory_space<semaphore_mem>>
        %dma_wait3A_46 = tpu.memref_squeeze %dma_wait3A_45 : memref<1x!tpu.dma_semaphore, #tpu.memory_space<semaphore_mem>> -> memref<!tpu.dma_semaphore, #tpu.memory_space<semaphore_mem>>
        tpu.wait_indirect_dma semaphore(%dma_wait3A_46 : memref<!tpu.dma_semaphore, #tpu.memory_space<semaphore_mem>>) src(%dma_wait3A_44 : memref<10240x128xf32, #tpu.memory_space<hbm>>) dst(%dma_wait3A_38 : memref<128x128xf32, #tpu.memory_space<vmem>>)
        "tpu.region"() ({
          %run_scoped3A = tpu.sem_alloc : memref<!tpu.dma_semaphore, #tpu.memory_space<semaphore_mem>>
          %dma_start3A = arith.constant 0 : i32
          %dma_start3A_47 = arith.constant 0 : i32
          %dma_start3A_48 = tpu.memref_slice %arg9[%sub3A_35, %dma_start3A, %dma_start3A_47] : memref<2x128x128xf32, #tpu.memory_space<vmem>> -> memref<1x128x128xf32, #tpu.memory_space<vmem>>
          %dma_start3A_49 = tpu.memref_squeeze %dma_start3A_48 : memref<1x128x128xf32, #tpu.memory_space<vmem>> -> memref<128x128xf32, #tpu.memory_space<vmem>>
          %dma_start3A_50 = arith.constant 0 : i32
          %dma_start3A_51 = tpu.memref_slice %arg8[%sub3A_33, %dma_start3A_50] : memref<157x128xi32, #tpu.memory_space<vmem>> -> memref<1x128xi32, #tpu.memory_space<vmem>>
          %dma_start3A_52 = tpu.memref_squeeze %dma_start3A_51 : memref<1x128xi32, #tpu.memory_space<vmem>> -> memref<128xi32, #tpu.memory_space<vmem>>
          %dma_start3A_53 = arith.constant 0 : i32
          %dma_start3A_54 = arith.constant 0 : i32
          %dma_start3A_55 = tpu.memref_slice %arg11[%dma_start3A_53, %dma_start3A_54] : memref<5128x128xf32, #tpu.memory_space<vmem_shared>> -> memref<5128x128xf32, #tpu.memory_space<vmem_shared>>
          tpu.enqueue_indirect_dma source(%dma_start3A_49 : memref<128x128xf32, #tpu.memory_space<vmem>>) target(%dma_start3A_55 : memref<5128x128xf32, #tpu.memory_space<vmem_shared>>) offsets(%dma_start3A_52 : memref<128xi32, #tpu.memory_space<vmem>>) semaphore(%run_scoped3A : memref<!tpu.dma_semaphore, #tpu.memory_space<semaphore_mem>>) {add = true}
          %dma_wait3A_56 = arith.constant 0 : i32
          %dma_wait3A_57 = arith.constant 0 : i32
          %dma_wait3A_58 = tpu.memref_slice %arg9[%sub3A_35, %dma_wait3A_56, %dma_wait3A_57] : memref<2x128x128xf32, #tpu.memory_space<vmem>> -> memref<1x128x128xf32, #tpu.memory_space<vmem>>
          %dma_wait3A_59 = tpu.memref_squeeze %dma_wait3A_58 : memref<1x128x128xf32, #tpu.memory_space<vmem>> -> memref<128x128xf32, #tpu.memory_space<vmem>>
          %dma_wait3A_60 = arith.constant 0 : i32
          %dma_wait3A_61 = tpu.memref_slice %arg8[%sub3A_33, %dma_wait3A_60] : memref<157x128xi32, #tpu.memory_space<vmem>> -> memref<1x128xi32, #tpu.memory_space<vmem>>
          %dma_wait3A_62 = tpu.memref_squeeze %dma_wait3A_61 : memref<1x128xi32, #tpu.memory_space<vmem>> -> memref<128xi32, #tpu.memory_space<vmem>>
          %dma_wait3A_63 = arith.constant 0 : i32
          %dma_wait3A_64 = arith.constant 0 : i32
          %dma_wait3A_65 = tpu.memref_slice %arg11[%dma_wait3A_63, %dma_wait3A_64] : memref<5128x128xf32, #tpu.memory_space<vmem_shared>> -> memref<5128x128xf32, #tpu.memory_space<vmem_shared>>
          tpu.wait_indirect_dma semaphore(%run_scoped3A : memref<!tpu.dma_semaphore, #tpu.memory_space<semaphore_mem>>) src(%dma_wait3A_59 : memref<128x128xf32, #tpu.memory_space<vmem>>) dst(%dma_wait3A_65 : memref<5128x128xf32, #tpu.memory_space<vmem_shared>>)
          tpu.yield
        }) : () -> ()
      } else {
      }
    }
    %scan3A_17 = arith.constant 158 : i32
    %barrier3A_18 = arith.constant 0 : index
    tpu.barrier barrier_id(%barrier3A_18)
    %scan3A_19 = arith.constant 0 : i32
    %scan3A_20 = arith.constant 0 : i32
    %scan3A_21 = arith.constant 5 : i32
    %scan3A_22 = arith.addi %scan3A_20, %scan3A_21 : i32
    %scan3A_23 = arith.constant 1 : i32
    scf.for %scan3A_25 = %scan3A_20 to %scan3A_22 step %scan3A_23  : i32 {
      %mul3A_26 = arith.constant 320 : i32
      %mul3A_27 = arith.muli %arg1, %mul3A_26 : i32
      %mul3A_28 = arith.constant 64 : i32
      %mul3A_29 = arith.muli %scan3A_25, %mul3A_28 : i32
      %add3A = arith.addi %mul3A_27, %mul3A_29 : i32
      "tpu.region"() ({
        %run_scoped3A = tpu.sem_alloc : memref<!tpu.dma_semaphore, #tpu.memory_space<semaphore_mem>>
        %dma_start3A = arith.constant 0 : i32
        %dma_start3A_30 = tpu.memref_slice %arg11[%add3A, %dma_start3A] : memref<5128x128xf32, #tpu.memory_space<vmem_shared>> -> memref<64x128xf32, #tpu.memory_space<vmem_shared>>
        %dma_start3A_31 = arith.constant 0 : i32
        %dma_start3A_32 = tpu.memref_slice %arg11[%add3A, %dma_start3A_31] : memref<5128x128xf32, #tpu.memory_space<vmem_shared>> -> memref<64x128xf32, #tpu.memory_space<vmem_shared>>
        tpu.enqueue_dma source(%dma_start3A_32 : memref<64x128xf32, #tpu.memory_space<vmem_shared>>) target(%arg10 : memref<64x128xf32, #tpu.memory_space<vmem>>) target_semaphore(%run_scoped3A : memref<!tpu.dma_semaphore, #tpu.memory_space<semaphore_mem>>)
        %dma_wait3A = arith.constant 0 : i32
        %dma_wait3A_33 = tpu.memref_slice %arg11[%add3A, %dma_wait3A] : memref<5128x128xf32, #tpu.memory_space<vmem_shared>> -> memref<64x128xf32, #tpu.memory_space<vmem_shared>>
        %dma_wait3A_34 = arith.constant 0 : i32
        %dma_wait3A_35 = tpu.memref_slice %arg11[%add3A, %dma_wait3A_34] : memref<5128x128xf32, #tpu.memory_space<vmem_shared>> -> memref<64x128xf32, #tpu.memory_space<vmem_shared>>
        tpu.wait_dma2 semaphore(%run_scoped3A : memref<!tpu.dma_semaphore, #tpu.memory_space<semaphore_mem>>) src(%dma_wait3A_35 : memref<64x128xf32, #tpu.memory_space<vmem_shared>>) dst(%arg10 : memref<64x128xf32, #tpu.memory_space<vmem>>)
        tpu.yield
      }) : () -> ()
      "tpu.region"() ({
        %run_scoped3A = tpu.sem_alloc : memref<!tpu.dma_semaphore, #tpu.memory_space<semaphore_mem>>
        %dma_start3A = arith.constant 0 : i32
        %dma_start3A_30 = tpu.memref_slice %arg6[%arg0, %add3A, %dma_start3A] : memref<2x5120x128xf32, #tpu.memory_space<hbm>> -> memref<1x64x128xf32, #tpu.memory_space<hbm>>
        %dma_start3A_31 = tpu.memref_squeeze %dma_start3A_30 : memref<1x64x128xf32, #tpu.memory_space<hbm>> -> memref<64x128xf32, #tpu.memory_space<hbm>>
        %dma_start3A_32 = arith.constant 0 : i32
        %dma_start3A_33 = tpu.memref_slice %arg6[%arg0, %add3A, %dma_start3A_32] : memref<2x5120x128xf32, #tpu.memory_space<hbm>> -> memref<1x64x128xf32, #tpu.memory_space<hbm>>
        %dma_start3A_34 = tpu.memref_squeeze %dma_start3A_33 : memref<1x64x128xf32, #tpu.memory_space<hbm>> -> memref<64x128xf32, #tpu.memory_space<hbm>>
        tpu.enqueue_dma source(%arg10 : memref<64x128xf32, #tpu.memory_space<vmem>>) target(%dma_start3A_34 : memref<64x128xf32, #tpu.memory_space<hbm>>) target_semaphore(%run_scoped3A : memref<!tpu.dma_semaphore, #tpu.memory_space<semaphore_mem>>)
        %dma_wait3A = arith.constant 0 : i32
        %dma_wait3A_35 = tpu.memref_slice %arg6[%arg0, %add3A, %dma_wait3A] : memref<2x5120x128xf32, #tpu.memory_space<hbm>> -> memref<1x64x128xf32, #tpu.memory_space<hbm>>
        %dma_wait3A_36 = tpu.memref_squeeze %dma_wait3A_35 : memref<1x64x128xf32, #tpu.memory_space<hbm>> -> memref<64x128xf32, #tpu.memory_space<hbm>>
        %dma_wait3A_37 = arith.constant 0 : i32
        %dma_wait3A_38 = tpu.memref_slice %arg6[%arg0, %add3A, %dma_wait3A_37] : memref<2x5120x128xf32, #tpu.memory_space<hbm>> -> memref<1x64x128xf32, #tpu.memory_space<hbm>>
        %dma_wait3A_39 = tpu.memref_squeeze %dma_wait3A_38 : memref<1x64x128xf32, #tpu.memory_space<hbm>> -> memref<64x128xf32, #tpu.memory_space<hbm>>
        tpu.wait_dma2 semaphore(%run_scoped3A : memref<!tpu.dma_semaphore, #tpu.memory_space<semaphore_mem>>) src(%arg10 : memref<64x128xf32, #tpu.memory_space<vmem>>) dst(%dma_wait3A_39 : memref<64x128xf32, #tpu.memory_space<hbm>>)
        tpu.yield
      }) : () -> ()
    }
    %scan3A_24 = arith.constant 5 : i32
    return
  }
}

#map = affine_map<(d0, d1) -> (0, 0)>
#map1 = affine_map<(d0, d1) -> (0, 0, 0)>
module attributes {stable_mosaic.version = 14 : i64} {
  func.func @_segsum_body(%arg0: i32, %arg1: i32, %arg2: memref<10240x128xf32, #tpu.memory_space<hbm>>, %arg3: memref<16x157x128xi32, #tpu.memory_space<hbm>>, %arg4: memref<16x157x128xi32, #tpu.memory_space<hbm>>, %arg5: memref<64x128xf32, #tpu.memory_space<hbm>>, %arg6: memref<2x5120x128xf32, #tpu.memory_space<hbm>>, %arg7: memref<157x128xi32, #tpu.memory_space<vmem>>, %arg8: memref<157x128xi32, #tpu.memory_space<vmem>>, %arg9: memref<2x128x128xf32, #tpu.memory_space<vmem>>, %arg10: memref<64x128xf32, #tpu.memory_space<vmem>>, %arg11: memref<5128x128xf32, #tpu.memory_space<vmem_shared>>, %arg12: memref<2x!tpu.dma_semaphore, #tpu.memory_space<semaphore_mem>>) attributes {dimension_semantics = [#tpu.dimension_semantics<core_parallel>, #tpu.dimension_semantics<subcore_parallel>], iteration_bounds = array<i64: 2, 16>, scalar_prefetch = 0 : i64, scratch_operands = 6 : i64, tpu.core_type = #tpu.core_type<sc_vector_subcore>, window_params = [{transform_indices = #map}, {transform_indices = #map1}, {transform_indices = #map1}, {transform_indices = #map}, {transform_indices = #map1}]} {
    %mul3A = arith.constant 5120 : i32
    %mul3A_0 = arith.muli %arg0, %mul3A : i32
    "tpu.region"() ({
      %run_scoped3A = tpu.sem_alloc : memref<!tpu.dma_semaphore, #tpu.memory_space<semaphore_mem>>
      tpu.enqueue_dma source(%arg5 : memref<64x128xf32, #tpu.memory_space<hbm>>) target(%arg10 : memref<64x128xf32, #tpu.memory_space<vmem>>) target_semaphore(%run_scoped3A : memref<!tpu.dma_semaphore, #tpu.memory_space<semaphore_mem>>)
      tpu.wait_dma2 semaphore(%run_scoped3A : memref<!tpu.dma_semaphore, #tpu.memory_space<semaphore_mem>>) src(%arg5 : memref<64x128xf32, #tpu.memory_space<hbm>>) dst(%arg10 : memref<64x128xf32, #tpu.memory_space<vmem>>)
      tpu.yield
    }) : () -> ()
    %scan3A = arith.constant 0 : i32
    %scan3A_1 = arith.constant 0 : i32
    %scan3A_2 = arith.constant 5 : i32
    %scan3A_3 = arith.addi %scan3A_1, %scan3A_2 : i32
    %scan3A_4 = arith.constant 1 : i32
    scf.for %scan3A_25 = %scan3A_1 to %scan3A_3 step %scan3A_4  : i32 {
      %mul3A_26 = arith.constant 320 : i32
      %mul3A_27 = arith.muli %arg1, %mul3A_26 : i32
      %mul3A_28 = arith.constant 64 : i32
      %mul3A_29 = arith.muli %scan3A_25, %mul3A_28 : i32
      %add3A = arith.addi %mul3A_27, %mul3A_29 : i32
      "tpu.region"() ({
        %run_scoped3A = tpu.sem_alloc : memref<!tpu.dma_semaphore, #tpu.memory_space<semaphore_mem>>
        %dma_start3A = arith.constant 0 : i32
        %dma_start3A_30 = tpu.memref_slice %arg11[%add3A, %dma_start3A] : memref<5128x128xf32, #tpu.memory_space<vmem_shared>> -> memref<64x128xf32, #tpu.memory_space<vmem_shared>>
        %dma_start3A_31 = arith.constant 0 : i32
        %dma_start3A_32 = tpu.memref_slice %arg11[%add3A, %dma_start3A_31] : memref<5128x128xf32, #tpu.memory_space<vmem_shared>> -> memref<64x128xf32, #tpu.memory_space<vmem_shared>>
        tpu.enqueue_dma source(%arg10 : memref<64x128xf32, #tpu.memory_space<vmem>>) target(%dma_start3A_32 : memref<64x128xf32, #tpu.memory_space<vmem_shared>>) target_semaphore(%run_scoped3A : memref<!tpu.dma_semaphore, #tpu.memory_space<semaphore_mem>>)
        %dma_wait3A = arith.constant 0 : i32
        %dma_wait3A_33 = tpu.memref_slice %arg11[%add3A, %dma_wait3A] : memref<5128x128xf32, #tpu.memory_space<vmem_shared>> -> memref<64x128xf32, #tpu.memory_space<vmem_shared>>
        %dma_wait3A_34 = arith.constant 0 : i32
        %dma_wait3A_35 = tpu.memref_slice %arg11[%add3A, %dma_wait3A_34] : memref<5128x128xf32, #tpu.memory_space<vmem_shared>> -> memref<64x128xf32, #tpu.memory_space<vmem_shared>>
        tpu.wait_dma2 semaphore(%run_scoped3A : memref<!tpu.dma_semaphore, #tpu.memory_space<semaphore_mem>>) src(%arg10 : memref<64x128xf32, #tpu.memory_space<vmem>>) dst(%dma_wait3A_35 : memref<64x128xf32, #tpu.memory_space<vmem_shared>>)
        tpu.yield
      }) : () -> ()
    }
    %scan3A_5 = arith.constant 5 : i32
    "tpu.region"() ({
      %run_scoped3A = tpu.sem_alloc : memref<!tpu.dma_semaphore, #tpu.memory_space<semaphore_mem>>
      %dma_start3A = arith.constant 0 : i32
      %dma_start3A_25 = arith.constant 0 : i32
      %dma_start3A_26 = tpu.memref_slice %arg3[%arg1, %dma_start3A, %dma_start3A_25] : memref<16x157x128xi32, #tpu.memory_space<hbm>> -> memref<1x157x128xi32, #tpu.memory_space<hbm>>
      %dma_start3A_27 = tpu.memref_squeeze %dma_start3A_26 : memref<1x157x128xi32, #tpu.memory_space<hbm>> -> memref<157x128xi32, #tpu.memory_space<hbm>>
      %dma_start3A_28 = arith.constant 0 : i32
      %dma_start3A_29 = arith.constant 0 : i32
      %dma_start3A_30 = tpu.memref_slice %arg3[%arg1, %dma_start3A_28, %dma_start3A_29] : memref<16x157x128xi32, #tpu.memory_space<hbm>> -> memref<1x157x128xi32, #tpu.memory_space<hbm>>
      %dma_start3A_31 = tpu.memref_squeeze %dma_start3A_30 : memref<1x157x128xi32, #tpu.memory_space<hbm>> -> memref<157x128xi32, #tpu.memory_space<hbm>>
      tpu.enqueue_dma source(%dma_start3A_31 : memref<157x128xi32, #tpu.memory_space<hbm>>) target(%arg7 : memref<157x128xi32, #tpu.memory_space<vmem>>) target_semaphore(%run_scoped3A : memref<!tpu.dma_semaphore, #tpu.memory_space<semaphore_mem>>)
      %dma_wait3A = arith.constant 0 : i32
      %dma_wait3A_32 = arith.constant 0 : i32
      %dma_wait3A_33 = tpu.memref_slice %arg3[%arg1, %dma_wait3A, %dma_wait3A_32] : memref<16x157x128xi32, #tpu.memory_space<hbm>> -> memref<1x157x128xi32, #tpu.memory_space<hbm>>
      %dma_wait3A_34 = tpu.memref_squeeze %dma_wait3A_33 : memref<1x157x128xi32, #tpu.memory_space<hbm>> -> memref<157x128xi32, #tpu.memory_space<hbm>>
      %dma_wait3A_35 = arith.constant 0 : i32
      %dma_wait3A_36 = arith.constant 0 : i32
      %dma_wait3A_37 = tpu.memref_slice %arg3[%arg1, %dma_wait3A_35, %dma_wait3A_36] : memref<16x157x128xi32, #tpu.memory_space<hbm>> -> memref<1x157x128xi32, #tpu.memory_space<hbm>>
      %dma_wait3A_38 = tpu.memref_squeeze %dma_wait3A_37 : memref<1x157x128xi32, #tpu.memory_space<hbm>> -> memref<157x128xi32, #tpu.memory_space<hbm>>
      tpu.wait_dma2 semaphore(%run_scoped3A : memref<!tpu.dma_semaphore, #tpu.memory_space<semaphore_mem>>) src(%dma_wait3A_38 : memref<157x128xi32, #tpu.memory_space<hbm>>) dst(%arg7 : memref<157x128xi32, #tpu.memory_space<vmem>>)
      tpu.yield
    }) : () -> ()
    "tpu.region"() ({
      %run_scoped3A = tpu.sem_alloc : memref<!tpu.dma_semaphore, #tpu.memory_space<semaphore_mem>>
      %dma_start3A = arith.constant 0 : i32
      %dma_start3A_25 = arith.constant 0 : i32
      %dma_start3A_26 = tpu.memref_slice %arg4[%arg1, %dma_start3A, %dma_start3A_25] : memref<16x157x128xi32, #tpu.memory_space<hbm>> -> memref<1x157x128xi32, #tpu.memory_space<hbm>>
      %dma_start3A_27 = tpu.memref_squeeze %dma_start3A_26 : memref<1x157x128xi32, #tpu.memory_space<hbm>> -> memref<157x128xi32, #tpu.memory_space<hbm>>
      %dma_start3A_28 = arith.constant 0 : i32
      %dma_start3A_29 = arith.constant 0 : i32
      %dma_start3A_30 = tpu.memref_slice %arg4[%arg1, %dma_start3A_28, %dma_start3A_29] : memref<16x157x128xi32, #tpu.memory_space<hbm>> -> memref<1x157x128xi32, #tpu.memory_space<hbm>>
      %dma_start3A_31 = tpu.memref_squeeze %dma_start3A_30 : memref<1x157x128xi32, #tpu.memory_space<hbm>> -> memref<157x128xi32, #tpu.memory_space<hbm>>
      tpu.enqueue_dma source(%dma_start3A_31 : memref<157x128xi32, #tpu.memory_space<hbm>>) target(%arg8 : memref<157x128xi32, #tpu.memory_space<vmem>>) target_semaphore(%run_scoped3A : memref<!tpu.dma_semaphore, #tpu.memory_space<semaphore_mem>>)
      %dma_wait3A = arith.constant 0 : i32
      %dma_wait3A_32 = arith.constant 0 : i32
      %dma_wait3A_33 = tpu.memref_slice %arg4[%arg1, %dma_wait3A, %dma_wait3A_32] : memref<16x157x128xi32, #tpu.memory_space<hbm>> -> memref<1x157x128xi32, #tpu.memory_space<hbm>>
      %dma_wait3A_34 = tpu.memref_squeeze %dma_wait3A_33 : memref<1x157x128xi32, #tpu.memory_space<hbm>> -> memref<157x128xi32, #tpu.memory_space<hbm>>
      %dma_wait3A_35 = arith.constant 0 : i32
      %dma_wait3A_36 = arith.constant 0 : i32
      %dma_wait3A_37 = tpu.memref_slice %arg4[%arg1, %dma_wait3A_35, %dma_wait3A_36] : memref<16x157x128xi32, #tpu.memory_space<hbm>> -> memref<1x157x128xi32, #tpu.memory_space<hbm>>
      %dma_wait3A_38 = tpu.memref_squeeze %dma_wait3A_37 : memref<1x157x128xi32, #tpu.memory_space<hbm>> -> memref<157x128xi32, #tpu.memory_space<hbm>>
      tpu.wait_dma2 semaphore(%run_scoped3A : memref<!tpu.dma_semaphore, #tpu.memory_space<semaphore_mem>>) src(%dma_wait3A_38 : memref<157x128xi32, #tpu.memory_space<hbm>>) dst(%arg8 : memref<157x128xi32, #tpu.memory_space<vmem>>)
      tpu.yield
    }) : () -> ()
    %scan3A_6 = arith.constant 0 : i32
    %scan3A_7 = arith.constant 0 : i32
    %scan3A_8 = arith.constant 157 : i32
    %scan3A_9 = arith.addi %scan3A_7, %scan3A_8 : i32
    %scan3A_10 = arith.constant 1 : i32
    scf.for %scan3A_25 = %scan3A_7 to %scan3A_9 step %scan3A_10  : i32 {
      %get3A = arith.index_cast %scan3A_25 : i32 to index
      %get3A_26 = arith.constant 0 : index
      %get3A_27 = tpu.vector_load %arg8[%get3A, %get3A_26] {strides = array<i32>} : memref<157x128xi32, #tpu.memory_space<vmem>>, vector<1x16xi32>,
      %get3A_28 = vector.shape_cast %get3A_27 : vector<1x16xi32> to vector<16xi32>
      %sub3A = vector.broadcast %mul3A_0 : i32 to vector<16xi32>
      %sub3A_29 = arith.subi %get3A_28, %sub3A : vector<16xi32>
      %lt3A = arith.constant 0 : i32
      %lt3A_30 = vector.broadcast %lt3A : i32 to vector<16xi32>
      %lt3A_31 = arith.cmpi slt, %sub3A_29, %lt3A_30 : vector<16xi32>
      %ge3A = arith.constant 5120 : i32
      %ge3A_32 = vector.broadcast %ge3A : i32 to vector<16xi32>
      %ge3A_33 = arith.cmpi sge, %sub3A_29, %ge3A_32 : vector<16xi32>
      %or3A = arith.ori %lt3A_31, %ge3A_33 : vector<16xi1>
      %jit3A = arith.constant 5120 : i32
      %broadcast_in_dim3A = vector.broadcast %jit3A : i32 to vector<16xi32>
      %select_n3A = arith.select %or3A, %broadcast_in_dim3A, %sub3A_29 : vector<16xi1>, vector<16xi32>
      %swap3A = arith.index_cast %scan3A_25 : i32 to index
      %swap3A_34 = arith.constant 0 : index
      %swap3A_35 = tpu.vector_load %arg8[%swap3A, %swap3A_34] {strides = array<i32>} : memref<157x128xi32, #tpu.memory_space<vmem>>, vector<1x16xi32>,
      %swap3A_36 = vector.shape_cast %swap3A_35 : vector<1x16xi32> to vector<16xi32>
      %swap3A_37 = vector.shape_cast %select_n3A : vector<16xi32> to vector<1x16xi32>
      tpu.vector_store %arg8[%swap3A, %swap3A_34], %swap3A_37 {strides = array<i32>} : memref<157x128xi32, #tpu.memory_space<vmem>>, vector<1x16xi32>,
      %get3A_38 = arith.index_cast %scan3A_25 : i32 to index
      %get3A_39 = arith.constant 16 : index
      %get3A_40 = tpu.vector_load %arg8[%get3A_38, %get3A_39] {strides = array<i32>} : memref<157x128xi32, #tpu.memory_space<vmem>>, vector<1x16xi32>,
      %get3A_41 = vector.shape_cast %get3A_40 : vector<1x16xi32> to vector<16xi32>
      %sub3A_42 = vector.broadcast %mul3A_0 : i32 to vector<16xi32>
      %sub3A_43 = arith.subi %get3A_41, %sub3A_42 : vector<16xi32>
      %lt3A_44 = arith.constant 0 : i32
      %lt3A_45 = vector.broadcast %lt3A_44 : i32 to vector<16xi32>
      %lt3A_46 = arith.cmpi slt, %sub3A_43, %lt3A_45 : vector<16xi32>
      %ge3A_47 = arith.constant 5120 : i32
      %ge3A_48 = vector.broadcast %ge3A_47 : i32 to vector<16xi32>
      %ge3A_49 = arith.cmpi sge, %sub3A_43, %ge3A_48 : vector<16xi32>
      %or3A_50 = arith.ori %lt3A_46, %ge3A_49 : vector<16xi1>
      %jit3A_51 = arith.constant 5120 : i32
      %broadcast_in_dim3A_52 = vector.broadcast %jit3A_51 : i32 to vector<16xi32>
      %select_n3A_53 = arith.select %or3A_50, %broadcast_in_dim3A_52, %sub3A_43 : vector<16xi1>, vector<16xi32>
      %swap3A_54 = arith.index_cast %scan3A_25 : i32 to index
      %swap3A_55 = arith.constant 16 : index
      %swap3A_56 = tpu.vector_load %arg8[%swap3A_54, %swap3A_55] {strides = array<i32>} : memref<157x128xi32, #tpu.memory_space<vmem>>, vector<1x16xi32>,
      %swap3A_57 = vector.shape_cast %swap3A_56 : vector<1x16xi32> to vector<16xi32>
      %swap3A_58 = vector.shape_cast %select_n3A_53 : vector<16xi32> to vector<1x16xi32>
      tpu.vector_store %arg8[%swap3A_54, %swap3A_55], %swap3A_58 {strides = array<i32>} : memref<157x128xi32, #tpu.memory_space<vmem>>, vector<1x16xi32>,
      %get3A_59 = arith.index_cast %scan3A_25 : i32 to index
      %get3A_60 = arith.constant 32 : index
      %get3A_61 = tpu.vector_load %arg8[%get3A_59, %get3A_60] {strides = array<i32>} : memref<157x128xi32, #tpu.memory_space<vmem>>, vector<1x16xi32>,
      %get3A_62 = vector.shape_cast %get3A_61 : vector<1x16xi32> to vector<16xi32>
      %sub3A_63 = vector.broadcast %mul3A_0 : i32 to vector<16xi32>
      %sub3A_64 = arith.subi %get3A_62, %sub3A_63 : vector<16xi32>
      %lt3A_65 = arith.constant 0 : i32
      %lt3A_66 = vector.broadcast %lt3A_65 : i32 to vector<16xi32>
      %lt3A_67 = arith.cmpi slt, %sub3A_64, %lt3A_66 : vector<16xi32>
      %ge3A_68 = arith.constant 5120 : i32
      %ge3A_69 = vector.broadcast %ge3A_68 : i32 to vector<16xi32>
      %ge3A_70 = arith.cmpi sge, %sub3A_64, %ge3A_69 : vector<16xi32>
      %or3A_71 = arith.ori %lt3A_67, %ge3A_70 : vector<16xi1>
      %jit3A_72 = arith.constant 5120 : i32
      %broadcast_in_dim3A_73 = vector.broadcast %jit3A_72 : i32 to vector<16xi32>
      %select_n3A_74 = arith.select %or3A_71, %broadcast_in_dim3A_73, %sub3A_64 : vector<16xi1>, vector<16xi32>
      %swap3A_75 = arith.index_cast %scan3A_25 : i32 to index
      %swap3A_76 = arith.constant 32 : index
      %swap3A_77 = tpu.vector_load %arg8[%swap3A_75, %swap3A_76] {strides = array<i32>} : memref<157x128xi32, #tpu.memory_space<vmem>>, vector<1x16xi32>,
      %swap3A_78 = vector.shape_cast %swap3A_77 : vector<1x16xi32> to vector<16xi32>
      %swap3A_79 = vector.shape_cast %select_n3A_74 : vector<16xi32> to vector<1x16xi32>
      tpu.vector_store %arg8[%swap3A_75, %swap3A_76], %swap3A_79 {strides = array<i32>} : memref<157x128xi32, #tpu.memory_space<vmem>>, vector<1x16xi32>,
      %get3A_80 = arith.index_cast %scan3A_25 : i32 to index
      %get3A_81 = arith.constant 48 : index
      %get3A_82 = tpu.vector_load %arg8[%get3A_80, %get3A_81] {strides = array<i32>} : memref<157x128xi32, #tpu.memory_space<vmem>>, vector<1x16xi32>,
      %get3A_83 = vector.shape_cast %get3A_82 : vector<1x16xi32> to vector<16xi32>
      %sub3A_84 = vector.broadcast %mul3A_0 : i32 to vector<16xi32>
      %sub3A_85 = arith.subi %get3A_83, %sub3A_84 : vector<16xi32>
      %lt3A_86 = arith.constant 0 : i32
      %lt3A_87 = vector.broadcast %lt3A_86 : i32 to vector<16xi32>
      %lt3A_88 = arith.cmpi slt, %sub3A_85, %lt3A_87 : vector<16xi32>
      %ge3A_89 = arith.constant 5120 : i32
      %ge3A_90 = vector.broadcast %ge3A_89 : i32 to vector<16xi32>
      %ge3A_91 = arith.cmpi sge, %sub3A_85, %ge3A_90 : vector<16xi32>
      %or3A_92 = arith.ori %lt3A_88, %ge3A_91 : vector<16xi1>
      %jit3A_93 = arith.constant 5120 : i32
      %broadcast_in_dim3A_94 = vector.broadcast %jit3A_93 : i32 to vector<16xi32>
      %select_n3A_95 = arith.select %or3A_92, %broadcast_in_dim3A_94, %sub3A_85 : vector<16xi1>, vector<16xi32>
      %swap3A_96 = arith.index_cast %scan3A_25 : i32 to index
      %swap3A_97 = arith.constant 48 : index
      %swap3A_98 = tpu.vector_load %arg8[%swap3A_96, %swap3A_97] {strides = array<i32>} : memref<157x128xi32, #tpu.memory_space<vmem>>, vector<1x16xi32>,
      %swap3A_99 = vector.shape_cast %swap3A_98 : vector<1x16xi32> to vector<16xi32>
      %swap3A_100 = vector.shape_cast %select_n3A_95 : vector<16xi32> to vector<1x16xi32>
      tpu.vector_store %arg8[%swap3A_96, %swap3A_97], %swap3A_100 {strides = array<i32>} : memref<157x128xi32, #tpu.memory_space<vmem>>, vector<1x16xi32>,
      %get3A_101 = arith.index_cast %scan3A_25 : i32 to index
      %get3A_102 = arith.constant 64 : index
      %get3A_103 = tpu.vector_load %arg8[%get3A_101, %get3A_102] {strides = array<i32>} : memref<157x128xi32, #tpu.memory_space<vmem>>, vector<1x16xi32>,
      %get3A_104 = vector.shape_cast %get3A_103 : vector<1x16xi32> to vector<16xi32>
      %sub3A_105 = vector.broadcast %mul3A_0 : i32 to vector<16xi32>
      %sub3A_106 = arith.subi %get3A_104, %sub3A_105 : vector<16xi32>
      %lt3A_107 = arith.constant 0 : i32
      %lt3A_108 = vector.broadcast %lt3A_107 : i32 to vector<16xi32>
      %lt3A_109 = arith.cmpi slt, %sub3A_106, %lt3A_108 : vector<16xi32>
      %ge3A_110 = arith.constant 5120 : i32
      %ge3A_111 = vector.broadcast %ge3A_110 : i32 to vector<16xi32>
      %ge3A_112 = arith.cmpi sge, %sub3A_106, %ge3A_111 : vector<16xi32>
      %or3A_113 = arith.ori %lt3A_109, %ge3A_112 : vector<16xi1>
      %jit3A_114 = arith.constant 5120 : i32
      %broadcast_in_dim3A_115 = vector.broadcast %jit3A_114 : i32 to vector<16xi32>
      %select_n3A_116 = arith.select %or3A_113, %broadcast_in_dim3A_115, %sub3A_106 : vector<16xi1>, vector<16xi32>
      %swap3A_117 = arith.index_cast %scan3A_25 : i32 to index
      %swap3A_118 = arith.constant 64 : index
      %swap3A_119 = tpu.vector_load %arg8[%swap3A_117, %swap3A_118] {strides = array<i32>} : memref<157x128xi32, #tpu.memory_space<vmem>>, vector<1x16xi32>,
      %swap3A_120 = vector.shape_cast %swap3A_119 : vector<1x16xi32> to vector<16xi32>
      %swap3A_121 = vector.shape_cast %select_n3A_116 : vector<16xi32> to vector<1x16xi32>
      tpu.vector_store %arg8[%swap3A_117, %swap3A_118], %swap3A_121 {strides = array<i32>} : memref<157x128xi32, #tpu.memory_space<vmem>>, vector<1x16xi32>,
      %get3A_122 = arith.index_cast %scan3A_25 : i32 to index
      %get3A_123 = arith.constant 80 : index
      %get3A_124 = tpu.vector_load %arg8[%get3A_122, %get3A_123] {strides = array<i32>} : memref<157x128xi32, #tpu.memory_space<vmem>>, vector<1x16xi32>,
      %get3A_125 = vector.shape_cast %get3A_124 : vector<1x16xi32> to vector<16xi32>
      %sub3A_126 = vector.broadcast %mul3A_0 : i32 to vector<16xi32>
      %sub3A_127 = arith.subi %get3A_125, %sub3A_126 : vector<16xi32>
      %lt3A_128 = arith.constant 0 : i32
      %lt3A_129 = vector.broadcast %lt3A_128 : i32 to vector<16xi32>
      %lt3A_130 = arith.cmpi slt, %sub3A_127, %lt3A_129 : vector<16xi32>
      %ge3A_131 = arith.constant 5120 : i32
      %ge3A_132 = vector.broadcast %ge3A_131 : i32 to vector<16xi32>
      %ge3A_133 = arith.cmpi sge, %sub3A_127, %ge3A_132 : vector<16xi32>
      %or3A_134 = arith.ori %lt3A_130, %ge3A_133 : vector<16xi1>
      %jit3A_135 = arith.constant 5120 : i32
      %broadcast_in_dim3A_136 = vector.broadcast %jit3A_135 : i32 to vector<16xi32>
      %select_n3A_137 = arith.select %or3A_134, %broadcast_in_dim3A_136, %sub3A_127 : vector<16xi1>, vector<16xi32>
      %swap3A_138 = arith.index_cast %scan3A_25 : i32 to index
      %swap3A_139 = arith.constant 80 : index
      %swap3A_140 = tpu.vector_load %arg8[%swap3A_138, %swap3A_139] {strides = array<i32>} : memref<157x128xi32, #tpu.memory_space<vmem>>, vector<1x16xi32>,
      %swap3A_141 = vector.shape_cast %swap3A_140 : vector<1x16xi32> to vector<16xi32>
      %swap3A_142 = vector.shape_cast %select_n3A_137 : vector<16xi32> to vector<1x16xi32>
      tpu.vector_store %arg8[%swap3A_138, %swap3A_139], %swap3A_142 {strides = array<i32>} : memref<157x128xi32, #tpu.memory_space<vmem>>, vector<1x16xi32>,
      %get3A_143 = arith.index_cast %scan3A_25 : i32 to index
      %get3A_144 = arith.constant 96 : index
      %get3A_145 = tpu.vector_load %arg8[%get3A_143, %get3A_144] {strides = array<i32>} : memref<157x128xi32, #tpu.memory_space<vmem>>, vector<1x16xi32>,
      %get3A_146 = vector.shape_cast %get3A_145 : vector<1x16xi32> to vector<16xi32>
      %sub3A_147 = vector.broadcast %mul3A_0 : i32 to vector<16xi32>
      %sub3A_148 = arith.subi %get3A_146, %sub3A_147 : vector<16xi32>
      %lt3A_149 = arith.constant 0 : i32
      %lt3A_150 = vector.broadcast %lt3A_149 : i32 to vector<16xi32>
      %lt3A_151 = arith.cmpi slt, %sub3A_148, %lt3A_150 : vector<16xi32>
      %ge3A_152 = arith.constant 5120 : i32
      %ge3A_153 = vector.broadcast %ge3A_152 : i32 to vector<16xi32>
      %ge3A_154 = arith.cmpi sge, %sub3A_148, %ge3A_153 : vector<16xi32>
      %or3A_155 = arith.ori %lt3A_151, %ge3A_154 : vector<16xi1>
      %jit3A_156 = arith.constant 5120 : i32
      %broadcast_in_dim3A_157 = vector.broadcast %jit3A_156 : i32 to vector<16xi32>
      %select_n3A_158 = arith.select %or3A_155, %broadcast_in_dim3A_157, %sub3A_148 : vector<16xi1>, vector<16xi32>
      %swap3A_159 = arith.index_cast %scan3A_25 : i32 to index
      %swap3A_160 = arith.constant 96 : index
      %swap3A_161 = tpu.vector_load %arg8[%swap3A_159, %swap3A_160] {strides = array<i32>} : memref<157x128xi32, #tpu.memory_space<vmem>>, vector<1x16xi32>,
      %swap3A_162 = vector.shape_cast %swap3A_161 : vector<1x16xi32> to vector<16xi32>
      %swap3A_163 = vector.shape_cast %select_n3A_158 : vector<16xi32> to vector<1x16xi32>
      tpu.vector_store %arg8[%swap3A_159, %swap3A_160], %swap3A_163 {strides = array<i32>} : memref<157x128xi32, #tpu.memory_space<vmem>>, vector<1x16xi32>,
      %get3A_164 = arith.index_cast %scan3A_25 : i32 to index
      %get3A_165 = arith.constant 112 : index
      %get3A_166 = tpu.vector_load %arg8[%get3A_164, %get3A_165] {strides = array<i32>} : memref<157x128xi32, #tpu.memory_space<vmem>>, vector<1x16xi32>,
      %get3A_167 = vector.shape_cast %get3A_166 : vector<1x16xi32> to vector<16xi32>
      %sub3A_168 = vector.broadcast %mul3A_0 : i32 to vector<16xi32>
      %sub3A_169 = arith.subi %get3A_167, %sub3A_168 : vector<16xi32>
      %lt3A_170 = arith.constant 0 : i32
      %lt3A_171 = vector.broadcast %lt3A_170 : i32 to vector<16xi32>
      %lt3A_172 = arith.cmpi slt, %sub3A_169, %lt3A_171 : vector<16xi32>
      %ge3A_173 = arith.constant 5120 : i32
      %ge3A_174 = vector.broadcast %ge3A_173 : i32 to vector<16xi32>
      %ge3A_175 = arith.cmpi sge, %sub3A_169, %ge3A_174 : vector<16xi32>
      %or3A_176 = arith.ori %lt3A_172, %ge3A_175 : vector<16xi1>
      %jit3A_177 = arith.constant 5120 : i32
      %broadcast_in_dim3A_178 = vector.broadcast %jit3A_177 : i32 to vector<16xi32>
      %select_n3A_179 = arith.select %or3A_176, %broadcast_in_dim3A_178, %sub3A_169 : vector<16xi1>, vector<16xi32>
      %swap3A_180 = arith.index_cast %scan3A_25 : i32 to index
      %swap3A_181 = arith.constant 112 : index
      %swap3A_182 = tpu.vector_load %arg8[%swap3A_180, %swap3A_181] {strides = array<i32>} : memref<157x128xi32, #tpu.memory_space<vmem>>, vector<1x16xi32>,
      %swap3A_183 = vector.shape_cast %swap3A_182 : vector<1x16xi32> to vector<16xi32>
      %swap3A_184 = vector.shape_cast %select_n3A_179 : vector<16xi32> to vector<1x16xi32>
      tpu.vector_store %arg8[%swap3A_180, %swap3A_181], %swap3A_184 {strides = array<i32>} : memref<157x128xi32, #tpu.memory_space<vmem>>, vector<1x16xi32>,
    }
    %scan3A_11 = arith.constant 157 : i32
    %barrier3A = arith.constant 0 : index
    tpu.barrier barrier_id(%barrier3A)
    %scan3A_12 = arith.constant 0 : i32
    %scan3A_13 = arith.constant 0 : i32
    %scan3A_14 = arith.constant 158 : i32
    %scan3A_15 = arith.addi %scan3A_13, %scan3A_14 : i32
    %scan3A_16 = arith.constant 1 : i32
    scf.for %scan3A_25 = %scan3A_13 to %scan3A_15 step %scan3A_16  : i32 {
      %rem3A = arith.constant 2 : i32
      %rem3A_26 = arith.remsi %scan3A_25, %rem3A : i32
      %lt3A = arith.constant 157 : i32
      %lt3A_27 = arith.cmpi slt, %scan3A_25, %lt3A : i32
      %convert_element_type3A = arith.extui %lt3A_27 : i1 to i32
      %cond3A = arith.constant 0 : i32
      %cond3A_28 = arith.cmpi ne, %convert_element_type3A, %cond3A : i32
      scf.if %cond3A_28 {
        %dma_start3A = arith.constant 0 : i32
        %dma_start3A_33 = arith.constant 0 : i32
        %dma_start3A_34 = tpu.memref_slice %arg9[%rem3A_26, %dma_start3A, %dma_start3A_33] : memref<2x128x128xf32, #tpu.memory_space<vmem>> -> memref<1x128x128xf32, #tpu.memory_space<vmem>>
        %dma_start3A_35 = tpu.memref_squeeze %dma_start3A_34 : memref<1x128x128xf32, #tpu.memory_space<vmem>> -> memref<128x128xf32, #tpu.memory_space<vmem>>
        %dma_start3A_36 = arith.constant 0 : i32
        %dma_start3A_37 = tpu.memref_slice %arg7[%scan3A_25, %dma_start3A_36] : memref<157x128xi32, #tpu.memory_space<vmem>> -> memref<1x128xi32, #tpu.memory_space<vmem>>
        %dma_start3A_38 = tpu.memref_squeeze %dma_start3A_37 : memref<1x128xi32, #tpu.memory_space<vmem>> -> memref<128xi32, #tpu.memory_space<vmem>>
        %dma_start3A_39 = arith.constant 0 : i32
        %dma_start3A_40 = arith.constant 0 : i32
        %dma_start3A_41 = tpu.memref_slice %arg2[%dma_start3A_39, %dma_start3A_40] : memref<10240x128xf32, #tpu.memory_space<hbm>> -> memref<10240x128xf32, #tpu.memory_space<hbm>>
        %dma_start3A_42 = tpu.memref_slice %arg12[%rem3A_26] : memref<2x!tpu.dma_semaphore, #tpu.memory_space<semaphore_mem>> -> memref<1x!tpu.dma_semaphore, #tpu.memory_space<semaphore_mem>>
        %dma_start3A_43 = tpu.memref_squeeze %dma_start3A_42 : memref<1x!tpu.dma_semaphore, #tpu.memory_space<semaphore_mem>> -> memref<!tpu.dma_semaphore, #tpu.memory_space<semaphore_mem>>
        tpu.enqueue_indirect_dma source(%dma_start3A_41 : memref<10240x128xf32, #tpu.memory_space<hbm>>) target(%dma_start3A_35 : memref<128x128xf32, #tpu.memory_space<vmem>>) offsets(%dma_start3A_38 : memref<128xi32, #tpu.memory_space<vmem>>) semaphore(%dma_start3A_43 : memref<!tpu.dma_semaphore, #tpu.memory_space<semaphore_mem>>)
      } else {
      }
      %gt3A = arith.constant 0 : i32
      %gt3A_29 = arith.cmpi sgt, %scan3A_25, %gt3A : i32
      %convert_element_type3A_30 = arith.extui %gt3A_29 : i1 to i32
      %cond3A_31 = arith.constant 0 : i32
      %cond3A_32 = arith.cmpi ne, %convert_element_type3A_30, %cond3A_31 : i32
      scf.if %cond3A_32 {
        %sub3A = arith.constant 1 : i32
        %sub3A_33 = arith.subi %scan3A_25, %sub3A : i32
        %sub3A_34 = arith.constant 1 : i32
        %sub3A_35 = arith.subi %sub3A_34, %rem3A_26 : i32
        %dma_wait3A = arith.constant 0 : i32
        %dma_wait3A_36 = arith.constant 0 : i32
        %dma_wait3A_37 = tpu.memref_slice %arg9[%sub3A_35, %dma_wait3A, %dma_wait3A_36] : memref<2x128x128xf32, #tpu.memory_space<vmem>> -> memref<1x128x128xf32, #tpu.memory_space<vmem>>
        %dma_wait3A_38 = tpu.memref_squeeze %dma_wait3A_37 : memref<1x128x128xf32, #tpu.memory_space<vmem>> -> memref<128x128xf32, #tpu.memory_space<vmem>>
        %dma_wait3A_39 = arith.constant 0 : i32
        %dma_wait3A_40 = tpu.memref_slice %arg7[%sub3A_33, %dma_wait3A_39] : memref<157x128xi32, #tpu.memory_space<vmem>> -> memref<1x128xi32, #tpu.memory_space<vmem>>
        %dma_wait3A_41 = tpu.memref_squeeze %dma_wait3A_40 : memref<1x128xi32, #tpu.memory_space<vmem>> -> memref<128xi32, #tpu.memory_space<vmem>>
        %dma_wait3A_42 = arith.constant 0 : i32
        %dma_wait3A_43 = arith.constant 0 : i32
        %dma_wait3A_44 = tpu.memref_slice %arg2[%dma_wait3A_42, %dma_wait3A_43] : memref<10240x128xf32, #tpu.memory_space<hbm>> -> memref<10240x128xf32, #tpu.memory_space<hbm>>
        %dma_wait3A_45 = tpu.memref_slice %arg12[%sub3A_35] : memref<2x!tpu.dma_semaphore, #tpu.memory_space<semaphore_mem>> -> memref<1x!tpu.dma_semaphore, #tpu.memory_space<semaphore_mem>>
        %dma_wait3A_46 = tpu.memref_squeeze %dma_wait3A_45 : memref<1x!tpu.dma_semaphore, #tpu.memory_space<semaphore_mem>> -> memref<!tpu.dma_semaphore, #tpu.memory_space<semaphore_mem>>
        tpu.wait_indirect_dma semaphore(%dma_wait3A_46 : memref<!tpu.dma_semaphore, #tpu.memory_space<semaphore_mem>>) src(%dma_wait3A_44 : memref<10240x128xf32, #tpu.memory_space<hbm>>) dst(%dma_wait3A_38 : memref<128x128xf32, #tpu.memory_space<vmem>>)
        "tpu.region"() ({
          %run_scoped3A = tpu.sem_alloc : memref<!tpu.dma_semaphore, #tpu.memory_space<semaphore_mem>>
          %dma_start3A = arith.constant 0 : i32
          %dma_start3A_47 = arith.constant 0 : i32
          %dma_start3A_48 = tpu.memref_slice %arg9[%sub3A_35, %dma_start3A, %dma_start3A_47] : memref<2x128x128xf32, #tpu.memory_space<vmem>> -> memref<1x128x128xf32, #tpu.memory_space<vmem>>
          %dma_start3A_49 = tpu.memref_squeeze %dma_start3A_48 : memref<1x128x128xf32, #tpu.memory_space<vmem>> -> memref<128x128xf32, #tpu.memory_space<vmem>>
          %dma_start3A_50 = arith.constant 0 : i32
          %dma_start3A_51 = tpu.memref_slice %arg8[%sub3A_33, %dma_start3A_50] : memref<157x128xi32, #tpu.memory_space<vmem>> -> memref<1x128xi32, #tpu.memory_space<vmem>>
          %dma_start3A_52 = tpu.memref_squeeze %dma_start3A_51 : memref<1x128xi32, #tpu.memory_space<vmem>> -> memref<128xi32, #tpu.memory_space<vmem>>
          %dma_start3A_53 = arith.constant 0 : i32
          %dma_start3A_54 = arith.constant 0 : i32
          %dma_start3A_55 = tpu.memref_slice %arg11[%dma_start3A_53, %dma_start3A_54] : memref<5128x128xf32, #tpu.memory_space<vmem_shared>> -> memref<5128x128xf32, #tpu.memory_space<vmem_shared>>
          tpu.enqueue_indirect_dma source(%dma_start3A_49 : memref<128x128xf32, #tpu.memory_space<vmem>>) target(%dma_start3A_55 : memref<5128x128xf32, #tpu.memory_space<vmem_shared>>) offsets(%dma_start3A_52 : memref<128xi32, #tpu.memory_space<vmem>>) semaphore(%run_scoped3A : memref<!tpu.dma_semaphore, #tpu.memory_space<semaphore_mem>>) {add = true}
          %dma_wait3A_56 = arith.constant 0 : i32
          %dma_wait3A_57 = arith.constant 0 : i32
          %dma_wait3A_58 = tpu.memref_slice %arg9[%sub3A_35, %dma_wait3A_56, %dma_wait3A_57] : memref<2x128x128xf32, #tpu.memory_space<vmem>> -> memref<1x128x128xf32, #tpu.memory_space<vmem>>
          %dma_wait3A_59 = tpu.memref_squeeze %dma_wait3A_58 : memref<1x128x128xf32, #tpu.memory_space<vmem>> -> memref<128x128xf32, #tpu.memory_space<vmem>>
          %dma_wait3A_60 = arith.constant 0 : i32
          %dma_wait3A_61 = tpu.memref_slice %arg8[%sub3A_33, %dma_wait3A_60] : memref<157x128xi32, #tpu.memory_space<vmem>> -> memref<1x128xi32, #tpu.memory_space<vmem>>
          %dma_wait3A_62 = tpu.memref_squeeze %dma_wait3A_61 : memref<1x128xi32, #tpu.memory_space<vmem>> -> memref<128xi32, #tpu.memory_space<vmem>>
          %dma_wait3A_63 = arith.constant 0 : i32
          %dma_wait3A_64 = arith.constant 0 : i32
          %dma_wait3A_65 = tpu.memref_slice %arg11[%dma_wait3A_63, %dma_wait3A_64] : memref<5128x128xf32, #tpu.memory_space<vmem_shared>> -> memref<5128x128xf32, #tpu.memory_space<vmem_shared>>
          tpu.wait_indirect_dma semaphore(%run_scoped3A : memref<!tpu.dma_semaphore, #tpu.memory_space<semaphore_mem>>) src(%dma_wait3A_59 : memref<128x128xf32, #tpu.memory_space<vmem>>) dst(%dma_wait3A_65 : memref<5128x128xf32, #tpu.memory_space<vmem_shared>>)
          tpu.yield
        }) : () -> ()
      } else {
      }
    }
    %scan3A_17 = arith.constant 158 : i32
    %barrier3A_18 = arith.constant 0 : index
    tpu.barrier barrier_id(%barrier3A_18)
    %scan3A_19 = arith.constant 0 : i32
    %scan3A_20 = arith.constant 0 : i32
    %scan3A_21 = arith.constant 5 : i32
    %scan3A_22 = arith.addi %scan3A_20, %scan3A_21 : i32
    %scan3A_23 = arith.constant 1 : i32
    scf.for %scan3A_25 = %scan3A_20 to %scan3A_22 step %scan3A_23  : i32 {
      %mul3A_26 = arith.constant 320 : i32
      %mul3A_27 = arith.muli %arg1, %mul3A_26 : i32
      %mul3A_28 = arith.constant 64 : i32
      %mul3A_29 = arith.muli %scan3A_25, %mul3A_28 : i32
      %add3A = arith.addi %mul3A_27, %mul3A_29 : i32
      "tpu.region"() ({
        %run_scoped3A = tpu.sem_alloc : memref<!tpu.dma_semaphore, #tpu.memory_space<semaphore_mem>>
        %dma_start3A = arith.constant 0 : i32
        %dma_start3A_30 = tpu.memref_slice %arg11[%add3A, %dma_start3A] : memref<5128x128xf32, #tpu.memory_space<vmem_shared>> -> memref<64x128xf32, #tpu.memory_space<vmem_shared>>
        %dma_start3A_31 = arith.constant 0 : i32
        %dma_start3A_32 = tpu.memref_slice %arg11[%add3A, %dma_start3A_31] : memref<5128x128xf32, #tpu.memory_space<vmem_shared>> -> memref<64x128xf32, #tpu.memory_space<vmem_shared>>
        tpu.enqueue_dma source(%dma_start3A_32 : memref<64x128xf32, #tpu.memory_space<vmem_shared>>) target(%arg10 : memref<64x128xf32, #tpu.memory_space<vmem>>) target_semaphore(%run_scoped3A : memref<!tpu.dma_semaphore, #tpu.memory_space<semaphore_mem>>)
        %dma_wait3A = arith.constant 0 : i32
        %dma_wait3A_33 = tpu.memref_slice %arg11[%add3A, %dma_wait3A] : memref<5128x128xf32, #tpu.memory_space<vmem_shared>> -> memref<64x128xf32, #tpu.memory_space<vmem_shared>>
        %dma_wait3A_34 = arith.constant 0 : i32
        %dma_wait3A_35 = tpu.memref_slice %arg11[%add3A, %dma_wait3A_34] : memref<5128x128xf32, #tpu.memory_space<vmem_shared>> -> memref<64x128xf32, #tpu.memory_space<vmem_shared>>
        tpu.wait_dma2 semaphore(%run_scoped3A : memref<!tpu.dma_semaphore, #tpu.memory_space<semaphore_mem>>) src(%dma_wait3A_35 : memref<64x128xf32, #tpu.memory_space<vmem_shared>>) dst(%arg10 : memref<64x128xf32, #tpu.memory_space<vmem>>)
        tpu.yield
      }) : () -> ()
      "tpu.region"() ({
        %run_scoped3A = tpu.sem_alloc : memref<!tpu.dma_semaphore, #tpu.memory_space<semaphore_mem>>
        %dma_start3A = arith.constant 0 : i32
        %dma_start3A_30 = tpu.memref_slice %arg6[%arg0, %add3A, %dma_start3A] : memref<2x5120x128xf32, #tpu.memory_space<hbm>> -> memref<1x64x128xf32, #tpu.memory_space<hbm>>
        %dma_start3A_31 = tpu.memref_squeeze %dma_start3A_30 : memref<1x64x128xf32, #tpu.memory_space<hbm>> -> memref<64x128xf32, #tpu.memory_space<hbm>>
        %dma_start3A_32 = arith.constant 0 : i32
        %dma_start3A_33 = tpu.memref_slice %arg6[%arg0, %add3A, %dma_start3A_32] : memref<2x5120x128xf32, #tpu.memory_space<hbm>> -> memref<1x64x128xf32, #tpu.memory_space<hbm>>
        %dma_start3A_34 = tpu.memref_squeeze %dma_start3A_33 : memref<1x64x128xf32, #tpu.memory_space<hbm>> -> memref<64x128xf32, #tpu.memory_space<hbm>>
        tpu.enqueue_dma source(%arg10 : memref<64x128xf32, #tpu.memory_space<vmem>>) target(%dma_start3A_34 : memref<64x128xf32, #tpu.memory_space<hbm>>) target_semaphore(%run_scoped3A : memref<!tpu.dma_semaphore, #tpu.memory_space<semaphore_mem>>)
        %dma_wait3A = arith.constant 0 : i32
        %dma_wait3A_35 = tpu.memref_slice %arg6[%arg0, %add3A, %dma_wait3A] : memref<2x5120x128xf32, #tpu.memory_space<hbm>> -> memref<1x64x128xf32, #tpu.memory_space<hbm>>
        %dma_wait3A_36 = tpu.memref_squeeze %dma_wait3A_35 : memref<1x64x128xf32, #tpu.memory_space<hbm>> -> memref<64x128xf32, #tpu.memory_space<hbm>>
        %dma_wait3A_37 = arith.constant 0 : i32
        %dma_wait3A_38 = tpu.memref_slice %arg6[%arg0, %add3A, %dma_wait3A_37] : memref<2x5120x128xf32, #tpu.memory_space<hbm>> -> memref<1x64x128xf32, #tpu.memory_space<hbm>>
        %dma_wait3A_39 = tpu.memref_squeeze %dma_wait3A_38 : memref<1x64x128xf32, #tpu.memory_space<hbm>> -> memref<64x128xf32, #tpu.memory_space<hbm>>
        tpu.wait_dma2 semaphore(%run_scoped3A : memref<!tpu.dma_semaphore, #tpu.memory_space<semaphore_mem>>) src(%arg10 : memref<64x128xf32, #tpu.memory_space<vmem>>) dst(%dma_wait3A_39 : memref<64x128xf32, #tpu.memory_space<hbm>>)
        tpu.yield
      }) : () -> ()
    }
    %scan3A_24 = arith.constant 5 : i32
    return
  }
}

module attributes {stable_mosaic.version = 14 : i64} {
  func.func @_mlp_body(%arg0: i32, %arg1: memref<640x128xf32, #tpu.memory_space<vmem>>, %arg2: memref<1x640x128xf32, #tpu.memory_space<vmem>>, %arg3: memref<128x128xf32, #tpu.memory_space<vmem>>, %arg4: memref<1x128xf32, #tpu.memory_space<vmem>>, %arg5: memref<128x128xf32, #tpu.memory_space<vmem>>, %arg6: memref<1x128xf32, #tpu.memory_space<vmem>>, %arg7: memref<640x128xf32, #tpu.memory_space<vmem>>) attributes {dimension_semantics = [#tpu.dimension_semantics<arbitrary>], iteration_bounds = array<i64: 16>, scalar_prefetch = 0 : i64, scratch_operands = 0 : i64, tpu.core_type = #tpu.core_type<tc>, window_params = [{transform_indices = @transform_0, window_bounds = array<i64: 640, 128>}, {transform_indices = @transform_1, window_bounds = array<i64: 1, 640, 128>}, {pipeline_mode = #tpu.pipeline_mode<synchronous>, transform_indices = @transform_2, window_bounds = array<i64: 128, 128>}, {pipeline_mode = #tpu.pipeline_mode<synchronous>, transform_indices = @transform_3, window_bounds = array<i64: 1, 128>}, {pipeline_mode = #tpu.pipeline_mode<synchronous>, transform_indices = @transform_4, window_bounds = array<i64: 128, 128>}, {pipeline_mode = #tpu.pipeline_mode<synchronous>, transform_indices = @transform_5, window_bounds = array<i64: 1, 128>}, {transform_indices = @transform_6, window_bounds = array<i64: 640, 128>}]} {
    %get3A = arith.constant 0 : index
    %get3A_0 = arith.constant 0 : index
    %get3A_1 = vector.load %arg1[%get3A, %get3A_0] : memref<640x128xf32, #tpu.memory_space<vmem>>, vector<640x128xf32>
    %get3A_2 = arith.constant 0 : index
    %get3A_3 = arith.constant 0 : index
    %get3A_4 = arith.constant 0 : index
    %get3A_5 = vector.load %arg2[%get3A_2, %get3A_3, %get3A_4] : memref<1x640x128xf32, #tpu.memory_space<vmem>>, vector<1x640x128xf32>
    %get3A_6 = vector.shape_cast %get3A_5 : vector<1x640x128xf32> to vector<640x128xf32>
    %add3A = arith.addf %get3A_1, %get3A_6 : vector<640x128xf32>
    %get3A_7 = arith.constant 0 : index
    %get3A_8 = arith.constant 0 : index
    %get3A_9 = vector.load %arg3[%get3A_7, %get3A_8] : memref<128x128xf32, #tpu.memory_space<vmem>>, vector<128x128xf32>
    %dot_general3A = arith.constant dense<0.000000e+00> : vector<640x128xf32>
    %dot_general3A_10 = tpu.matmul %add3A, %get3A_9, %dot_general3A {dimension_numbers = #tpu.dot_dimension_numbers<[1], [0], [0], [1], [0, 0, 1, 1], [], []>, transpose_lhs_hint = false} : vector<640x128xf32>, vector<128x128xf32>, vector<640x128xf32> -> vector<640x128xf32>
    %get3A_11 = arith.constant 0 : index
    %get3A_12 = arith.constant 0 : index
    %get3A_13 = vector.load %arg4[%get3A_11, %get3A_12] : memref<1x128xf32, #tpu.memory_space<vmem>>, vector<1x128xf32>
    %add3A_14 = vector.broadcast %get3A_13 : vector<1x128xf32> to vector<640x128xf32>
    %add3A_15 = arith.addf %dot_general3A_10, %add3A_14 : vector<640x128xf32>
    %max3A = arith.constant 0.000000e+00 : f32
    %max3A_16 = vector.broadcast %max3A : f32 to vector<640x128xf32>
    %max3A_17 = arith.maximumf %add3A_15, %max3A_16 : vector<640x128xf32>
    %get3A_18 = arith.constant 0 : index
    %get3A_19 = arith.constant 0 : index
    %get3A_20 = vector.load %arg5[%get3A_18, %get3A_19] : memref<128x128xf32, #tpu.memory_space<vmem>>, vector<128x128xf32>
    %dot_general3A_21 = arith.constant dense<0.000000e+00> : vector<640x128xf32>
    %dot_general3A_22 = tpu.matmul %max3A_17, %get3A_20, %dot_general3A_21 {dimension_numbers = #tpu.dot_dimension_numbers<[1], [0], [0], [1], [0, 0, 1, 1], [], []>, transpose_lhs_hint = false} : vector<640x128xf32>, vector<128x128xf32>, vector<640x128xf32> -> vector<640x128xf32>
    %get3A_23 = arith.constant 0 : index
    %get3A_24 = arith.constant 0 : index
    %get3A_25 = vector.load %arg6[%get3A_23, %get3A_24] : memref<1x128xf32, #tpu.memory_space<vmem>>, vector<1x128xf32>
    %add3A_26 = vector.broadcast %get3A_25 : vector<1x128xf32> to vector<640x128xf32>
    %add3A_27 = arith.addf %dot_general3A_22, %add3A_26 : vector<640x128xf32>
    %max3A_28 = arith.constant 0.000000e+00 : f32
    %max3A_29 = vector.broadcast %max3A_28 : f32 to vector<640x128xf32>
    %max3A_30 = arith.maximumf %add3A_27, %max3A_29 : vector<640x128xf32>
    %swap3A = arith.constant 0 : index
    %swap3A_31 = arith.constant 0 : index
    %swap3A_32 = vector.load %arg7[%swap3A, %swap3A_31] : memref<640x128xf32, #tpu.memory_space<vmem>>, vector<640x128xf32>
    tpu.vector_store %arg7[%swap3A, %swap3A_31], %max3A_30 {strides = array<i32>} : memref<640x128xf32, #tpu.memory_space<vmem>>, vector<640x128xf32>,
    return
  }
  func.func @transform_0(%arg0: i32) -> (i32, i32) {
    %c0_i32 = arith.constant 0 : i32
    %c0_i32_0 = arith.constant 0 : i32
    return %arg0, %c0_i32 : i32, i32
  }
  func.func @transform_1(%arg0: i32) -> (i32, i32, i32) {
    %jit3A = arith.constant 8 : i32
    %div3A = arith.divsi %arg0, %jit3A : i32
    %sign3A = arith.constant 0 : i32
    %sign3A_0 = arith.cmpi sgt, %arg0, %sign3A : i32
    %sign3A_1 = arith.extui %sign3A_0 : i1 to i32
    %sign3A_2 = arith.constant 0 : i32
    %sign3A_3 = arith.cmpi slt, %arg0, %sign3A_2 : i32
    %sign3A_4 = arith.extui %sign3A_3 : i1 to i32
    %sign3A_5 = arith.subi %sign3A_1, %sign3A_4 : i32
    %sign3A_6 = arith.constant 0 : i32
    %sign3A_7 = arith.cmpi sgt, %jit3A, %sign3A_6 : i32
    %sign3A_8 = arith.extui %sign3A_7 : i1 to i32
    %sign3A_9 = arith.constant 0 : i32
    %sign3A_10 = arith.cmpi slt, %jit3A, %sign3A_9 : i32
    %sign3A_11 = arith.extui %sign3A_10 : i1 to i32
    %sign3A_12 = arith.subi %sign3A_8, %sign3A_11 : i32
    %ne3A = arith.cmpi ne, %sign3A_5, %sign3A_12 : i32
    %rem3A = arith.remsi %arg0, %jit3A : i32
    %ne3A_13 = arith.constant 0 : i32
    %ne3A_14 = arith.cmpi ne, %rem3A, %ne3A_13 : i32
    %and3A = arith.andi %ne3A, %ne3A_14 : i1
    %sub3A = arith.constant 1 : i32
    %sub3A_15 = arith.subi %div3A, %sub3A : i32
    %select_n3A = arith.select %and3A, %sub3A_15, %div3A : i32
    %jit3A_16 = arith.constant 8 : i32
    %eq3A = arith.constant 0 : i32
    %eq3A_17 = arith.cmpi eq, %jit3A_16, %eq3A : i32
    %jit3A_18 = arith.constant 1 : i32
    %select_n3A_19 = arith.select %eq3A_17, %jit3A_18, %jit3A_16 : i32
    %rem3A_20 = arith.remsi %arg0, %select_n3A_19 : i32
    %ne3A_21 = arith.constant 0 : i32
    %ne3A_22 = arith.cmpi ne, %rem3A_20, %ne3A_21 : i32
    %lt3A = arith.constant 0 : i32
    %lt3A_23 = arith.cmpi slt, %rem3A_20, %lt3A : i32
    %lt3A_24 = arith.constant 0 : i32
    %lt3A_25 = arith.cmpi slt, %select_n3A_19, %lt3A_24 : i32
    %ne3A_26 = arith.xori %lt3A_23, %lt3A_25 : i1
    %and3A_27 = arith.andi %ne3A_26, %ne3A_22 : i1
    %add3A = arith.addi %rem3A_20, %select_n3A_19 : i32
    %select_n3A_28 = arith.select %and3A_27, %add3A, %rem3A_20 : i32
    %c0_i32 = arith.constant 0 : i32
    %c0_i32_29 = arith.constant 0 : i32
    return %select_n3A, %select_n3A_28, %c0_i32 : i32, i32, i32
  }
  func.func @transform_2(%arg0: i32) -> (i32, i32) {
    %c0_i32 = arith.constant 0 : i32
    %c0_i32_0 = arith.constant 0 : i32
    %c0_i32_1 = arith.constant 0 : i32
    return %c0_i32, %c0_i32_0 : i32, i32
  }
  func.func @transform_3(%arg0: i32) -> (i32, i32) {
    %c0_i32 = arith.constant 0 : i32
    %c0_i32_0 = arith.constant 0 : i32
    %c0_i32_1 = arith.constant 0 : i32
    return %c0_i32, %c0_i32_0 : i32, i32
  }
  func.func @transform_4(%arg0: i32) -> (i32, i32) {
    %c0_i32 = arith.constant 0 : i32
    %c0_i32_0 = arith.constant 0 : i32
    %c0_i32_1 = arith.constant 0 : i32
    return %c0_i32, %c0_i32_0 : i32, i32
  }
  func.func @transform_5(%arg0: i32) -> (i32, i32) {
    %c0_i32 = arith.constant 0 : i32
    %c0_i32_0 = arith.constant 0 : i32
    %c0_i32_1 = arith.constant 0 : i32
    return %c0_i32, %c0_i32_0 : i32, i32
  }
  func.func @transform_6(%arg0: i32) -> (i32, i32) {
    %c0_i32 = arith.constant 0 : i32
    %c0_i32_0 = arith.constant 0 : i32
    return %arg0, %c0_i32 : i32, i32
  }
}

module attributes {stable_mosaic.version = 14 : i64} {
  func.func @_final_body(%arg0: i32, %arg1: memref<640x128xf32, #tpu.memory_space<vmem>>, %arg2: memref<1x640x128xf32, #tpu.memory_space<vmem>>, %arg3: memref<128x128xf32, #tpu.memory_space<vmem>>, %arg4: memref<1x128xf32, #tpu.memory_space<vmem>>, %arg5: memref<128x128xf32, #tpu.memory_space<vmem>>, %arg6: memref<1x128xf32, #tpu.memory_space<vmem>>, %arg7: memref<640x1xi32, #tpu.memory_space<vmem>>, %arg8: memref<128x10xf32, #tpu.memory_space<vmem>>, %arg9: memref<1x10xf32, #tpu.memory_space<vmem>>, %arg10: memref<128x10xf32, #tpu.memory_space<vmem>>, %arg11: memref<128x128xf32, #tpu.memory_space<vmem>>, %arg12: memref<128x128xf32, #tpu.memory_space<vmem>>, %arg13: memref<128x1xf32, #tpu.memory_space<vmem>>) attributes {dimension_semantics = [#tpu.dimension_semantics<arbitrary>], iteration_bounds = array<i64: 16>, scalar_prefetch = 0 : i64, scratch_operands = 2 : i64, tpu.core_type = #tpu.core_type<tc>, window_params = [{transform_indices = @transform_0, window_bounds = array<i64: 640, 128>}, {transform_indices = @transform_1, window_bounds = array<i64: 1, 640, 128>}, {pipeline_mode = #tpu.pipeline_mode<synchronous>, transform_indices = @transform_2, window_bounds = array<i64: 128, 128>}, {pipeline_mode = #tpu.pipeline_mode<synchronous>, transform_indices = @transform_3, window_bounds = array<i64: 1, 128>}, {pipeline_mode = #tpu.pipeline_mode<synchronous>, transform_indices = @transform_4, window_bounds = array<i64: 128, 128>}, {pipeline_mode = #tpu.pipeline_mode<synchronous>, transform_indices = @transform_5, window_bounds = array<i64: 1, 128>}, {transform_indices = @transform_6, window_bounds = array<i64: 640, 1>}, {pipeline_mode = #tpu.pipeline_mode<synchronous>, transform_indices = @transform_7, window_bounds = array<i64: 128, 10>}, {pipeline_mode = #tpu.pipeline_mode<synchronous>, transform_indices = @transform_8, window_bounds = array<i64: 1, 10>}, {pipeline_mode = #tpu.pipeline_mode<synchronous>, transform_indices = @transform_9, window_bounds = array<i64: 128, 10>}, {pipeline_mode = #tpu.pipeline_mode<synchronous>, transform_indices = @transform_10, window_bounds = array<i64: 128, 128>}]} {
    %eq3A = arith.constant 0 : i32
    %eq3A_0 = arith.cmpi eq, %arg0, %eq3A : i32
    %convert_element_type3A = arith.extui %eq3A_0 : i1 to i32
    %cond3A = arith.constant 0 : i32
    %cond3A_1 = arith.cmpi ne, %convert_element_type3A, %cond3A : i32
    scf.if %cond3A_1 {
      %broadcast_in_dim3A_60 = arith.constant 0.000000e+00 : f32
      %broadcast_in_dim3A_61 = vector.broadcast %broadcast_in_dim3A_60 : f32 to vector<128x128xf32>
      %swap3A_62 = arith.constant 0 : index
      %swap3A_63 = arith.constant 0 : index
      %swap3A_64 = vector.load %arg12[%swap3A_62, %swap3A_63] : memref<128x128xf32, #tpu.memory_space<vmem>>, vector<128x128xf32>
      tpu.vector_store %arg12[%swap3A_62, %swap3A_63], %broadcast_in_dim3A_61 {strides = array<i32>} : memref<128x128xf32, #tpu.memory_space<vmem>>, vector<128x128xf32>,
      %broadcast_in_dim3A_65 = arith.constant 0.000000e+00 : f32
      %broadcast_in_dim3A_66 = vector.broadcast %broadcast_in_dim3A_65 : f32 to vector<128x1xf32>
      %swap3A_67 = arith.constant 0 : index
      %swap3A_68 = arith.constant 0 : index
      %swap3A_69 = vector.load %arg13[%swap3A_67, %swap3A_68] : memref<128x1xf32, #tpu.memory_space<vmem>>, vector<128x1xf32>
      tpu.vector_store %arg13[%swap3A_67, %swap3A_68], %broadcast_in_dim3A_66 {strides = array<i32>} : memref<128x1xf32, #tpu.memory_space<vmem>>, vector<128x1xf32>,
    } else {
    }
    %get3A = arith.constant 0 : index
    %get3A_2 = arith.constant 0 : index
    %get3A_3 = vector.load %arg1[%get3A, %get3A_2] : memref<640x128xf32, #tpu.memory_space<vmem>>, vector<640x128xf32>
    %get3A_4 = arith.constant 0 : index
    %get3A_5 = arith.constant 0 : index
    %get3A_6 = arith.constant 0 : index
    %get3A_7 = vector.load %arg2[%get3A_4, %get3A_5, %get3A_6] : memref<1x640x128xf32, #tpu.memory_space<vmem>>, vector<1x640x128xf32>
    %get3A_8 = vector.shape_cast %get3A_7 : vector<1x640x128xf32> to vector<640x128xf32>
    %add3A = arith.addf %get3A_3, %get3A_8 : vector<640x128xf32>
    %get3A_9 = arith.constant 0 : index
    %get3A_10 = arith.constant 0 : index
    %get3A_11 = vector.load %arg3[%get3A_9, %get3A_10] : memref<128x128xf32, #tpu.memory_space<vmem>>, vector<128x128xf32>
    %dot_general3A = arith.constant dense<0.000000e+00> : vector<640x128xf32>
    %dot_general3A_12 = tpu.matmul %add3A, %get3A_11, %dot_general3A {dimension_numbers = #tpu.dot_dimension_numbers<[1], [0], [0], [1], [0, 0, 1, 1], [], []>, transpose_lhs_hint = false} : vector<640x128xf32>, vector<128x128xf32>, vector<640x128xf32> -> vector<640x128xf32>
    %get3A_13 = arith.constant 0 : index
    %get3A_14 = arith.constant 0 : index
    %get3A_15 = vector.load %arg4[%get3A_13, %get3A_14] : memref<1x128xf32, #tpu.memory_space<vmem>>, vector<1x128xf32>
    %add3A_16 = vector.broadcast %get3A_15 : vector<1x128xf32> to vector<640x128xf32>
    %add3A_17 = arith.addf %dot_general3A_12, %add3A_16 : vector<640x128xf32>
    %max3A = arith.constant 0.000000e+00 : f32
    %max3A_18 = vector.broadcast %max3A : f32 to vector<640x128xf32>
    %max3A_19 = arith.maximumf %add3A_17, %max3A_18 : vector<640x128xf32>
    %get3A_20 = arith.constant 0 : index
    %get3A_21 = arith.constant 0 : index
    %get3A_22 = vector.load %arg5[%get3A_20, %get3A_21] : memref<128x128xf32, #tpu.memory_space<vmem>>, vector<128x128xf32>
    %dot_general3A_23 = arith.constant dense<0.000000e+00> : vector<640x128xf32>
    %dot_general3A_24 = tpu.matmul %max3A_19, %get3A_22, %dot_general3A_23 {dimension_numbers = #tpu.dot_dimension_numbers<[1], [0], [0], [1], [0, 0, 1, 1], [], []>, transpose_lhs_hint = false} : vector<640x128xf32>, vector<128x128xf32>, vector<640x128xf32> -> vector<640x128xf32>
    %get3A_25 = arith.constant 0 : index
    %get3A_26 = arith.constant 0 : index
    %get3A_27 = vector.load %arg6[%get3A_25, %get3A_26] : memref<1x128xf32, #tpu.memory_space<vmem>>, vector<1x128xf32>
    %add3A_28 = vector.broadcast %get3A_27 : vector<1x128xf32> to vector<640x128xf32>
    %add3A_29 = arith.addf %dot_general3A_24, %add3A_28 : vector<640x128xf32>
    %get3A_30 = arith.constant 0 : index
    %get3A_31 = arith.constant 0 : index
    %get3A_32 = vector.load %arg7[%get3A_30, %get3A_31] : memref<640x1xi32, #tpu.memory_space<vmem>>, vector<640x1xi32>
    %iota3A = tpu.iota {dimensions = array<i32: 1>} : vector<640x128xi32>
    %eq3A_33 = vector.broadcast %get3A_32 : vector<640x1xi32> to vector<640x128xi32>
    %eq3A_34 = arith.cmpi eq, %eq3A_33, %iota3A : vector<640x128xi32>
    %convert_element_type3A_35 = arith.extui %eq3A_34 : vector<640x128xi1> to vector<640x128xi32>
    %convert_element_type3A_36 = arith.sitofp %convert_element_type3A_35 : vector<640x128xi32> to vector<640x128xf32>
    %get3A_37 = arith.constant 0 : index
    %get3A_38 = arith.constant 0 : index
    %get3A_39 = vector.load %arg12[%get3A_37, %get3A_38] : memref<128x128xf32, #tpu.memory_space<vmem>>, vector<128x128xf32>
    %dot_general3A_40 = arith.constant dense<0.000000e+00> : vector<128x128xf32>
    %dot_general3A_41 = tpu.matmul %convert_element_type3A_36, %add3A_29, %dot_general3A_40 {dimension_numbers = #tpu.dot_dimension_numbers<[0], [0], [1], [1], [0, 1, 1, 1], [], []>, transpose_lhs_hint = false} : vector<640x128xf32>, vector<640x128xf32>, vector<128x128xf32> -> vector<128x128xf32>
    %add3A_42 = arith.addf %get3A_39, %dot_general3A_41 : vector<128x128xf32>
    %swap3A = arith.constant 0 : index
    %swap3A_43 = arith.constant 0 : index
    %swap3A_44 = vector.load %arg12[%swap3A, %swap3A_43] : memref<128x128xf32, #tpu.memory_space<vmem>>, vector<128x128xf32>
    tpu.vector_store %arg12[%swap3A, %swap3A_43], %add3A_42 {strides = array<i32>} : memref<128x128xf32, #tpu.memory_space<vmem>>, vector<128x128xf32>,
    %get3A_45 = arith.constant 0 : index
    %get3A_46 = arith.constant 0 : index
    %get3A_47 = vector.load %arg13[%get3A_45, %get3A_46] : memref<128x1xf32, #tpu.memory_space<vmem>>, vector<128x1xf32>
    %broadcast_in_dim3A = arith.constant 1.000000e+00 : f32
    %broadcast_in_dim3A_48 = vector.broadcast %broadcast_in_dim3A : f32 to vector<640x1xf32>
    %dot_general3A_49 = arith.constant dense<0.000000e+00> : vector<128x1xf32>
    %dot_general3A_50 = tpu.matmul %convert_element_type3A_36, %broadcast_in_dim3A_48, %dot_general3A_49 {dimension_numbers = #tpu.dot_dimension_numbers<[0], [0], [1], [1], [0, 1, 1, 1], [], []>, transpose_lhs_hint = false} : vector<640x128xf32>, vector<640x1xf32>, vector<128x1xf32> -> vector<128x1xf32>
    %add3A_51 = arith.addf %get3A_47, %dot_general3A_50 : vector<128x1xf32>
    %swap3A_52 = arith.constant 0 : index
    %swap3A_53 = arith.constant 0 : index
    %swap3A_54 = vector.load %arg13[%swap3A_52, %swap3A_53] : memref<128x1xf32, #tpu.memory_space<vmem>>, vector<128x1xf32>
    tpu.vector_store %arg13[%swap3A_52, %swap3A_53], %add3A_51 {strides = array<i32>} : memref<128x1xf32, #tpu.memory_space<vmem>>, vector<128x1xf32>,
    %eq3A_55 = arith.constant 15 : i32
    %eq3A_56 = arith.cmpi eq, %arg0, %eq3A_55 : i32
    %convert_element_type3A_57 = arith.extui %eq3A_56 : i1 to i32
    %cond3A_58 = arith.constant 0 : i32
    %cond3A_59 = arith.cmpi ne, %convert_element_type3A_57, %cond3A_58 : i32
    scf.if %cond3A_59 {
      %get3A_60 = arith.constant 0 : index
      %get3A_61 = arith.constant 0 : index
      %get3A_62 = vector.load %arg12[%get3A_60, %get3A_61] : memref<128x128xf32, #tpu.memory_space<vmem>>, vector<128x128xf32>
      %get3A_63 = arith.constant 0 : index
      %get3A_64 = arith.constant 0 : index
      %get3A_65 = vector.load %arg13[%get3A_63, %get3A_64] : memref<128x1xf32, #tpu.memory_space<vmem>>, vector<128x1xf32>
      %max3A_66 = arith.constant 1.000000e+00 : f32
      %max3A_67 = vector.broadcast %max3A_66 : f32 to vector<128x1xf32>
      %max3A_68 = arith.maximumf %get3A_65, %max3A_67 : vector<128x1xf32>
      %div3A = vector.broadcast %max3A_68 : vector<128x1xf32> to vector<128x128xf32>
      %div3A_69 = arith.divf %get3A_62, %div3A : vector<128x128xf32>
      %swap3A_70 = arith.constant 0 : index
      %swap3A_71 = arith.constant 0 : index
      %swap3A_72 = vector.load %arg11[%swap3A_70, %swap3A_71] : memref<128x128xf32, #tpu.memory_space<vmem>>, vector<128x128xf32>
      tpu.vector_store %arg11[%swap3A_70, %swap3A_71], %div3A_69 {strides = array<i32>} : memref<128x128xf32, #tpu.memory_space<vmem>>, vector<128x128xf32>,
      %get3A_73 = arith.constant 0 : index
      %get3A_74 = arith.constant 0 : index
      %get3A_75 = vector.load %arg8[%get3A_73, %get3A_74] : memref<128x10xf32, #tpu.memory_space<vmem>>, vector<128x10xf32>
      %dot_general3A_76 = arith.constant dense<0.000000e+00> : vector<128x10xf32>
      %dot_general3A_77 = tpu.matmul %div3A_69, %get3A_75, %dot_general3A_76 {dimension_numbers = #tpu.dot_dimension_numbers<[1], [0], [0], [1], [0, 0, 1, 1], [], []>, transpose_lhs_hint = false} : vector<128x128xf32>, vector<128x10xf32>, vector<128x10xf32> -> vector<128x10xf32>
      %get3A_78 = arith.constant 0 : index
      %get3A_79 = arith.constant 0 : index
      %get3A_80 = vector.load %arg9[%get3A_78, %get3A_79] : memref<1x10xf32, #tpu.memory_space<vmem>>, vector<1x10xf32>
      %add3A_81 = vector.broadcast %get3A_80 : vector<1x10xf32> to vector<128x10xf32>
      %add3A_82 = arith.addf %dot_general3A_77, %add3A_81 : vector<128x10xf32>
      %swap3A_83 = arith.constant 0 : index
      %swap3A_84 = arith.constant 0 : index
      %swap3A_85 = vector.load %arg10[%swap3A_83, %swap3A_84] : memref<128x10xf32, #tpu.memory_space<vmem>>, vector<128x10xf32>
      tpu.vector_store %arg10[%swap3A_83, %swap3A_84], %add3A_82 {strides = array<i32>} : memref<128x10xf32, #tpu.memory_space<vmem>>, vector<128x10xf32>,
    } else {
    }
    return
  }
  func.func @transform_0(%arg0: i32) -> (i32, i32) {
    %c0_i32 = arith.constant 0 : i32
    %c0_i32_0 = arith.constant 0 : i32
    return %arg0, %c0_i32 : i32, i32
  }
  func.func @transform_1(%arg0: i32) -> (i32, i32, i32) {
    %jit3A = arith.constant 8 : i32
    %div3A = arith.divsi %arg0, %jit3A : i32
    %sign3A = arith.constant 0 : i32
    %sign3A_0 = arith.cmpi sgt, %arg0, %sign3A : i32
    %sign3A_1 = arith.extui %sign3A_0 : i1 to i32
    %sign3A_2 = arith.constant 0 : i32
    %sign3A_3 = arith.cmpi slt, %arg0, %sign3A_2 : i32
    %sign3A_4 = arith.extui %sign3A_3 : i1 to i32
    %sign3A_5 = arith.subi %sign3A_1, %sign3A_4 : i32
    %sign3A_6 = arith.constant 0 : i32
    %sign3A_7 = arith.cmpi sgt, %jit3A, %sign3A_6 : i32
    %sign3A_8 = arith.extui %sign3A_7 : i1 to i32
    %sign3A_9 = arith.constant 0 : i32
    %sign3A_10 = arith.cmpi slt, %jit3A, %sign3A_9 : i32
    %sign3A_11 = arith.extui %sign3A_10 : i1 to i32
    %sign3A_12 = arith.subi %sign3A_8, %sign3A_11 : i32
    %ne3A = arith.cmpi ne, %sign3A_5, %sign3A_12 : i32
    %rem3A = arith.remsi %arg0, %jit3A : i32
    %ne3A_13 = arith.constant 0 : i32
    %ne3A_14 = arith.cmpi ne, %rem3A, %ne3A_13 : i32
    %and3A = arith.andi %ne3A, %ne3A_14 : i1
    %sub3A = arith.constant 1 : i32
    %sub3A_15 = arith.subi %div3A, %sub3A : i32
    %select_n3A = arith.select %and3A, %sub3A_15, %div3A : i32
    %jit3A_16 = arith.constant 8 : i32
    %eq3A = arith.constant 0 : i32
    %eq3A_17 = arith.cmpi eq, %jit3A_16, %eq3A : i32
    %jit3A_18 = arith.constant 1 : i32
    %select_n3A_19 = arith.select %eq3A_17, %jit3A_18, %jit3A_16 : i32
    %rem3A_20 = arith.remsi %arg0, %select_n3A_19 : i32
    %ne3A_21 = arith.constant 0 : i32
    %ne3A_22 = arith.cmpi ne, %rem3A_20, %ne3A_21 : i32
    %lt3A = arith.constant 0 : i32
    %lt3A_23 = arith.cmpi slt, %rem3A_20, %lt3A : i32
    %lt3A_24 = arith.constant 0 : i32
    %lt3A_25 = arith.cmpi slt, %select_n3A_19, %lt3A_24 : i32
    %ne3A_26 = arith.xori %lt3A_23, %lt3A_25 : i1
    %and3A_27 = arith.andi %ne3A_26, %ne3A_22 : i1
    %add3A = arith.addi %rem3A_20, %select_n3A_19 : i32
    %select_n3A_28 = arith.select %and3A_27, %add3A, %rem3A_20 : i32
    %c0_i32 = arith.constant 0 : i32
    %c0_i32_29 = arith.constant 0 : i32
    return %select_n3A, %select_n3A_28, %c0_i32 : i32, i32, i32
  }
  func.func @transform_2(%arg0: i32) -> (i32, i32) {
    %c0_i32 = arith.constant 0 : i32
    %c0_i32_0 = arith.constant 0 : i32
    %c0_i32_1 = arith.constant 0 : i32
    return %c0_i32, %c0_i32_0 : i32, i32
  }
  func.func @transform_3(%arg0: i32) -> (i32, i32) {
    %c0_i32 = arith.constant 0 : i32
    %c0_i32_0 = arith.constant 0 : i32
    %c0_i32_1 = arith.constant 0 : i32
    return %c0_i32, %c0_i32_0 : i32, i32
  }
  func.func @transform_4(%arg0: i32) -> (i32, i32) {
    %c0_i32 = arith.constant 0 : i32
    %c0_i32_0 = arith.constant 0 : i32
    %c0_i32_1 = arith.constant 0 : i32
    return %c0_i32, %c0_i32_0 : i32, i32
  }
  func.func @transform_5(%arg0: i32) -> (i32, i32) {
    %c0_i32 = arith.constant 0 : i32
    %c0_i32_0 = arith.constant 0 : i32
    %c0_i32_1 = arith.constant 0 : i32
    return %c0_i32, %c0_i32_0 : i32, i32
  }
  func.func @transform_6(%arg0: i32) -> (i32, i32) {
    %c0_i32 = arith.constant 0 : i32
    %c0_i32_0 = arith.constant 0 : i32
    return %arg0, %c0_i32 : i32, i32
  }
  func.func @transform_7(%arg0: i32) -> (i32, i32) {
    %c0_i32 = arith.constant 0 : i32
    %c0_i32_0 = arith.constant 0 : i32
    %c0_i32_1 = arith.constant 0 : i32
    return %c0_i32, %c0_i32_0 : i32, i32
  }
  func.func @transform_8(%arg0: i32) -> (i32, i32) {
    %c0_i32 = arith.constant 0 : i32
    %c0_i32_0 = arith.constant 0 : i32
    %c0_i32_1 = arith.constant 0 : i32
    return %c0_i32, %c0_i32_0 : i32, i32
  }
  func.func @transform_9(%arg0: i32) -> (i32, i32) {
    %c0_i32 = arith.constant 0 : i32
    %c0_i32_0 = arith.constant 0 : i32
    %c0_i32_1 = arith.constant 0 : i32
    return %c0_i32, %c0_i32_0 : i32, i32
  }
  func.func @transform_10(%arg0: i32) -> (i32, i32) {
    %c0_i32 = arith.constant 0 : i32
    %c0_i32_0 = arith.constant 0 : i32
    %c0_i32_1 = arith.constant 0 : i32
    return %c0_i32, %c0_i32_0 : i32, i32
  }
}

</mosaic_0001>

<sc_bundles>
// kernel: kernel.11.cloned.1.call-start
scs
__scs_entry_jumppad:
0x0: {  	(pc) =	sbr.rel $0x88, $3  }
0x1: {  	(tag) =	ssettag $0x0;
	lr =	simm.s32 $0x1  }
0x2: {  	[smem:$0x3F90] =	sst lr;
	_ =	strace $0xD0000000  }
0x3: {  	_ = 	snop  }
0x4: {  	_ = 	snop  }
0x5: {  	_ = 	snop  }
0x6: {  	_ = 	snop  }
0x7: {  	_ = 	snop  }
__scs_overlays_trampoline_lowered:
0x8: {  	[smem:$0x3F9F] =	sst s0  }
0x9: {  	[smem:$0x3FA0] =	sst s1  }
0xa: {  	[smem:$0x3FA1] =	sst s2  }
0xb: {  	[smem:$0x3FA2] =	sst s3  }
0xc: {  	[smem:$0x3FA3] =	sst s4  }
0xd: {  	[smem:$0x3FA4] =	sst s5  }
0xe: {  	[smem:$0x3FA5] =	sst s6  }
0xf: {  	[smem:$0x3FA6] =	sst s7  }
0x10: {  	[smem:$0x3FA7] =	sst s8  }
0x11: {  	[smem:$0x3FA8] =	sst s9;
	s0 =	simm.s32 @!p0 $0x0  }
0x12: {  	s1 =	sld [smem:$0x3F8E];
	s0 =	simm.s32 @p0 $0x1  }
0x13: {  	[smem:$0x3FA9] =	sst s0;
	s0 =	simm.s32 @!p1 $0x0  }
0x14: {  	s2 =	sld [smem:$0x3F8D];
	s0 =	simm.s32 @p1 $0x1  }
0x15: {  	[smem:$0x3FAA] =	sst s0;
	s0 =	simm.s32 @!p2 $0x0  }
0x16: {  	s3 =	sld [smem:$0x3FDB];
	s0 =	simm.s32 @p2 $0x1  }
0x17: {  	s4 =	simm.s32 $0x1BF5;
	[smem:$0x3FAC] =	sst s0  }
0x18: {  	s0 =	sld [smem:$0x3F8F];
	_ =	swait.ge [sflag:s4], $0x0  }
0x19: {  	s7 =	sld [smem:$0x3F90]  }
0x1a: {  	s8 =	sadd.s32 $0xFFFFE003, lr  }
0x1b: {  	s9 =	sadd.s32 $0xFFFFFEF7, lr;
	s5 =	simm.s32 $0xFFFFFFFF;
	p2 =	slt.u32 s8, $0xFFFFF086  }
0x1c: {  	p1 =	slt.u32 s9, $0xF7A;
	s5 =	simm.s32 @!p2 $0x0  }
0x1d: {  	s5 =	simm.s32 @p1 $0x1;
	p0 =	seq.s32 s7, s2  }
0x1e: {  	s7 =	smul.u32 @!p0 $0xF7A, s2;
	p2 =	seq.s32 @!p0 s5, $0x0  }
0x1f: {  	s9 =	smul.u32 $0xF7A, s1;
	s8 =	simm.s32 @!p0 $0x1BF5;
	p2 =	por !p2, p0  }
0x20: {  	[sflag:s8] =	ssyncset.s32 @!p0 $0xFFFFF086;
	s6 =	sadd.s32 @!p0 s3, s7;
	s7 =	simm.s32 @!p0 $0x108  }
0x21: {  	s3 =	sadd.s32 s3, s9;
	s6 =	sadd.s32 @!p0 $0x88, s6;
	s7 =	simm.s32 @p2 $0x1082  }
0x22: {  	[simem:s7], [sflag:s8] =	dma.local @!p0 [hbm:s6], $0xF7A  }
0x23: {  	s9 =	sor.u32 $0xD0000000, s2;
	s6 =	simm.s32 $0x108;
	_ =	swait.ge @!p0 [sflag:s8], $0x0  }
0x24: {  	s3 =	sadd.s32 $0x88, s3;
	s6 =	simm.s32 @!p1 $0x1082;
	[sflag:s4] =	ssyncset.s32 $0xFFFFF086  }
0x25: {  	[simem:s6], [sflag:s4] =	dma.local [hbm:s3], $0xF7A  }
0x26: {  	[smem:$0x3F90] =	sst s1;
	(tag) =	ssettag s2;
	_ =	strace s9  }
0x27: {  	s1 =	sld [smem:$0x3FA0]  }
0x28: {  	s2 =	sld [smem:$0x3FA1]  }
0x29: {  	s4 =	sld [smem:$0x3FA3]  }
0x2a: {  	p0 =	seq.s32 s5, $0x0;
	s5 =	sld [smem:$0x3FA4]  }
0x2b: {  	s6 =	sld [smem:$0x3FA5]  }
0x2c: {  	s7 =	sld [smem:$0x3FA6]  }
0x2d: {  	s3 =	simm.s32 $0x108;
	s8 =	sld [smem:$0x3FA7]  }
0x2e: {  	s3 =	simm.s32 @!p0 $0x1082;
	s9 =	sld [smem:$0x3FA8]  }
0x2f: {  	lr =	sadd.s32 s0, s3;
	s0 =	sld [smem:$0x3F9F]  }
0x30: {  	s3 =	sld [smem:$0x3FA2]  }
0x31: {  	[smem:$0x3FAB] =	sst s10  }
0x32: {  	s10 =	sld [smem:$0x3FA9];
	_ =	sdelay $0x3  }
0x33: {  	p0 =	seq.s32 s10, $0x1;
	s10 =	sld [smem:$0x3FAB];
	_ =	sdelay $0x3  }
0x34: {  	[smem:$0x3FAB] =	sst s10  }
0x35: {  	s10 =	sld [smem:$0x3FAA];
	_ =	sdelay $0x3  }
0x36: {  	p1 =	seq.s32 s10, $0x1;
	s10 =	sld [smem:$0x3FAB];
	_ =	sdelay $0x3  }
0x37: {  	[smem:$0x3FAB] =	sst s10  }
0x38: {  	s10 =	sld [smem:$0x3FAC]  }
0x39: {  	_ = 	snop;
	(pc) =	sbr.ind lr, $3  }
0x3a: {  	_ = 	snop  }
0x3b: {  	_ = 	snop  }
0x3c: {  	p2 =	seq.s32 s10, $0x1;
	s10 =	sld [smem:$0x3FAB]  }
0x3d: {  	_ =	shalt  }
0x3e: {  	_ =	shalt  }
0x3f: {  	_ =	shalt  }
0x40: {  	_ =	shalt  }
0x41: {  	_ =	shalt  }
0x42: {  	_ =	shalt  }
0x43: {  	_ =	shalt  }
0x44: {  	_ =	shalt  }
0x45: {  	_ =	shalt  }
0x46: {  	_ =	shalt  }
0x47: {  	_ =	shalt  }
0x48: {  	_ =	shalt  }
0x49: {  	_ =	shalt  }
0x4a: {  	_ =	shalt  }
0x4b: {  	_ =	shalt  }
0x4c: {  	_ =	shalt  }
0x4d: {  	_ =	shalt  }
0x4e: {  	_ =	shalt  }
0x4f: {  	_ =	shalt  }
0x50: {  	_ =	shalt  }
0x51: {  	_ =	shalt  }
0x52: {  	_ =	shalt  }
0x53: {  	_ =	shalt  }
0x54: {  	_ =	shalt  }
0x55: {  	_ =	shalt  }
0x56: {  	_ =	shalt  }
0x57: {  	_ =	shalt  }
0x58: {  	_ =	shalt  }
0x59: {  	_ =	shalt  }
0x5a: {  	_ =	shalt  }
0x5b: {  	_ =	shalt  }
0x5c: {  	_ =	shalt  }
0x5d: {  	_ =	shalt  }
0x5e: {  	_ =	shalt  }
0x5f: {  	_ =	shalt  }
0x60: {  	_ =	shalt  }
0x61: {  	_ =	shalt  }
0x62: {  	_ =	shalt  }
0x63: {  	_ =	shalt  }
0x64: {  	_ =	shalt  }
0x65: {  	_ =	shalt  }
0x66: {  	_ =	shalt  }
0x67: {  	_ =	shalt  }
0x68: {  	_ =	shalt  }
0x69: {  	_ =	shalt  }
0x6a: {  	_ =	shalt  }
0x6b: {  	_ =	shalt  }
0x6c: {  	_ =	shalt  }
0x6d: {  	_ =	shalt  }
0x6e: {  	_ =	shalt  }
0x6f: {  	_ =	shalt  }
0x70: {  	_ =	shalt  }
0x71: {  	_ =	shalt  }
0x72: {  	_ =	shalt  }
0x73: {  	_ =	shalt  }
0x74: {  	_ =	shalt  }
0x75: {  	_ =	shalt  }
0x76: {  	_ =	shalt  }
0x77: {  	_ =	shalt  }
0x78: {  	_ =	shalt  }
0x79: {  	_ =	shalt  }
0x7a: {  	_ =	shalt  }
0x7b: {  	_ =	shalt  }
0x7c: {  	_ =	shalt  }
0x7d: {  	_ =	shalt  }
0x7e: {  	_ =	shalt  }
0x7f: {  	_ =	shalt  }
0x80: {  	_ =	shalt  }
0x81: {  	_ =	shalt  }
0x82: {  	_ =	shalt  }
0x83: {  	_ =	shalt  }
0x84: {  	_ =	shalt  }
0x85: {  	_ =	shalt  }
0x86: {  	_ =	shalt  }
0x87: {  	_ =	shalt  }
.Lfunc_end0:
.L_simem_size_0:
called_computation.1_lowered:
.L_overlay_start_0:
0x88: {  	s2 =	sld [smem:$0x3FD9]  }
0x89: {  	s3 =	sld [smem:$0x3FFE];
	_ =	sdelay $0x1  }
0x8a: {  	s1 =	srdreg.scid  }
0x8b: {  	s0 =	sand.u32 $0x1, s1  }
0x8c: {  	s14 =	sshll.u32 s0, $0xA;
	s2 =	sadd.s32 s3, s2  }
0x8d: {  	s2 =	sadd.s32 s2, s14  }
0x8e: {  	[smem:$0x3FB7] =	sst s2  }
0x8f: {  	_ = 	snop  }
0x90: {  	s2 =	sld [smem:$0x3FD0];
	_ =	sdelay $0x2  }
0x91: {  	s15 =	simm.s32 $0xA;
	s4 =	simm.s32 $0x10  }
0x92: {  	[smem:s4], [sflag:s15] =	dma.local [hbm:s2], $0x1  }
0x93: {  	_ =	swait.eq [sflag:s15], $0x1  }
0x94: {  	[sflag:s15] =	ssyncset.done $0x0  }
0x95: {  	[sflag:s15] =	ssyncadd.s32 $0xFFFFFFFF  }
0x96: {  	s16 =	sld [smem:$0x11];
	(tm) =	ssettm $0x1  }
0x97: {  	s17 =	sld [smem:$0x3FFB];
	_ =	sdelay $0x3  }
0x98: {  	_ =	strace s17  }
0x99: {  	s3 =	sld [smem:$0x3FFC];
	_ =	sdelay $0x3  }
0x9a: {  	_ =	strace s3  }
0x9b: {  	s3 =	sld [smem:$0x3FFD];
	_ =	sdelay $0x3  }
0x9c: {  	_ =	strace s3  }
0x9d: {  	_ =	strace $0x8FFFFFFF  }
0x9e: {  	s18 =	sld [smem:$0x3FDB];
	_ =	sdelay $0x1  }
0x9f: {  	s19 =	simm.s32 $_scs_section_size  }
0xa0: {  	s5 =	simm.s32 $_size__tile_overlayer_lowered;
	s6 =	simm.s32 $_tile_overlayer_lowered  }
0xa1: {  	s22 =	simm.s32 $0x1BFF;
	s21 =	sshll.u32 s6, $0x1;
	s3 =	sadd.s32 s19, s18  }
0xa2: {  	s7 =	simm.s32 $0x0;
	s20 =	sshll.u32 s5, $0x1;
	s5 =	sadd.s32 s21, s3  }
0xa3: {  	[timem:s7], [sflag:s22] =	dma.local [hbm:s5], s20  }
0xa4: {  	_ =	swait.ge [sflag:s22], s20  }
0xa5: {  	s4 =	ssub.s32 $0x0, s20;
	[sflag:s22] =	ssyncset.done $0x0  }
0xa6: {  	[sflag:s22] =	ssyncadd.s32 s4;
	_ =	sdelay $0x1  }
0xa7: {  	s23 =	simm.s32 $0x1B8B  }
0xa8: {  	_ =	swait.ge [sflag:s23], $0x1  }
0xa9: {  	[sflag:s23] =	ssyncset.done $0x0  }
0xaa: {  	s25 =	simm.s32 $0x1B8E;
	s24 =	sld [smem:$0x3FFE];
	[sflag:s23] =	ssyncadd.s32 $0xFFFFFFFF  }
0xab: {  	s26 =	simm.s32 $execute0_lowered;
	[smem:$0x3FD2] =	sst s25  }
0xac: {  	s5 =	sshll.u32 s26, $0x1;
	_ =	strace $0x80000049;
	[dreg:$0x1] =	wrdreg $0xFFFFFFFF  }
0xad: {  	s28 =	simm.s32 $_size_execute0_lowered;
	s3 =	sadd.s32 s3, s5;
	[dreg:$0x0] =	wrdreg $0x0  }
0xae: {  	s5 =	sshll.u32 s28, $0x1;
	[dreg:$0x2] =	wrdreg s3  }
0xaf: {  	[dreg:$0x3] =	wrdreg s5  }
0xb0: {  	[dreg:$0x4] =	wrdreg $0xC0  }
0xb1: {  	_ =	task [dreg:s7], $0x5FFFF  }
0xb2: {  	[dreg:$0x1] =	wrdreg $0xFFFFFFFF  }
0xb3: {  	[dreg:$0x0] =	wrdreg $0x60  }
0xb4: {  	[dreg:$0x2] =	wrdreg s24  }
0xb5: {  	[dreg:$0x3] =	wrdreg s16  }
0xb6: {  	[dreg:$0x4] =	wrdreg $0x140000  }
0xb7: {  	[dreg:$0x5] =	wrdreg $0x9  }
0xb8: {  	_ =	task.clear_ibuf [dreg:s7], $0x6FFFF;
	_ =	strace $0x90000049  }
0xb9: {  	s29 =	simm.s32 $0x9;
	_ =	strace $0x8000004B  }
0xba: {  	_ =	swait.ge [sflag:s29], $0x1  }
0xbb: {  	[sflag:s29] =	ssyncadd.s32 $0xFFFFFFFF  }
0xbc: {  	_ =	strace $0x9000004B  }
0xbd: {  	_ =	sfence  }
0xbe: {  	s30 =	sld [smem:$0x0];
	_ =	sdelay $0x2  }
0xbf: {  	s31 =	sshll.u32 s1, $0xD;
	s1 =	sshrl.u32 s1, $0x2  }
0xc0: {  	s3 =	sand.u32 $0x4000, s31;
	s1 =	sadd.s32 s1, s30  }
0xc1: {  	s0 =	sor.u32 s3, s0;
	s1 =	sshll.u32 s1, $0x11  }
0xc2: {  	s0 =	sor.u32 s1, s0  }
0xc3: {  	s0 =	sadd.s32 $0x8F2B, s0  }
0xc4: {  	[sflag:s0] =	ssyncadd.remote.s32 $0x1  }
0xc5: {  	_ =	sfence.sel $0xFFFF  }
0xc6: {  	[dreg:$0x0] =	wrdreg $0xFFFFFFFF;
	(pc) =	sbr.abs _section_cstart, $3  }
0xc7: {  	[dreg:$0x1] =	wrdreg $0xFFFFFFFF  }
0xc8: {  	_ =	task.clear_ibuf [dreg:s7], $0x2FFFF;
	_ =	strace $0x9FFFFFFF  }
0xc9: {  	(tm) =	ssettm $0x7FFFFFFF  }
tec
execute0_lowered:
.L_overlay_start_1:
0x0: {  	(tag) =	ssettag $0x1  }
0x1: {  	s0 =	rddreg [dreg:$0x0]  }
0x2: {  	s3 =	rddreg [dreg:$0x2]  }
0x3: {  	s4 =	simm.s32 $0x0;
	s10 =	stileid.u32;
	s2 =	srdreg.scid  }
0x4: {  	s23 =	simm.s32 $0x12000;
	s28 =	simm.s32 $0x80;
	s1 =	smul.u32 $0xA00, s10  }
0x5: {  	s29 =	simm.s32 $0x1;
	s31 =	simm.s32 $0x0;
	s6 =	smul.u32 $0x28000, s10  }
0x6: {  	[smem:$0x7FF] =	sst s4;
	s2 =	sand.u32 $0x1, s2;
	s26 =	smul.u32 $0xA000, s10  }
0x7: {  	s5 =	sadd.s32 $0x18200, s0;
	_ =	strace $0x8000004A;
	s25 =	smul.u32 $0x1400, s2  }
0x8: {  	s7 =	ssub.s32 $0x2, s2;
	s2 =	smul.u32 $0xA0000, s2;
	s1 =	sadd.s32 s1, s0  }
0x9: {  	s0 =	sadd.s32 $0x40200, s0;
	s8 =	sshrl.u32 s7, $0x1;
	s6 =	sshrl.u32 s6, $0x2  }
0xa: {  	s15 =	sadd.s32 $0x2000, s26;
	s17 =	sadd.s32 $0x4000, s26;
	s19 =	sadd.s32 $0x6000, s26  }
0xb: {  	s9 =	ssub.s32 s7, s8;
	s6 =	sadd.s32 s6, s3;
	s24 =	sadd.s32 $0x4200, s1  }
0xc: {  	s1 =	sadd.s32 $0xE200, s1;
	s14 =	sadd.s32 s2, s26;
	s16 =	sadd.s32 s2, s15  }
0xd: {  	s15 =	sadd.s32 s15, s3;
	s18 =	sadd.s32 s2, s17;
	s17 =	sadd.s32 s17, s3  }
0xe: {  	s20 =	sadd.s32 s2, s19;
	s19 =	sadd.s32 s19, s3;
	[dreg:$0x4] =	wrdreg s24  }
0xf: {  	[dreg:$0x5] =	wrdreg s1;
	s9 =	smax.u32 s9, $0x1;
	s10 =	sadd.s32 $0x2000, s6  }
0x10: {  	s11 =	sadd.s32 $0x4000, s6;
	s12 =	sadd.s32 $0x6000, s6;
	s13 =	sadd.s32 $0x8000, s6  }
0x11: {  	s14 =	sshrl.u32 s14, $0x3;
	s16 =	sshrl.u32 s16, $0x3;
	s18 =	sshrl.u32 s18, $0x3  }
0x12: {  	s1 =	sadd.s32 $0x8000, s26;
	s20 =	sshrl.u32 s20, $0x3;
	s24 =	simm.s32 $0x3  }
0x13: {  	s26 =	simm.s32 $0xA000;
	s14 =	sadd.s32 s0, s14;
	s2 =	sadd.s32 s2, s1  }
0x14: {  	s16 =	sadd.s32 s0, s16;
	s18 =	sadd.s32 s0, s18;
	s30 =	sshrl.u32 s2, $0x3  }
0x15: {  	v0 =	vmov s25;
	s20 =	sadd.s32 s0, s20;
	s21 =	sadd.s32 s1, s3;
	s22 =	sadd.s32 s0, s30  }
.LBB2_1:
0x16: {  	s0 =	rddreg [dreg:$0x1]  }
0x17: {  	[tilespmem:s23], [sflag:$0x3] =	stream.linear.gather [hbm4b:s0+s4], $0x2000, $0x38;
	[tilespmem:$0x1E040] =	vst v63  }
0x18: {  	_ =	swait.ge [sflag:s24], $0x2000  }
0x19: {  	[sflag:s24] =	ssyncset.done $0x0  }
0x1a: {  	[sflag:s24] =	ssyncadd.s32 $0xFFFFE000  }
0x1b: {  	[spmem:s6] =	stream.linear.scatter [tilespmem:s23], [sflag:$0x3], $0x2000, $0x38;
	[tilespmem:$0x1E040] =	vst v63  }
0x1c: {  	_ =	swait.ge [sflag:s24], $0x2000  }
0x1d: {  	[sflag:s24] =	ssyncset.done $0x0  }
0x1e: {  	[sflag:s24] =	ssyncadd.s32 $0xFFFFE000  }
0x1f: {  	[spmem:s10] =	stream.linear.scatter [tilespmem:s23], [sflag:$0x3], $0x2000, $0x38;
	[tilespmem:$0x1E040] =	vst v63  }
0x20: {  	_ =	swait.ge [sflag:s24], $0x2000  }
0x21: {  	[sflag:s24] =	ssyncset.done $0x0  }
0x22: {  	[sflag:s24] =	ssyncadd.s32 $0xFFFFE000  }
0x23: {  	[spmem:s11] =	stream.linear.scatter [tilespmem:s23], [sflag:$0x3], $0x2000, $0x38;
	[tilespmem:$0x1E040] =	vst v63  }
0x24: {  	_ =	swait.ge [sflag:s24], $0x2000  }
0x25: {  	[sflag:s24] =	ssyncset.done $0x0  }
0x26: {  	[sflag:s24] =	ssyncadd.s32 $0xFFFFE000  }
0x27: {  	[spmem:s12] =	stream.linear.scatter [tilespmem:s23], [sflag:$0x3], $0x2000, $0x38;
	[tilespmem:$0x1E040] =	vst v63  }
0x28: {  	_ =	swait.ge [sflag:s24], $0x2000  }
0x29: {  	[sflag:s24] =	ssyncset.done $0x0  }
0x2a: {  	[sflag:s24] =	ssyncadd.s32 $0xFFFFE000  }
0x2b: {  	[spmem:s13] =	stream.linear.scatter [tilespmem:s23], [sflag:$0x3], $0x2000, $0x38;
	[tilespmem:$0x1E040] =	vst v63  }
0x2c: {  	_ =	swait.ge [sflag:s24], $0x2000  }
0x2d: {  	[sflag:s24] =	ssyncset.done $0x0  }
0x2e: {  	s25 =	rddreg [dreg:$0x4];
	[sflag:s24] =	ssyncadd.s32 $0xFFFFE000  }
0x2f: {  	[tilespmem:s4], [sflag:$0x3] =	stream.linear.gather [hbm4b:s25+s4], $0x4E80, $0x38;
	[tilespmem:$0x1E040] =	vst v63  }
0x30: {  	_ =	swait.ge [sflag:s24], $0x4E80  }
0x31: {  	[sflag:s24] =	ssyncset.done $0x0  }
0x32: {  	s1 =	simm.s32 $0x5000;
	s30 =	rddreg [dreg:$0x5];
	[sflag:s24] =	ssyncadd.s32 $0xFFFFB180  }
0x33: {  	[tilespmem:s1], [sflag:$0x3] =	stream.linear.gather [hbm4b:s30+s4], $0x4E80, $0x38;
	[tilespmem:$0x1E040] =	vst v63  }
0x34: {  	_ =	swait.ge [sflag:s24], $0x4E80  }
0x35: {  	[sflag:s24] =	ssyncset.done $0x0  }
0x36: {  	s0 =	simm.s32 $0x0;
	[sflag:s24] =	ssyncadd.s32 $0xFFFFB180  }
0x37: {  	v2 =	vld [tilespmem:s0+$0x5000]  }
0x38: {  	v3 =	vld [tilespmem:s0+$0x5010]  }
0x39: {  	v5 =	vld [tilespmem:s0+$0x5020]  }
0x3a: {  	v4 =	vld [tilespmem:s0+$0x5030]  }
0x3b: {  	v1 =	vld [tilespmem:s0+$0x5040]  }
0x3c: {  	v6 =	vsub.s32 v2, v0;
	v2 =	vld [tilespmem:s0+$0x5050]  }
0x3d: {  	s2 =	simm.s32 $0x200;
	v7 =	vsub.s32 v3, v0;
	v3 =	vld [tilespmem:s0+$0x5060];
	v6 =	vmin.u32 v6, $0x1400  }
.LBB2_2:
0x3e: {  	s1 =	sshra.s32 s2, $0x2;
	p0 =	sne.s32 s2, $0x13800;
	[tilespmem:s0+$0x5000] =	vst v6;
	v6 =	vmin.u32 v7, $0x1400;
	v5 =	vsub.s32 v5, v0;
	v7 =	vld [tilespmem:s0+$0x5070]  }
0x3f: {  	v8 =	vld [tilespmem:s1+$0x5000];
	[tilespmem:s0+$0x5010] =	vst v6;
	v5 =	vmin.u32 v5, $0x1400;
	v4 =	vsub.s32 v4, v0  }
0x40: {  	v9 =	vld [tilespmem:s1+$0x5010];
	[tilespmem:s0+$0x5020] =	vst v5;
	v4 =	vmin.u32 v4, $0x1400;
	v1 =	vsub.s32 v1, v0  }
.Ltmp0:
0x41: {  	v5 =	vld [tilespmem:s1+$0x5020];
	[tilespmem:s0+$0x5030] =	vst v4;
	v1 =	vmin.u32 v1, $0x1400;
	v2 =	vsub.s32 v2, v0;
	(pc) =	sbr.rel @p0 .LBB2_2-.Ltmp0, $4  }
0x42: {  	v4 =	vld [tilespmem:s1+$0x5030];
	[tilespmem:s0+$0x5040] =	vst v1;
	v2 =	vmin.u32 v2, $0x1400;
	v3 =	vsub.s32 v3, v0  }
0x43: {  	v1 =	vld [tilespmem:s1+$0x5040];
	[tilespmem:s0+$0x5050] =	vst v2;
	v3 =	vmin.u32 v3, $0x1400;
	v6 =	vsub.s32 v7, v0  }
0x44: {  	v7 =	vsub.s32 v8, v0;
	v2 =	vld [tilespmem:s1+$0x5050];
	[tilespmem:s0+$0x5060] =	vst v3;
	v8 =	vmin.u32 v6, $0x1400  }
0x45: {  	s2 =	sadd.s32 $0x200, s2;
	v6 =	vmin.u32 v7, $0x1400;
	v7 =	vsub.s32 v9, v0;
	v3 =	vld [tilespmem:s1+$0x5060];
	[tilespmem:s0+$0x5070] =	vst v8;
	s0 =	smov.u32 s1  }
0x46: {  	[tilespmem:s0+$0x5000] =	vst v6;
	v62 =	vmin.u32 v7, $0x1400;
	v5 =	vsub.s32 v5, v0;
	v63 =	vld [tilespmem:s0+$0x5070]  }
0x47: {  	[tilespmem:s0+$0x5010] =	vst v62;
	v5 =	vmin.u32 v5, $0x1400;
	v4 =	vsub.s32 v4, v0  }
0x48: {  	[tilespmem:s0+$0x5020] =	vst v5;
	v4 =	vmin.u32 v4, $0x1400;
	v1 =	vsub.s32 v1, v0  }
0x49: {  	[tilespmem:s0+$0x5030] =	vst v4;
	v1 =	vmin.u32 v1, $0x1400;
	v2 =	vsub.s32 v2, v0  }
0x4a: {  	[tilespmem:s0+$0x5040] =	vst v1;
	v1 =	vmin.u32 v2, $0x1400;
	v2 =	vsub.s32 v3, v0  }
0x4b: {  	[tilespmem:s0+$0x5050] =	vst v1;
	v1 =	vmin.u32 v2, $0x1400;
	v2 =	vsub.s32 v63, v0  }
0x4c: {  	s1 =	simm.s32 $0x1;
	[tilespmem:s0+$0x5060] =	vst v1;
	v1 =	vmin.u32 v2, $0x1400  }
0x4d: {  	s30 =	simm.s32 $0x80;
	s1 =	sand.u32 $0x1, s1;
	[tilespmem:s0+$0x5070] =	vst v1  }
0x4e: {  	s2 =	sshll.u32 s1, $0xE;
	s25 =	sxor.u32 $0x1, s1;
	[bflag:$0x0] =	sbarrier.arrive $0xFFFF  }
0x4f: {  	[tilespmem:s26], [sflag:$0x1] =	stream.indirect.gather [hbm4b:s5+s30], $0x80, s4, s30, $0xb8;
	[tilespmem:$0x1E040] =	vst v63  }
0x50: {  	s1 =	sadd.s32 $0x1, s1;
	s2 =	sor.u32 $0xA000, s2;
	s7 =	sadd.s32 $0x1, s25  }
0x51: {  	[tilespmem:s2], [sflag:s1] =	stream.indirect.gather [hbm4b:s5+s28], $0x80, s30, s28, $0xb8;
	[tilespmem:$0x1E040] =	vst v63  }
0x52: {  	s8 =	sshll.u32 s25, $0xE;
	s25 =	simm.s32 $0x5000;
	_ =	swait.ge [sflag:s7], $0x4000  }
0x53: {  	s0 =	simm.s32 $0x5080;
	s1 =	sor.u32 $0xA000, s8;
	[sflag:s7] =	ssyncset.done $0x0  }
0x54: {  	s30 =	simm.s32 $0x2;
	s2 =	simm.s32 $0x100;
	[sflag:s7] =	ssyncadd.s32 $0xFFFFC000  }
0x55: {  	[spmem:s3] =	stream.indirect.scatter.add.f32 [tilespmem:s1], [sflag:$0x3], $0x80, s25, s28, $0xb8;
	[tilespmem:$0x1E040] =	vst v63  }
0x56: {  	s1 =	simm.s32 $0x3;
	s25 =	sand.u32 $0x1, s30;
	_ =	swait.ge [sflag:s24], $0x4000  }
.LBB2_4:
0x57: {  	s30 =	sshll.u32 s25, $0xE;
	s7 =	sxor.u32 $0x1, s25  }
0x58: {  	[sflag:s24] =	ssyncset.done $0x0;
	s8 =	smov.u32 s1;
	s25 =	sadd.s32 $0x1, s25  }
0x59: {  	p0 =	sne.s32 s1, $0x9C;
	s30 =	sor.u32 $0xA000, s30;
	[sflag:s24] =	ssyncadd.s32 $0xFFFFC000  }
0x5a: {  	[tilespmem:s30], [sflag:s25] =	stream.indirect.gather [hbm4b:s5+s28], $0x80, s2, s28, $0xb8;
	[tilespmem:$0x1E040] =	vst v63  }
0x5b: {  	s30 =	sadd.s32 $0x1, s1;
	s25 =	sshll.u32 s7, $0xE;
	s7 =	sadd.s32 $0x1, s7  }
.Ltmp1:
0x5c: {  	_ =	swait.ge [sflag:s7], $0x4000;
	(pc) =	sbr.rel @p0 .LBB2_4-.Ltmp1, $4  }
0x5d: {  	s1 =	sor.u32 $0xA000, s25;
	[sflag:s7] =	ssyncset.done $0x0  }
0x5e: {  	s2 =	sadd.s32 $0x80, s2;
	s25 =	sand.u32 $0x1, s8;
	[sflag:s7] =	ssyncadd.s32 $0xFFFFC000  }
0x5f: {  	[spmem:s3] =	stream.indirect.scatter.add.f32 [tilespmem:s1], [sflag:$0x3], $0x80, s0, s28, $0xb8;
	[tilespmem:$0x1E040] =	vst v63  }
0x60: {  	s0 =	sadd.s32 $0x80, s0;
	s1 =	smov.u32 s30;
	_ =	swait.ge [sflag:s24], $0x4000  }
0x61: {  	s1 =	sshll.u32 s25, $0xE;
	s7 =	sxor.u32 $0x1, s25;
	[sflag:s24] =	ssyncset.done $0x0  }
0x62: {  	s8 =	sadd.s32 $0x1, s25;
	s1 =	sor.u32 $0xA000, s1;
	[sflag:s24] =	ssyncadd.s32 $0xFFFFC000  }
0x63: {  	[tilespmem:s1], [sflag:s8] =	stream.indirect.gather [hbm4b:s5+s28], $0x80, s2, s28, $0xb8;
	[tilespmem:$0x1E040] =	vst v63  }
0x64: {  	s8 =	sadd.s32 $0x1, s7  }
0x65: {  	_ =	swait.ge [sflag:s8], $0x4000  }
0x66: {  	s25 =	sshll.u32 s7, $0xE;
	[sflag:s8] =	ssyncset.done $0x0  }
0x67: {  	s2 =	sor.u32 $0xA000, s25;
	[sflag:s8] =	ssyncadd.s32 $0xFFFFC000  }
0x68: {  	[spmem:s3] =	stream.indirect.scatter.add.f32 [tilespmem:s2], [sflag:$0x3], $0x80, s0, s28, $0xb8;
	[tilespmem:$0x1E040] =	vst v63  }
0x69: {  	_ =	swait.ge [sflag:s24], $0x4000  }
0x6a: {  	[sflag:s24] =	ssyncset.done $0x0  }
0x6b: {  	[sflag:s24] =	ssyncadd.s32 $0xFFFFC000  }
0x6c: {  	_ =	swait.ge [sflag:s29], $0x4000  }
0x6d: {  	[sflag:s29] =	ssyncset.done $0x0  }
0x6e: {  	s30 =	simm.s32 $0x9E00;
	[sflag:s29] =	ssyncadd.s32 $0xFFFFC000  }
0x6f: {  	[spmem:s3] =	stream.indirect.scatter.add.f32 [tilespmem:s26], [sflag:$0x3], $0x80, s30, s28, $0xb8;
	[tilespmem:$0x1E040] =	vst v63  }
0x70: {  	_ =	swait.ge [sflag:s24], $0x4000  }
0x71: {  	[sflag:s24] =	ssyncset.done $0x0  }
0x72: {  	[sflag:s24] =	ssyncadd.s32 $0xFFFFC000  }
0x73: {  	[bflag:$0x0] =	sbarrier.arrive $0xFFFF  }
0x74: {  	[tilespmem:s23], [sflag:$0x3] =	stream.linear.gather [spmem:s6], $0x2000, $0x38;
	[tilespmem:$0x1E040] =	vst v63  }
0x75: {  	_ =	swait.ge [sflag:s24], $0x2000  }
0x76: {  	[sflag:s24] =	ssyncset.done $0x0  }
0x77: {  	[sflag:s24] =	ssyncadd.s32 $0xFFFFE000  }
0x78: {  	[hbm4b:s14+s4] =	stream.linear.scatter [tilespmem:s23], [sflag:$0x3], $0x2000, $0x38;
	[tilespmem:$0x1E040] =	vst v63  }
0x79: {  	_ =	swait.ge [sflag:s24], $0x2000  }
0x7a: {  	[sflag:s24] =	ssyncset.done $0x0  }
0x7b: {  	[sflag:s24] =	ssyncadd.s32 $0xFFFFE000  }
0x7c: {  	[tilespmem:s23], [sflag:$0x3] =	stream.linear.gather [spmem:s15], $0x2000, $0x38;
	[tilespmem:$0x1E040] =	vst v63  }
0x7d: {  	_ =	swait.ge [sflag:s24], $0x2000  }
0x7e: {  	[sflag:s24] =	ssyncset.done $0x0  }
0x7f: {  	[sflag:s24] =	ssyncadd.s32 $0xFFFFE000  }
0x80: {  	[hbm4b:s16+s4] =	stream.linear.scatter [tilespmem:s23], [sflag:$0x3], $0x2000, $0x38;
	[tilespmem:$0x1E040] =	vst v63  }
0x81: {  	_ =	swait.ge [sflag:s24], $0x2000  }
0x82: {  	[sflag:s24] =	ssyncset.done $0x0  }
0x83: {  	[sflag:s24] =	ssyncadd.s32 $0xFFFFE000  }
0x84: {  	[tilespmem:s23], [sflag:$0x3] =	stream.linear.gather [spmem:s17], $0x2000, $0x38;
	[tilespmem:$0x1E040] =	vst v63  }
0x85: {  	_ =	swait.ge [sflag:s24], $0x2000  }
0x86: {  	[sflag:s24] =	ssyncset.done $0x0  }
0x87: {  	[sflag:s24] =	ssyncadd.s32 $0xFFFFE000  }
0x88: {  	[hbm4b:s18+s4] =	stream.linear.scatter [tilespmem:s23], [sflag:$0x3], $0x2000, $0x38;
	[tilespmem:$0x1E040] =	vst v63  }
0x89: {  	_ =	swait.ge [sflag:s24], $0x2000  }
0x8a: {  	[sflag:s24] =	ssyncset.done $0x0  }
0x8b: {  	[sflag:s24] =	ssyncadd.s32 $0xFFFFE000  }
0x8c: {  	[tilespmem:s23], [sflag:$0x3] =	stream.linear.gather [spmem:s19], $0x2000, $0x38;
	[tilespmem:$0x1E040] =	vst v63  }
0x8d: {  	_ =	swait.ge [sflag:s24], $0x2000  }
0x8e: {  	[sflag:s24] =	ssyncset.done $0x0  }
0x8f: {  	[sflag:s24] =	ssyncadd.s32 $0xFFFFE000  }
0x90: {  	[hbm4b:s20+s4] =	stream.linear.scatter [tilespmem:s23], [sflag:$0x3], $0x2000, $0x38;
	[tilespmem:$0x1E040] =	vst v63  }
0x91: {  	_ =	swait.ge [sflag:s24], $0x2000  }
0x92: {  	[sflag:s24] =	ssyncset.done $0x0  }
0x93: {  	[sflag:s24] =	ssyncadd.s32 $0xFFFFE000  }
0x94: {  	[tilespmem:s23], [sflag:$0x3] =	stream.linear.gather [spmem:s21], $0x2000, $0x38;
	[tilespmem:$0x1E040] =	vst v63  }
0x95: {  	s31 =	sadd.s32 $0x1, s31;
	_ =	swait.ge [sflag:s24], $0x2000  }
0x96: {  	p0 =	sne.s32 s31, s9;
	[sflag:s24] =	ssyncset.done $0x0  }
.Ltmp2:
0x97: {  	[sflag:s24] =	ssyncadd.s32 $0xFFFFE000;
	(pc) =	sbr.rel @p0 .LBB2_1-.Ltmp2, $4  }
0x98: {  	[hbm4b:s22+s4] =	stream.linear.scatter [tilespmem:s23], [sflag:$0x3], $0x2000, $0x38;
	[tilespmem:$0x1E040] =	vst v63  }
0x99: {  	_ =	swait.ge [sflag:s24], $0x2000  }
0x9a: {  	[sflag:s24] =	ssyncset.done $0x0  }
0x9b: {  	[sflag:s24] =	ssyncadd.s32 $0xFFFFE000  }
0x9c: {  	_ =	sfence.sel $0x180000  }
0x9d: {  	[bflag:$0x0] =	sbarrier.arrive $0xFFFF  }
0x9e: {  	_ =	strace $0x9000004A  }
0x9f: {  	s0 =	stileid.u32;
	[bflag:$0x2] =	sbarrier.arrive $0xFFFF  }
0xa0: {  	p0 =	sne.s32 s0, $0x0;
	s0 =	rddreg [dreg:$0x3]  }
0xa1: {  	s0 =	sadd.s32 @!p0 $0x100000, s0  }
0xa2: {  	[sflag:s0] =	ssyncadd.tile.s32 @!p0 $0x1;
	_ =	shalt  }
.Lfunc_end2:
_tile_overlayer_lowered:
.L_overlay_start_2:
0xa3: {  	(tag) =	ssettag $0x2  }
0xa4: {  	s0 =	rddreg [dreg:$0x0];
	s2 =	stileid.u32  }
0xa5: {  	s1 =	rddreg [dreg:$0x1];
	p0 =	sne.s32 s2, $0x0  }
0xa6: {  	s3 =	rddreg [dreg:$0x2];
	[bflag:$0x3] =	sbarrier.arrive $0xFFFF;
	s2 =	simm.s32 @!p0 $0x1C03  }
0xa7: {  	[timem:s3], [sflag:s2] =	dma.local @!p0 [hbm:s0], s1  }
0xa8: {  	s0 =	simm.s32 @!p0 $0x3  }
0xa9: {  	_ =	swait.ge @!p0 [sflag:s0], s1  }
0xaa: {  	s1 =	ssub.s32 @!p0 $0x0, s1;
	[sflag:s0] =	ssyncset.done @!p0 $0x0  }
0xab: {  	[sflag:s0] =	ssyncadd.s32 @!p0 s1  }
0xac: {  	[bflag:$0x3] =	sbarrier.arrive $0xFFFF  }
0xad: {  	_ =	shalt  }

// kernel: kernel.14.cloned.1.call-start
scs
__scs_entry_jumppad:
0x0: {  	(pc) =	sbr.rel $0x88, $3  }
0x1: {  	(tag) =	ssettag $0x0;
	lr =	simm.s32 $0x1  }
0x2: {  	[smem:$0x3F90] =	sst lr;
	_ =	strace $0xD0000000  }
0x3: {  	_ = 	snop  }
0x4: {  	_ = 	snop  }
0x5: {  	_ = 	snop  }
0x6: {  	_ = 	snop  }
0x7: {  	_ = 	snop  }
__scs_overlays_trampoline_lowered:
0x8: {  	[smem:$0x3F9F] =	sst s0  }
0x9: {  	[smem:$0x3FA0] =	sst s1  }
0xa: {  	[smem:$0x3FA1] =	sst s2  }
0xb: {  	[smem:$0x3FA2] =	sst s3  }
0xc: {  	[smem:$0x3FA3] =	sst s4  }
0xd: {  	[smem:$0x3FA4] =	sst s5  }
0xe: {  	[smem:$0x3FA5] =	sst s6  }
0xf: {  	[smem:$0x3FA6] =	sst s7  }
0x10: {  	[smem:$0x3FA7] =	sst s8  }
0x11: {  	[smem:$0x3FA8] =	sst s9;
	s0 =	simm.s32 @!p0 $0x0  }
0x12: {  	s1 =	sld [smem:$0x3F8E];
	s0 =	simm.s32 @p0 $0x1  }
0x13: {  	[smem:$0x3FA9] =	sst s0;
	s0 =	simm.s32 @!p1 $0x0  }
0x14: {  	s2 =	sld [smem:$0x3F8D];
	s0 =	simm.s32 @p1 $0x1  }
0x15: {  	[smem:$0x3FAA] =	sst s0;
	s0 =	simm.s32 @!p2 $0x0  }
0x16: {  	s3 =	sld [smem:$0x3FDB];
	s0 =	simm.s32 @p2 $0x1  }
0x17: {  	s4 =	simm.s32 $0x1BF5;
	[smem:$0x3FAC] =	sst s0  }
0x18: {  	s0 =	sld [smem:$0x3F8F];
	_ =	swait.ge [sflag:s4], $0x0  }
0x19: {  	s7 =	sld [smem:$0x3F90]  }
0x1a: {  	s8 =	sadd.s32 $0xFFFFE003, lr  }
0x1b: {  	s9 =	sadd.s32 $0xFFFFFEF7, lr;
	s5 =	simm.s32 $0xFFFFFFFF;
	p2 =	slt.u32 s8, $0xFFFFF086  }
0x1c: {  	p1 =	slt.u32 s9, $0xF7A;
	s5 =	simm.s32 @!p2 $0x0  }
0x1d: {  	s5 =	simm.s32 @p1 $0x1;
	p0 =	seq.s32 s7, s2  }
0x1e: {  	s7 =	smul.u32 @!p0 $0xF7A, s2;
	p2 =	seq.s32 @!p0 s5, $0x0  }
0x1f: {  	s9 =	smul.u32 $0xF7A, s1;
	s8 =	simm.s32 @!p0 $0x1BF5;
	p2 =	por !p2, p0  }
0x20: {  	[sflag:s8] =	ssyncset.s32 @!p0 $0xFFFFF086;
	s6 =	sadd.s32 @!p0 s3, s7;
	s7 =	simm.s32 @!p0 $0x108  }
0x21: {  	s3 =	sadd.s32 s3, s9;
	s6 =	sadd.s32 @!p0 $0x88, s6;
	s7 =	simm.s32 @p2 $0x1082  }
0x22: {  	[simem:s7], [sflag:s8] =	dma.local @!p0 [hbm:s6], $0xF7A  }
0x23: {  	s9 =	sor.u32 $0xD0000000, s2;
	s6 =	simm.s32 $0x108;
	_ =	swait.ge @!p0 [sflag:s8], $0x0  }
0x24: {  	s3 =	sadd.s32 $0x88, s3;
	s6 =	simm.s32 @!p1 $0x1082;
	[sflag:s4] =	ssyncset.s32 $0xFFFFF086  }
0x25: {  	[simem:s6], [sflag:s4] =	dma.local [hbm:s3], $0xF7A  }
0x26: {  	[smem:$0x3F90] =	sst s1;
	(tag) =	ssettag s2;
	_ =	strace s9  }
0x27: {  	s1 =	sld [smem:$0x3FA0]  }
0x28: {  	s2 =	sld [smem:$0x3FA1]  }
0x29: {  	s4 =	sld [smem:$0x3FA3]  }
0x2a: {  	p0 =	seq.s32 s5, $0x0;
	s5 =	sld [smem:$0x3FA4]  }
0x2b: {  	s6 =	sld [smem:$0x3FA5]  }
0x2c: {  	s7 =	sld [smem:$0x3FA6]  }
0x2d: {  	s3 =	simm.s32 $0x108;
	s8 =	sld [smem:$0x3FA7]  }
0x2e: {  	s3 =	simm.s32 @!p0 $0x1082;
	s9 =	sld [smem:$0x3FA8]  }
0x2f: {  	lr =	sadd.s32 s0, s3;
	s0 =	sld [smem:$0x3F9F]  }
0x30: {  	s3 =	sld [smem:$0x3FA2]  }
0x31: {  	[smem:$0x3FAB] =	sst s10  }
0x32: {  	s10 =	sld [smem:$0x3FA9];
	_ =	sdelay $0x3  }
0x33: {  	p0 =	seq.s32 s10, $0x1;
	s10 =	sld [smem:$0x3FAB];
	_ =	sdelay $0x3  }
0x34: {  	[smem:$0x3FAB] =	sst s10  }
0x35: {  	s10 =	sld [smem:$0x3FAA];
	_ =	sdelay $0x3  }
0x36: {  	p1 =	seq.s32 s10, $0x1;
	s10 =	sld [smem:$0x3FAB];
	_ =	sdelay $0x3  }
0x37: {  	[smem:$0x3FAB] =	sst s10  }
0x38: {  	s10 =	sld [smem:$0x3FAC]  }
0x39: {  	_ = 	snop;
	(pc) =	sbr.ind lr, $3  }
0x3a: {  	_ = 	snop  }
0x3b: {  	_ = 	snop  }
0x3c: {  	p2 =	seq.s32 s10, $0x1;
	s10 =	sld [smem:$0x3FAB]  }
0x3d: {  	_ =	shalt  }
0x3e: {  	_ =	shalt  }
0x3f: {  	_ =	shalt  }
0x40: {  	_ =	shalt  }
0x41: {  	_ =	shalt  }
0x42: {  	_ =	shalt  }
0x43: {  	_ =	shalt  }
0x44: {  	_ =	shalt  }
0x45: {  	_ =	shalt  }
0x46: {  	_ =	shalt  }
0x47: {  	_ =	shalt  }
0x48: {  	_ =	shalt  }
0x49: {  	_ =	shalt  }
0x4a: {  	_ =	shalt  }
0x4b: {  	_ =	shalt  }
0x4c: {  	_ =	shalt  }
0x4d: {  	_ =	shalt  }
0x4e: {  	_ =	shalt  }
0x4f: {  	_ =	shalt  }
0x50: {  	_ =	shalt  }
0x51: {  	_ =	shalt  }
0x52: {  	_ =	shalt  }
0x53: {  	_ =	shalt  }
0x54: {  	_ =	shalt  }
0x55: {  	_ =	shalt  }
0x56: {  	_ =	shalt  }
0x57: {  	_ =	shalt  }
0x58: {  	_ =	shalt  }
0x59: {  	_ =	shalt  }
0x5a: {  	_ =	shalt  }
0x5b: {  	_ =	shalt  }
0x5c: {  	_ =	shalt  }
0x5d: {  	_ =	shalt  }
0x5e: {  	_ =	shalt  }
0x5f: {  	_ =	shalt  }
0x60: {  	_ =	shalt  }
0x61: {  	_ =	shalt  }
0x62: {  	_ =	shalt  }
0x63: {  	_ =	shalt  }
0x64: {  	_ =	shalt  }
0x65: {  	_ =	shalt  }
0x66: {  	_ =	shalt  }
0x67: {  	_ =	shalt  }
0x68: {  	_ =	shalt  }
0x69: {  	_ =	shalt  }
0x6a: {  	_ =	shalt  }
0x6b: {  	_ =	shalt  }
0x6c: {  	_ =	shalt  }
0x6d: {  	_ =	shalt  }
0x6e: {  	_ =	shalt  }
0x6f: {  	_ =	shalt  }
0x70: {  	_ =	shalt  }
0x71: {  	_ =	shalt  }
0x72: {  	_ =	shalt  }
0x73: {  	_ =	shalt  }
0x74: {  	_ =	shalt  }
0x75: {  	_ =	shalt  }
0x76: {  	_ =	shalt  }
0x77: {  	_ =	shalt  }
0x78: {  	_ =	shalt  }
0x79: {  	_ =	shalt  }
0x7a: {  	_ =	shalt  }
0x7b: {  	_ =	shalt  }
0x7c: {  	_ =	shalt  }
0x7d: {  	_ =	shalt  }
0x7e: {  	_ =	shalt  }
0x7f: {  	_ =	shalt  }
0x80: {  	_ =	shalt  }
0x81: {  	_ =	shalt  }
0x82: {  	_ =	shalt  }
0x83: {  	_ =	shalt  }
0x84: {  	_ =	shalt  }
0x85: {  	_ =	shalt  }
0x86: {  	_ =	shalt  }
0x87: {  	_ =	shalt  }
.Lfunc_end0:
.L_simem_size_0:
called_computation.2_lowered:
.L_overlay_start_0:
0x88: {  	s2 =	sld [smem:$0x3FD9]  }
0x89: {  	s3 =	sld [smem:$0x3FFE];
	_ =	sdelay $0x1  }
0x8a: {  	s1 =	srdreg.scid  }
0x8b: {  	s0 =	sand.u32 $0x1, s1  }
0x8c: {  	s14 =	sshll.u32 s0, $0xA;
	s2 =	sadd.s32 s3, s2  }
0x8d: {  	s2 =	sadd.s32 s2, s14  }
0x8e: {  	[smem:$0x3FB7] =	sst s2  }
0x8f: {  	_ = 	snop  }
0x90: {  	s2 =	sld [smem:$0x3FD0];
	_ =	sdelay $0x2  }
0x91: {  	s15 =	simm.s32 $0xA;
	s4 =	simm.s32 $0x10  }
0x92: {  	[smem:s4], [sflag:s15] =	dma.local [hbm:s2], $0x1  }
0x93: {  	_ =	swait.eq [sflag:s15], $0x1  }
0x94: {  	[sflag:s15] =	ssyncset.done $0x0  }
0x95: {  	[sflag:s15] =	ssyncadd.s32 $0xFFFFFFFF  }
0x96: {  	s16 =	sld [smem:$0x11];
	(tm) =	ssettm $0x1  }
0x97: {  	s17 =	sld [smem:$0x3FFB];
	_ =	sdelay $0x3  }
0x98: {  	_ =	strace s17  }
0x99: {  	s3 =	sld [smem:$0x3FFC];
	_ =	sdelay $0x3  }
0x9a: {  	_ =	strace s3  }
0x9b: {  	s3 =	sld [smem:$0x3FFD];
	_ =	sdelay $0x3  }
0x9c: {  	_ =	strace s3  }
0x9d: {  	_ =	strace $0x8FFFFFFF  }
0x9e: {  	s18 =	sld [smem:$0x3FDB];
	_ =	sdelay $0x1  }
0x9f: {  	s19 =	simm.s32 $_scs_section_size  }
0xa0: {  	s5 =	simm.s32 $_size__tile_overlayer_lowered;
	s6 =	simm.s32 $_tile_overlayer_lowered  }
0xa1: {  	s22 =	simm.s32 $0x1BFF;
	s21 =	sshll.u32 s6, $0x1;
	s3 =	sadd.s32 s19, s18  }
0xa2: {  	s7 =	simm.s32 $0x0;
	s20 =	sshll.u32 s5, $0x1;
	s5 =	sadd.s32 s21, s3  }
0xa3: {  	[timem:s7], [sflag:s22] =	dma.local [hbm:s5], s20  }
0xa4: {  	_ =	swait.ge [sflag:s22], s20  }
0xa5: {  	s4 =	ssub.s32 $0x0, s20;
	[sflag:s22] =	ssyncset.done $0x0  }
0xa6: {  	[sflag:s22] =	ssyncadd.s32 s4;
	_ =	sdelay $0x1  }
0xa7: {  	s23 =	simm.s32 $0x1B8B  }
0xa8: {  	_ =	swait.ge [sflag:s23], $0x1  }
0xa9: {  	[sflag:s23] =	ssyncset.done $0x0  }
0xaa: {  	s25 =	simm.s32 $0x1B8E;
	s24 =	sld [smem:$0x3FFE];
	[sflag:s23] =	ssyncadd.s32 $0xFFFFFFFF  }
0xab: {  	s26 =	simm.s32 $execute0_lowered;
	[smem:$0x3FD2] =	sst s25  }
0xac: {  	s5 =	sshll.u32 s26, $0x1;
	_ =	strace $0x8000004C;
	[dreg:$0x1] =	wrdreg $0xFFFFFFFF  }
0xad: {  	s28 =	simm.s32 $_size_execute0_lowered;
	s3 =	sadd.s32 s3, s5;
	[dreg:$0x0] =	wrdreg $0x0  }
0xae: {  	s5 =	sshll.u32 s28, $0x1;
	[dreg:$0x2] =	wrdreg s3  }
0xaf: {  	[dreg:$0x3] =	wrdreg s5  }
0xb0: {  	[dreg:$0x4] =	wrdreg $0xC0  }
0xb1: {  	_ =	task [dreg:s7], $0x5FFFF  }
0xb2: {  	[dreg:$0x1] =	wrdreg $0xFFFFFFFF  }
0xb3: {  	[dreg:$0x0] =	wrdreg $0x60  }
0xb4: {  	[dreg:$0x2] =	wrdreg s24  }
0xb5: {  	[dreg:$0x3] =	wrdreg s16  }
0xb6: {  	[dreg:$0x4] =	wrdreg $0x140000  }
0xb7: {  	[dreg:$0x5] =	wrdreg $0x9  }
0xb8: {  	_ =	task.clear_ibuf [dreg:s7], $0x6FFFF;
	_ =	strace $0x9000004C  }
0xb9: {  	s29 =	simm.s32 $0x9;
	_ =	strace $0x8000004E  }
0xba: {  	_ =	swait.ge [sflag:s29], $0x1  }
0xbb: {  	[sflag:s29] =	ssyncadd.s32 $0xFFFFFFFF  }
0xbc: {  	_ =	strace $0x9000004E  }
0xbd: {  	_ =	sfence  }
0xbe: {  	s30 =	sld [smem:$0x0];
	_ =	sdelay $0x2  }
0xbf: {  	s31 =	sshll.u32 s1, $0xD;
	s1 =	sshrl.u32 s1, $0x2  }
0xc0: {  	s3 =	sand.u32 $0x4000, s31;
	s1 =	sadd.s32 s1, s30  }
0xc1: {  	s0 =	sor.u32 s3, s0;
	s1 =	sshll.u32 s1, $0x11  }
0xc2: {  	s0 =	sor.u32 s1, s0  }
0xc3: {  	s0 =	sadd.s32 $0x8F2B, s0  }
0xc4: {  	[sflag:s0] =	ssyncadd.remote.s32 $0x1  }
0xc5: {  	_ =	sfence.sel $0xFFFF  }
0xc6: {  	[dreg:$0x0] =	wrdreg $0xFFFFFFFF;
	(pc) =	sbr.abs _section_cstart, $3  }
0xc7: {  	[dreg:$0x1] =	wrdreg $0xFFFFFFFF  }
0xc8: {  	_ =	task.clear_ibuf [dreg:s7], $0x2FFFF;
	_ =	strace $0x9FFFFFFF  }
0xc9: {  	(tm) =	ssettm $0x7FFFFFFF  }
tec
execute0_lowered:
.L_overlay_start_1:
0x0: {  	(tag) =	ssettag $0x1  }
0x1: {  	s0 =	rddreg [dreg:$0x0]  }
0x2: {  	s3 =	rddreg [dreg:$0x2]  }
0x3: {  	s4 =	simm.s32 $0x0;
	s10 =	stileid.u32;
	s2 =	srdreg.scid  }
0x4: {  	s23 =	simm.s32 $0x12000;
	s28 =	simm.s32 $0x80;
	s1 =	smul.u32 $0xA00, s10  }
0x5: {  	s29 =	simm.s32 $0x1;
	s31 =	simm.s32 $0x0;
	s6 =	smul.u32 $0x28000, s10  }
0x6: {  	[smem:$0x7FF] =	sst s4;
	s2 =	sand.u32 $0x1, s2;
	s26 =	smul.u32 $0xA000, s10  }
0x7: {  	s5 =	sadd.s32 $0x18200, s0;
	_ =	strace $0x8000004D;
	s25 =	smul.u32 $0x1400, s2  }
0x8: {  	s7 =	ssub.s32 $0x2, s2;
	s2 =	smul.u32 $0xA0000, s2;
	s1 =	sadd.s32 s1, s0  }
0x9: {  	s0 =	sadd.s32 $0x40200, s0;
	s8 =	sshrl.u32 s7, $0x1;
	s6 =	sshrl.u32 s6, $0x2  }
0xa: {  	s15 =	sadd.s32 $0x2000, s26;
	s17 =	sadd.s32 $0x4000, s26;
	s19 =	sadd.s32 $0x6000, s26  }
0xb: {  	s9 =	ssub.s32 s7, s8;
	s6 =	sadd.s32 s6, s3;
	s24 =	sadd.s32 $0x4200, s1  }
0xc: {  	s1 =	sadd.s32 $0xE200, s1;
	s14 =	sadd.s32 s2, s26;
	s16 =	sadd.s32 s2, s15  }
0xd: {  	s15 =	sadd.s32 s15, s3;
	s18 =	sadd.s32 s2, s17;
	s17 =	sadd.s32 s17, s3  }
0xe: {  	s20 =	sadd.s32 s2, s19;
	s19 =	sadd.s32 s19, s3;
	[dreg:$0x4] =	wrdreg s24  }
0xf: {  	[dreg:$0x5] =	wrdreg s1;
	s9 =	smax.u32 s9, $0x1;
	s10 =	sadd.s32 $0x2000, s6  }
0x10: {  	s11 =	sadd.s32 $0x4000, s6;
	s12 =	sadd.s32 $0x6000, s6;
	s13 =	sadd.s32 $0x8000, s6  }
0x11: {  	s14 =	sshrl.u32 s14, $0x3;
	s16 =	sshrl.u32 s16, $0x3;
	s18 =	sshrl.u32 s18, $0x3  }
0x12: {  	s1 =	sadd.s32 $0x8000, s26;
	s20 =	sshrl.u32 s20, $0x3;
	s24 =	simm.s32 $0x3  }
0x13: {  	s26 =	simm.s32 $0xA000;
	s14 =	sadd.s32 s0, s14;
	s2 =	sadd.s32 s2, s1  }
0x14: {  	s16 =	sadd.s32 s0, s16;
	s18 =	sadd.s32 s0, s18;
	s30 =	sshrl.u32 s2, $0x3  }
0x15: {  	v0 =	vmov s25;
	s20 =	sadd.s32 s0, s20;
	s21 =	sadd.s32 s1, s3;
	s22 =	sadd.s32 s0, s30  }
.LBB2_1:
0x16: {  	s0 =	rddreg [dreg:$0x1]  }
0x17: {  	[tilespmem:s23], [sflag:$0x3] =	stream.linear.gather [hbm4b:s0+s4], $0x2000, $0x38;
	[tilespmem:$0x1E040] =	vst v63  }
0x18: {  	_ =	swait.ge [sflag:s24], $0x2000  }
0x19: {  	[sflag:s24] =	ssyncset.done $0x0  }
0x1a: {  	[sflag:s24] =	ssyncadd.s32 $0xFFFFE000  }
0x1b: {  	[spmem:s6] =	stream.linear.scatter [tilespmem:s23], [sflag:$0x3], $0x2000, $0x38;
	[tilespmem:$0x1E040] =	vst v63  }
0x1c: {  	_ =	swait.ge [sflag:s24], $0x2000  }
0x1d: {  	[sflag:s24] =	ssyncset.done $0x0  }
0x1e: {  	[sflag:s24] =	ssyncadd.s32 $0xFFFFE000  }
0x1f: {  	[spmem:s10] =	stream.linear.scatter [tilespmem:s23], [sflag:$0x3], $0x2000, $0x38;
	[tilespmem:$0x1E040] =	vst v63  }
0x20: {  	_ =	swait.ge [sflag:s24], $0x2000  }
0x21: {  	[sflag:s24] =	ssyncset.done $0x0  }
0x22: {  	[sflag:s24] =	ssyncadd.s32 $0xFFFFE000  }
0x23: {  	[spmem:s11] =	stream.linear.scatter [tilespmem:s23], [sflag:$0x3], $0x2000, $0x38;
	[tilespmem:$0x1E040] =	vst v63  }
0x24: {  	_ =	swait.ge [sflag:s24], $0x2000  }
0x25: {  	[sflag:s24] =	ssyncset.done $0x0  }
0x26: {  	[sflag:s24] =	ssyncadd.s32 $0xFFFFE000  }
0x27: {  	[spmem:s12] =	stream.linear.scatter [tilespmem:s23], [sflag:$0x3], $0x2000, $0x38;
	[tilespmem:$0x1E040] =	vst v63  }
0x28: {  	_ =	swait.ge [sflag:s24], $0x2000  }
0x29: {  	[sflag:s24] =	ssyncset.done $0x0  }
0x2a: {  	[sflag:s24] =	ssyncadd.s32 $0xFFFFE000  }
0x2b: {  	[spmem:s13] =	stream.linear.scatter [tilespmem:s23], [sflag:$0x3], $0x2000, $0x38;
	[tilespmem:$0x1E040] =	vst v63  }
0x2c: {  	_ =	swait.ge [sflag:s24], $0x2000  }
0x2d: {  	[sflag:s24] =	ssyncset.done $0x0  }
0x2e: {  	s25 =	rddreg [dreg:$0x4];
	[sflag:s24] =	ssyncadd.s32 $0xFFFFE000  }
0x2f: {  	[tilespmem:s4], [sflag:$0x3] =	stream.linear.gather [hbm4b:s25+s4], $0x4E80, $0x38;
	[tilespmem:$0x1E040] =	vst v63  }
0x30: {  	_ =	swait.ge [sflag:s24], $0x4E80  }
0x31: {  	[sflag:s24] =	ssyncset.done $0x0  }
0x32: {  	s1 =	simm.s32 $0x5000;
	s30 =	rddreg [dreg:$0x5];
	[sflag:s24] =	ssyncadd.s32 $0xFFFFB180  }
0x33: {  	[tilespmem:s1], [sflag:$0x3] =	stream.linear.gather [hbm4b:s30+s4], $0x4E80, $0x38;
	[tilespmem:$0x1E040] =	vst v63  }
0x34: {  	_ =	swait.ge [sflag:s24], $0x4E80  }
0x35: {  	[sflag:s24] =	ssyncset.done $0x0  }
0x36: {  	s0 =	simm.s32 $0x0;
	[sflag:s24] =	ssyncadd.s32 $0xFFFFB180  }
0x37: {  	v2 =	vld [tilespmem:s0+$0x5000]  }
0x38: {  	v3 =	vld [tilespmem:s0+$0x5010]  }
0x39: {  	v5 =	vld [tilespmem:s0+$0x5020]  }
0x3a: {  	v4 =	vld [tilespmem:s0+$0x5030]  }
0x3b: {  	v1 =	vld [tilespmem:s0+$0x5040]  }
0x3c: {  	v6 =	vsub.s32 v2, v0;
	v2 =	vld [tilespmem:s0+$0x5050]  }
0x3d: {  	s2 =	simm.s32 $0x200;
	v7 =	vsub.s32 v3, v0;
	v3 =	vld [tilespmem:s0+$0x5060];
	v6 =	vmin.u32 v6, $0x1400  }
.LBB2_2:
0x3e: {  	s1 =	sshra.s32 s2, $0x2;
	p0 =	sne.s32 s2, $0x13800;
	[tilespmem:s0+$0x5000] =	vst v6;
	v6 =	vmin.u32 v7, $0x1400;
	v5 =	vsub.s32 v5, v0;
	v7 =	vld [tilespmem:s0+$0x5070]  }
0x3f: {  	v8 =	vld [tilespmem:s1+$0x5000];
	[tilespmem:s0+$0x5010] =	vst v6;
	v5 =	vmin.u32 v5, $0x1400;
	v4 =	vsub.s32 v4, v0  }
0x40: {  	v9 =	vld [tilespmem:s1+$0x5010];
	[tilespmem:s0+$0x5020] =	vst v5;
	v4 =	vmin.u32 v4, $0x1400;
	v1 =	vsub.s32 v1, v0  }
.Ltmp0:
0x41: {  	v5 =	vld [tilespmem:s1+$0x5020];
	[tilespmem:s0+$0x5030] =	vst v4;
	v1 =	vmin.u32 v1, $0x1400;
	v2 =	vsub.s32 v2, v0;
	(pc) =	sbr.rel @p0 .LBB2_2-.Ltmp0, $4  }
0x42: {  	v4 =	vld [tilespmem:s1+$0x5030];
	[tilespmem:s0+$0x5040] =	vst v1;
	v2 =	vmin.u32 v2, $0x1400;
	v3 =	vsub.s32 v3, v0  }
0x43: {  	v1 =	vld [tilespmem:s1+$0x5040];
	[tilespmem:s0+$0x5050] =	vst v2;
	v3 =	vmin.u32 v3, $0x1400;
	v6 =	vsub.s32 v7, v0  }
0x44: {  	v7 =	vsub.s32 v8, v0;
	v2 =	vld [tilespmem:s1+$0x5050];
	[tilespmem:s0+$0x5060] =	vst v3;
	v8 =	vmin.u32 v6, $0x1400  }
0x45: {  	s2 =	sadd.s32 $0x200, s2;
	v6 =	vmin.u32 v7, $0x1400;
	v7 =	vsub.s32 v9, v0;
	v3 =	vld [tilespmem:s1+$0x5060];
	[tilespmem:s0+$0x5070] =	vst v8;
	s0 =	smov.u32 s1  }
0x46: {  	[tilespmem:s0+$0x5000] =	vst v6;
	v62 =	vmin.u32 v7, $0x1400;
	v5 =	vsub.s32 v5, v0;
	v63 =	vld [tilespmem:s0+$0x5070]  }
0x47: {  	[tilespmem:s0+$0x5010] =	vst v62;
	v5 =	vmin.u32 v5, $0x1400;
	v4 =	vsub.s32 v4, v0  }
0x48: {  	[tilespmem:s0+$0x5020] =	vst v5;
	v4 =	vmin.u32 v4, $0x1400;
	v1 =	vsub.s32 v1, v0  }
0x49: {  	[tilespmem:s0+$0x5030] =	vst v4;
	v1 =	vmin.u32 v1, $0x1400;
	v2 =	vsub.s32 v2, v0  }
0x4a: {  	[tilespmem:s0+$0x5040] =	vst v1;
	v1 =	vmin.u32 v2, $0x1400;
	v2 =	vsub.s32 v3, v0  }
0x4b: {  	[tilespmem:s0+$0x5050] =	vst v1;
	v1 =	vmin.u32 v2, $0x1400;
	v2 =	vsub.s32 v63, v0  }
0x4c: {  	s1 =	simm.s32 $0x1;
	[tilespmem:s0+$0x5060] =	vst v1;
	v1 =	vmin.u32 v2, $0x1400  }
0x4d: {  	s30 =	simm.s32 $0x80;
	s1 =	sand.u32 $0x1, s1;
	[tilespmem:s0+$0x5070] =	vst v1  }
0x4e: {  	s2 =	sshll.u32 s1, $0xE;
	s25 =	sxor.u32 $0x1, s1;
	[bflag:$0x0] =	sbarrier.arrive $0xFFFF  }
0x4f: {  	[tilespmem:s26], [sflag:$0x1] =	stream.indirect.gather [hbm4b:s5+s30], $0x80, s4, s30, $0xb8;
	[tilespmem:$0x1E040] =	vst v63  }
0x50: {  	s1 =	sadd.s32 $0x1, s1;
	s2 =	sor.u32 $0xA000, s2;
	s7 =	sadd.s32 $0x1, s25  }
0x51: {  	[tilespmem:s2], [sflag:s1] =	stream.indirect.gather [hbm4b:s5+s28], $0x80, s30, s28, $0xb8;
	[tilespmem:$0x1E040] =	vst v63  }
0x52: {  	s8 =	sshll.u32 s25, $0xE;
	s25 =	simm.s32 $0x5000;
	_ =	swait.ge [sflag:s7], $0x4000  }
0x53: {  	s0 =	simm.s32 $0x5080;
	s1 =	sor.u32 $0xA000, s8;
	[sflag:s7] =	ssyncset.done $0x0  }
0x54: {  	s30 =	simm.s32 $0x2;
	s2 =	simm.s32 $0x100;
	[sflag:s7] =	ssyncadd.s32 $0xFFFFC000  }
0x55: {  	[spmem:s3] =	stream.indirect.scatter.add.f32 [tilespmem:s1], [sflag:$0x3], $0x80, s25, s28, $0xb8;
	[tilespmem:$0x1E040] =	vst v63  }
0x56: {  	s1 =	simm.s32 $0x3;
	s25 =	sand.u32 $0x1, s30;
	_ =	swait.ge [sflag:s24], $0x4000  }
.LBB2_4:
0x57: {  	s30 =	sshll.u32 s25, $0xE;
	s7 =	sxor.u32 $0x1, s25  }
0x58: {  	[sflag:s24] =	ssyncset.done $0x0;
	s8 =	smov.u32 s1;
	s25 =	sadd.s32 $0x1, s25  }
0x59: {  	p0 =	sne.s32 s1, $0x9C;
	s30 =	sor.u32 $0xA000, s30;
	[sflag:s24] =	ssyncadd.s32 $0xFFFFC000  }
0x5a: {  	[tilespmem:s30], [sflag:s25] =	stream.indirect.gather [hbm4b:s5+s28], $0x80, s2, s28, $0xb8;
	[tilespmem:$0x1E040] =	vst v63  }
0x5b: {  	s30 =	sadd.s32 $0x1, s1;
	s25 =	sshll.u32 s7, $0xE;
	s7 =	sadd.s32 $0x1, s7  }
.Ltmp1:
0x5c: {  	_ =	swait.ge [sflag:s7], $0x4000;
	(pc) =	sbr.rel @p0 .LBB2_4-.Ltmp1, $4  }
0x5d: {  	s1 =	sor.u32 $0xA000, s25;
	[sflag:s7] =	ssyncset.done $0x0  }
0x5e: {  	s2 =	sadd.s32 $0x80, s2;
	s25 =	sand.u32 $0x1, s8;
	[sflag:s7] =	ssyncadd.s32 $0xFFFFC000  }
0x5f: {  	[spmem:s3] =	stream.indirect.scatter.add.f32 [tilespmem:s1], [sflag:$0x3], $0x80, s0, s28, $0xb8;
	[tilespmem:$0x1E040] =	vst v63  }
0x60: {  	s0 =	sadd.s32 $0x80, s0;
	s1 =	smov.u32 s30;
	_ =	swait.ge [sflag:s24], $0x4000  }
0x61: {  	s1 =	sshll.u32 s25, $0xE;
	s7 =	sxor.u32 $0x1, s25;
	[sflag:s24] =	ssyncset.done $0x0  }
0x62: {  	s8 =	sadd.s32 $0x1, s25;
	s1 =	sor.u32 $0xA000, s1;
	[sflag:s24] =	ssyncadd.s32 $0xFFFFC000  }
0x63: {  	[tilespmem:s1], [sflag:s8] =	stream.indirect.gather [hbm4b:s5+s28], $0x80, s2, s28, $0xb8;
	[tilespmem:$0x1E040] =	vst v63  }
0x64: {  	s8 =	sadd.s32 $0x1, s7  }
0x65: {  	_ =	swait.ge [sflag:s8], $0x4000  }
0x66: {  	s25 =	sshll.u32 s7, $0xE;
	[sflag:s8] =	ssyncset.done $0x0  }
0x67: {  	s2 =	sor.u32 $0xA000, s25;
	[sflag:s8] =	ssyncadd.s32 $0xFFFFC000  }
0x68: {  	[spmem:s3] =	stream.indirect.scatter.add.f32 [tilespmem:s2], [sflag:$0x3], $0x80, s0, s28, $0xb8;
	[tilespmem:$0x1E040] =	vst v63  }
0x69: {  	_ =	swait.ge [sflag:s24], $0x4000  }
0x6a: {  	[sflag:s24] =	ssyncset.done $0x0  }
0x6b: {  	[sflag:s24] =	ssyncadd.s32 $0xFFFFC000  }
0x6c: {  	_ =	swait.ge [sflag:s29], $0x4000  }
0x6d: {  	[sflag:s29] =	ssyncset.done $0x0  }
0x6e: {  	s30 =	simm.s32 $0x9E00;
	[sflag:s29] =	ssyncadd.s32 $0xFFFFC000  }
0x6f: {  	[spmem:s3] =	stream.indirect.scatter.add.f32 [tilespmem:s26], [sflag:$0x3], $0x80, s30, s28, $0xb8;
	[tilespmem:$0x1E040] =	vst v63  }
0x70: {  	_ =	swait.ge [sflag:s24], $0x4000  }
0x71: {  	[sflag:s24] =	ssyncset.done $0x0  }
0x72: {  	[sflag:s24] =	ssyncadd.s32 $0xFFFFC000  }
0x73: {  	[bflag:$0x0] =	sbarrier.arrive $0xFFFF  }
0x74: {  	[tilespmem:s23], [sflag:$0x3] =	stream.linear.gather [spmem:s6], $0x2000, $0x38;
	[tilespmem:$0x1E040] =	vst v63  }
0x75: {  	_ =	swait.ge [sflag:s24], $0x2000  }
0x76: {  	[sflag:s24] =	ssyncset.done $0x0  }
0x77: {  	[sflag:s24] =	ssyncadd.s32 $0xFFFFE000  }
0x78: {  	[hbm4b:s14+s4] =	stream.linear.scatter [tilespmem:s23], [sflag:$0x3], $0x2000, $0x38;
	[tilespmem:$0x1E040] =	vst v63  }
0x79: {  	_ =	swait.ge [sflag:s24], $0x2000  }
0x7a: {  	[sflag:s24] =	ssyncset.done $0x0  }
0x7b: {  	[sflag:s24] =	ssyncadd.s32 $0xFFFFE000  }
0x7c: {  	[tilespmem:s23], [sflag:$0x3] =	stream.linear.gather [spmem:s15], $0x2000, $0x38;
	[tilespmem:$0x1E040] =	vst v63  }
0x7d: {  	_ =	swait.ge [sflag:s24], $0x2000  }
0x7e: {  	[sflag:s24] =	ssyncset.done $0x0  }
0x7f: {  	[sflag:s24] =	ssyncadd.s32 $0xFFFFE000  }
0x80: {  	[hbm4b:s16+s4] =	stream.linear.scatter [tilespmem:s23], [sflag:$0x3], $0x2000, $0x38;
	[tilespmem:$0x1E040] =	vst v63  }
0x81: {  	_ =	swait.ge [sflag:s24], $0x2000  }
0x82: {  	[sflag:s24] =	ssyncset.done $0x0  }
0x83: {  	[sflag:s24] =	ssyncadd.s32 $0xFFFFE000  }
0x84: {  	[tilespmem:s23], [sflag:$0x3] =	stream.linear.gather [spmem:s17], $0x2000, $0x38;
	[tilespmem:$0x1E040] =	vst v63  }
0x85: {  	_ =	swait.ge [sflag:s24], $0x2000  }
0x86: {  	[sflag:s24] =	ssyncset.done $0x0  }
0x87: {  	[sflag:s24] =	ssyncadd.s32 $0xFFFFE000  }
0x88: {  	[hbm4b:s18+s4] =	stream.linear.scatter [tilespmem:s23], [sflag:$0x3], $0x2000, $0x38;
	[tilespmem:$0x1E040] =	vst v63  }
0x89: {  	_ =	swait.ge [sflag:s24], $0x2000  }
0x8a: {  	[sflag:s24] =	ssyncset.done $0x0  }
0x8b: {  	[sflag:s24] =	ssyncadd.s32 $0xFFFFE000  }
0x8c: {  	[tilespmem:s23], [sflag:$0x3] =	stream.linear.gather [spmem:s19], $0x2000, $0x38;
	[tilespmem:$0x1E040] =	vst v63  }
0x8d: {  	_ =	swait.ge [sflag:s24], $0x2000  }
0x8e: {  	[sflag:s24] =	ssyncset.done $0x0  }
0x8f: {  	[sflag:s24] =	ssyncadd.s32 $0xFFFFE000  }
0x90: {  	[hbm4b:s20+s4] =	stream.linear.scatter [tilespmem:s23], [sflag:$0x3], $0x2000, $0x38;
	[tilespmem:$0x1E040] =	vst v63  }
0x91: {  	_ =	swait.ge [sflag:s24], $0x2000  }
0x92: {  	[sflag:s24] =	ssyncset.done $0x0  }
0x93: {  	[sflag:s24] =	ssyncadd.s32 $0xFFFFE000  }
0x94: {  	[tilespmem:s23], [sflag:$0x3] =	stream.linear.gather [spmem:s21], $0x2000, $0x38;
	[tilespmem:$0x1E040] =	vst v63  }
0x95: {  	s31 =	sadd.s32 $0x1, s31;
	_ =	swait.ge [sflag:s24], $0x2000  }
0x96: {  	p0 =	sne.s32 s31, s9;
	[sflag:s24] =	ssyncset.done $0x0  }
.Ltmp2:
0x97: {  	[sflag:s24] =	ssyncadd.s32 $0xFFFFE000;
	(pc) =	sbr.rel @p0 .LBB2_1-.Ltmp2, $4  }
0x98: {  	[hbm4b:s22+s4] =	stream.linear.scatter [tilespmem:s23], [sflag:$0x3], $0x2000, $0x38;
	[tilespmem:$0x1E040] =	vst v63  }
0x99: {  	_ =	swait.ge [sflag:s24], $0x2000  }
0x9a: {  	[sflag:s24] =	ssyncset.done $0x0  }
0x9b: {  	[sflag:s24] =	ssyncadd.s32 $0xFFFFE000  }
0x9c: {  	_ =	sfence.sel $0x180000  }
0x9d: {  	[bflag:$0x0] =	sbarrier.arrive $0xFFFF  }
0x9e: {  	_ =	strace $0x9000004D  }
0x9f: {  	s0 =	stileid.u32;
	[bflag:$0x2] =	sbarrier.arrive $0xFFFF  }
0xa0: {  	p0 =	sne.s32 s0, $0x0;
	s0 =	rddreg [dreg:$0x3]  }
0xa1: {  	s0 =	sadd.s32 @!p0 $0x100000, s0  }
0xa2: {  	[sflag:s0] =	ssyncadd.tile.s32 @!p0 $0x1;
	_ =	shalt  }
.Lfunc_end2:
_tile_overlayer_lowered:
.L_overlay_start_2:
0xa3: {  	(tag) =	ssettag $0x2  }
0xa4: {  	s0 =	rddreg [dreg:$0x0];
	s2 =	stileid.u32  }
0xa5: {  	s1 =	rddreg [dreg:$0x1];
	p0 =	sne.s32 s2, $0x0  }
0xa6: {  	s3 =	rddreg [dreg:$0x2];
	[bflag:$0x3] =	sbarrier.arrive $0xFFFF;
	s2 =	simm.s32 @!p0 $0x1C03  }
0xa7: {  	[timem:s3], [sflag:s2] =	dma.local @!p0 [hbm:s0], s1  }
0xa8: {  	s0 =	simm.s32 @!p0 $0x3  }
0xa9: {  	_ =	swait.ge @!p0 [sflag:s0], s1  }
0xaa: {  	s1 =	ssub.s32 @!p0 $0x0, s1;
	[sflag:s0] =	ssyncset.done @!p0 $0x0  }
0xab: {  	[sflag:s0] =	ssyncadd.s32 @!p0 s1  }
0xac: {  	[bflag:$0x3] =	sbarrier.arrive $0xFFFF  }
0xad: {  	_ =	shalt  }

// kernel: kernel.8.cloned.1.call-start
scs
__scs_entry_jumppad:
0x0: {  	(pc) =	sbr.rel $0x88, $3  }
0x1: {  	(tag) =	ssettag $0x0;
	lr =	simm.s32 $0x1  }
0x2: {  	[smem:$0x3F90] =	sst lr;
	_ =	strace $0xD0000000  }
0x3: {  	_ = 	snop  }
0x4: {  	_ = 	snop  }
0x5: {  	_ = 	snop  }
0x6: {  	_ = 	snop  }
0x7: {  	_ = 	snop  }
__scs_overlays_trampoline_lowered:
0x8: {  	[smem:$0x3F9F] =	sst s0  }
0x9: {  	[smem:$0x3FA0] =	sst s1  }
0xa: {  	[smem:$0x3FA1] =	sst s2  }
0xb: {  	[smem:$0x3FA2] =	sst s3  }
0xc: {  	[smem:$0x3FA3] =	sst s4  }
0xd: {  	[smem:$0x3FA4] =	sst s5  }
0xe: {  	[smem:$0x3FA5] =	sst s6  }
0xf: {  	[smem:$0x3FA6] =	sst s7  }
0x10: {  	[smem:$0x3FA7] =	sst s8  }
0x11: {  	[smem:$0x3FA8] =	sst s9;
	s0 =	simm.s32 @!p0 $0x0  }
0x12: {  	s1 =	sld [smem:$0x3F8E];
	s0 =	simm.s32 @p0 $0x1  }
0x13: {  	[smem:$0x3FA9] =	sst s0;
	s0 =	simm.s32 @!p1 $0x0  }
0x14: {  	s2 =	sld [smem:$0x3F8D];
	s0 =	simm.s32 @p1 $0x1  }
0x15: {  	[smem:$0x3FAA] =	sst s0;
	s0 =	simm.s32 @!p2 $0x0  }
0x16: {  	s3 =	sld [smem:$0x3FDB];
	s0 =	simm.s32 @p2 $0x1  }
0x17: {  	s4 =	simm.s32 $0x1BF5;
	[smem:$0x3FAC] =	sst s0  }
0x18: {  	s0 =	sld [smem:$0x3F8F];
	_ =	swait.ge [sflag:s4], $0x0  }
0x19: {  	s7 =	sld [smem:$0x3F90]  }
0x1a: {  	s8 =	sadd.s32 $0xFFFFE003, lr  }
0x1b: {  	s9 =	sadd.s32 $0xFFFFFEF7, lr;
	s5 =	simm.s32 $0xFFFFFFFF;
	p2 =	slt.u32 s8, $0xFFFFF086  }
0x1c: {  	p1 =	slt.u32 s9, $0xF7A;
	s5 =	simm.s32 @!p2 $0x0  }
0x1d: {  	s5 =	simm.s32 @p1 $0x1;
	p0 =	seq.s32 s7, s2  }
0x1e: {  	s7 =	smul.u32 @!p0 $0xF7A, s2;
	p2 =	seq.s32 @!p0 s5, $0x0  }
0x1f: {  	s9 =	smul.u32 $0xF7A, s1;
	s8 =	simm.s32 @!p0 $0x1BF5;
	p2 =	por !p2, p0  }
0x20: {  	[sflag:s8] =	ssyncset.s32 @!p0 $0xFFFFF086;
	s6 =	sadd.s32 @!p0 s3, s7;
	s7 =	simm.s32 @!p0 $0x108  }
0x21: {  	s3 =	sadd.s32 s3, s9;
	s6 =	sadd.s32 @!p0 $0x88, s6;
	s7 =	simm.s32 @p2 $0x1082  }
0x22: {  	[simem:s7], [sflag:s8] =	dma.local @!p0 [hbm:s6], $0xF7A  }
0x23: {  	s9 =	sor.u32 $0xD0000000, s2;
	s6 =	simm.s32 $0x108;
	_ =	swait.ge @!p0 [sflag:s8], $0x0  }
0x24: {  	s3 =	sadd.s32 $0x88, s3;
	s6 =	simm.s32 @!p1 $0x1082;
	[sflag:s4] =	ssyncset.s32 $0xFFFFF086  }
0x25: {  	[simem:s6], [sflag:s4] =	dma.local [hbm:s3], $0xF7A  }
0x26: {  	[smem:$0x3F90] =	sst s1;
	(tag) =	ssettag s2;
	_ =	strace s9  }
0x27: {  	s1 =	sld [smem:$0x3FA0]  }
0x28: {  	s2 =	sld [smem:$0x3FA1]  }
0x29: {  	s4 =	sld [smem:$0x3FA3]  }
0x2a: {  	p0 =	seq.s32 s5, $0x0;
	s5 =	sld [smem:$0x3FA4]  }
0x2b: {  	s6 =	sld [smem:$0x3FA5]  }
0x2c: {  	s7 =	sld [smem:$0x3FA6]  }
0x2d: {  	s3 =	simm.s32 $0x108;
	s8 =	sld [smem:$0x3FA7]  }
0x2e: {  	s3 =	simm.s32 @!p0 $0x1082;
	s9 =	sld [smem:$0x3FA8]  }
0x2f: {  	lr =	sadd.s32 s0, s3;
	s0 =	sld [smem:$0x3F9F]  }
0x30: {  	s3 =	sld [smem:$0x3FA2]  }
0x31: {  	[smem:$0x3FAB] =	sst s10  }
0x32: {  	s10 =	sld [smem:$0x3FA9];
	_ =	sdelay $0x3  }
0x33: {  	p0 =	seq.s32 s10, $0x1;
	s10 =	sld [smem:$0x3FAB];
	_ =	sdelay $0x3  }
0x34: {  	[smem:$0x3FAB] =	sst s10  }
0x35: {  	s10 =	sld [smem:$0x3FAA];
	_ =	sdelay $0x3  }
0x36: {  	p1 =	seq.s32 s10, $0x1;
	s10 =	sld [smem:$0x3FAB];
	_ =	sdelay $0x3  }
0x37: {  	[smem:$0x3FAB] =	sst s10  }
0x38: {  	s10 =	sld [smem:$0x3FAC]  }
0x39: {  	_ = 	snop;
	(pc) =	sbr.ind lr, $3  }
0x3a: {  	_ = 	snop  }
0x3b: {  	_ = 	snop  }
0x3c: {  	p2 =	seq.s32 s10, $0x1;
	s10 =	sld [smem:$0x3FAB]  }
0x3d: {  	_ =	shalt  }
0x3e: {  	_ =	shalt  }
0x3f: {  	_ =	shalt  }
0x40: {  	_ =	shalt  }
0x41: {  	_ =	shalt  }
0x42: {  	_ =	shalt  }
0x43: {  	_ =	shalt  }
0x44: {  	_ =	shalt  }
0x45: {  	_ =	shalt  }
0x46: {  	_ =	shalt  }
0x47: {  	_ =	shalt  }
0x48: {  	_ =	shalt  }
0x49: {  	_ =	shalt  }
0x4a: {  	_ =	shalt  }
0x4b: {  	_ =	shalt  }
0x4c: {  	_ =	shalt  }
0x4d: {  	_ =	shalt  }
0x4e: {  	_ =	shalt  }
0x4f: {  	_ =	shalt  }
0x50: {  	_ =	shalt  }
0x51: {  	_ =	shalt  }
0x52: {  	_ =	shalt  }
0x53: {  	_ =	shalt  }
0x54: {  	_ =	shalt  }
0x55: {  	_ =	shalt  }
0x56: {  	_ =	shalt  }
0x57: {  	_ =	shalt  }
0x58: {  	_ =	shalt  }
0x59: {  	_ =	shalt  }
0x5a: {  	_ =	shalt  }
0x5b: {  	_ =	shalt  }
0x5c: {  	_ =	shalt  }
0x5d: {  	_ =	shalt  }
0x5e: {  	_ =	shalt  }
0x5f: {  	_ =	shalt  }
0x60: {  	_ =	shalt  }
0x61: {  	_ =	shalt  }
0x62: {  	_ =	shalt  }
0x63: {  	_ =	shalt  }
0x64: {  	_ =	shalt  }
0x65: {  	_ =	shalt  }
0x66: {  	_ =	shalt  }
0x67: {  	_ =	shalt  }
0x68: {  	_ =	shalt  }
0x69: {  	_ =	shalt  }
0x6a: {  	_ =	shalt  }
0x6b: {  	_ =	shalt  }
0x6c: {  	_ =	shalt  }
0x6d: {  	_ =	shalt  }
0x6e: {  	_ =	shalt  }
0x6f: {  	_ =	shalt  }
0x70: {  	_ =	shalt  }
0x71: {  	_ =	shalt  }
0x72: {  	_ =	shalt  }
0x73: {  	_ =	shalt  }
0x74: {  	_ =	shalt  }
0x75: {  	_ =	shalt  }
0x76: {  	_ =	shalt  }
0x77: {  	_ =	shalt  }
0x78: {  	_ =	shalt  }
0x79: {  	_ =	shalt  }
0x7a: {  	_ =	shalt  }
0x7b: {  	_ =	shalt  }
0x7c: {  	_ =	shalt  }
0x7d: {  	_ =	shalt  }
0x7e: {  	_ =	shalt  }
0x7f: {  	_ =	shalt  }
0x80: {  	_ =	shalt  }
0x81: {  	_ =	shalt  }
0x82: {  	_ =	shalt  }
0x83: {  	_ =	shalt  }
0x84: {  	_ =	shalt  }
0x85: {  	_ =	shalt  }
0x86: {  	_ =	shalt  }
0x87: {  	_ =	shalt  }
.Lfunc_end0:
.L_simem_size_0:
called_computation_lowered:
.L_overlay_start_0:
0x88: {  	s2 =	sld [smem:$0x3FD9]  }
0x89: {  	s3 =	sld [smem:$0x3FFE];
	_ =	sdelay $0x1  }
0x8a: {  	s1 =	srdreg.scid  }
0x8b: {  	s0 =	sand.u32 $0x1, s1  }
0x8c: {  	s14 =	sshll.u32 s0, $0xA;
	s2 =	sadd.s32 s3, s2  }
0x8d: {  	s2 =	sadd.s32 s2, s14  }
0x8e: {  	[smem:$0x3FB7] =	sst s2  }
0x8f: {  	_ = 	snop  }
0x90: {  	s2 =	sld [smem:$0x3FD0];
	_ =	sdelay $0x2  }
0x91: {  	s15 =	simm.s32 $0xA;
	s4 =	simm.s32 $0x10  }
0x92: {  	[smem:s4], [sflag:s15] =	dma.local [hbm:s2], $0x1  }
0x93: {  	_ =	swait.eq [sflag:s15], $0x1  }
0x94: {  	[sflag:s15] =	ssyncset.done $0x0  }
0x95: {  	[sflag:s15] =	ssyncadd.s32 $0xFFFFFFFF  }
0x96: {  	s16 =	sld [smem:$0x11];
	(tm) =	ssettm $0x1  }
0x97: {  	s17 =	sld [smem:$0x3FFB];
	_ =	sdelay $0x3  }
0x98: {  	_ =	strace s17  }
0x99: {  	s3 =	sld [smem:$0x3FFC];
	_ =	sdelay $0x3  }
0x9a: {  	_ =	strace s3  }
0x9b: {  	s3 =	sld [smem:$0x3FFD];
	_ =	sdelay $0x3  }
0x9c: {  	_ =	strace s3  }
0x9d: {  	_ =	strace $0x8FFFFFFF  }
0x9e: {  	s18 =	sld [smem:$0x3FDB];
	_ =	sdelay $0x1  }
0x9f: {  	s19 =	simm.s32 $_scs_section_size  }
0xa0: {  	s5 =	simm.s32 $_size__tile_overlayer_lowered;
	s6 =	simm.s32 $_tile_overlayer_lowered  }
0xa1: {  	s22 =	simm.s32 $0x1BFF;
	s21 =	sshll.u32 s6, $0x1;
	s3 =	sadd.s32 s19, s18  }
0xa2: {  	s7 =	simm.s32 $0x0;
	s20 =	sshll.u32 s5, $0x1;
	s5 =	sadd.s32 s21, s3  }
0xa3: {  	[timem:s7], [sflag:s22] =	dma.local [hbm:s5], s20  }
0xa4: {  	_ =	swait.ge [sflag:s22], s20  }
0xa5: {  	s4 =	ssub.s32 $0x0, s20;
	[sflag:s22] =	ssyncset.done $0x0  }
0xa6: {  	[sflag:s22] =	ssyncadd.s32 s4;
	_ =	sdelay $0x1  }
0xa7: {  	s23 =	simm.s32 $0x1B8B  }
0xa8: {  	_ =	swait.ge [sflag:s23], $0x1  }
0xa9: {  	[sflag:s23] =	ssyncset.done $0x0  }
0xaa: {  	s25 =	simm.s32 $0x1B8E;
	s24 =	sld [smem:$0x3FFE];
	[sflag:s23] =	ssyncadd.s32 $0xFFFFFFFF  }
0xab: {  	s26 =	simm.s32 $execute0_lowered;
	[smem:$0x3FD2] =	sst s25  }
0xac: {  	s5 =	sshll.u32 s26, $0x1;
	_ =	strace $0x80000046;
	[dreg:$0x1] =	wrdreg $0xFFFFFFFF  }
0xad: {  	s28 =	simm.s32 $_size_execute0_lowered;
	s3 =	sadd.s32 s3, s5;
	[dreg:$0x0] =	wrdreg $0x0  }
0xae: {  	s5 =	sshll.u32 s28, $0x1;
	[dreg:$0x2] =	wrdreg s3  }
0xaf: {  	[dreg:$0x3] =	wrdreg s5  }
0xb0: {  	[dreg:$0x4] =	wrdreg $0xC0  }
0xb1: {  	_ =	task [dreg:s7], $0x5FFFF  }
0xb2: {  	[dreg:$0x1] =	wrdreg $0xFFFFFFFF  }
0xb3: {  	[dreg:$0x0] =	wrdreg $0x60  }
0xb4: {  	[dreg:$0x2] =	wrdreg s24  }
0xb5: {  	[dreg:$0x3] =	wrdreg s16  }
0xb6: {  	[dreg:$0x4] =	wrdreg $0x140000  }
0xb7: {  	[dreg:$0x5] =	wrdreg $0x9  }
0xb8: {  	_ =	task.clear_ibuf [dreg:s7], $0x6FFFF;
	_ =	strace $0x90000046  }
0xb9: {  	s29 =	simm.s32 $0x9;
	_ =	strace $0x80000048  }
0xba: {  	_ =	swait.ge [sflag:s29], $0x1  }
0xbb: {  	[sflag:s29] =	ssyncadd.s32 $0xFFFFFFFF  }
0xbc: {  	_ =	strace $0x90000048  }
0xbd: {  	_ =	sfence  }
0xbe: {  	s30 =	sld [smem:$0x0];
	_ =	sdelay $0x2  }
0xbf: {  	s31 =	sshll.u32 s1, $0xD;
	s1 =	sshrl.u32 s1, $0x2  }
0xc0: {  	s3 =	sand.u32 $0x4000, s31;
	s1 =	sadd.s32 s1, s30  }
0xc1: {  	s0 =	sor.u32 s3, s0;
	s1 =	sshll.u32 s1, $0x11  }
0xc2: {  	s0 =	sor.u32 s1, s0  }
0xc3: {  	s0 =	sadd.s32 $0x8F2B, s0  }
0xc4: {  	[sflag:s0] =	ssyncadd.remote.s32 $0x1  }
0xc5: {  	_ =	sfence.sel $0xFFFF  }
0xc6: {  	[dreg:$0x0] =	wrdreg $0xFFFFFFFF;
	(pc) =	sbr.abs _section_cstart, $3  }
0xc7: {  	[dreg:$0x1] =	wrdreg $0xFFFFFFFF  }
0xc8: {  	_ =	task.clear_ibuf [dreg:s7], $0x2FFFF;
	_ =	strace $0x9FFFFFFF  }
0xc9: {  	(tm) =	ssettm $0x7FFFFFFF  }
tec
execute0_lowered:
.L_overlay_start_1:
0x0: {  	(tag) =	ssettag $0x1  }
0x1: {  	s0 =	rddreg [dreg:$0x0]  }
0x2: {  	s3 =	rddreg [dreg:$0x2]  }
0x3: {  	s4 =	simm.s32 $0x0;
	s10 =	stileid.u32;
	s2 =	srdreg.scid  }
0x4: {  	s23 =	simm.s32 $0x12000;
	s28 =	simm.s32 $0x80;
	s1 =	smul.u32 $0xA00, s10  }
0x5: {  	s29 =	simm.s32 $0x1;
	s31 =	simm.s32 $0x0;
	s6 =	smul.u32 $0x28000, s10  }
0x6: {  	[smem:$0x7FF] =	sst s4;
	s2 =	sand.u32 $0x1, s2;
	s26 =	smul.u32 $0xA000, s10  }
0x7: {  	s5 =	sadd.s32 $0x18200, s0;
	_ =	strace $0x80000047;
	s25 =	smul.u32 $0x1400, s2  }
0x8: {  	s7 =	ssub.s32 $0x2, s2;
	s2 =	smul.u32 $0xA0000, s2;
	s1 =	sadd.s32 s1, s0  }
0x9: {  	s0 =	sadd.s32 $0x40200, s0;
	s8 =	sshrl.u32 s7, $0x1;
	s6 =	sshrl.u32 s6, $0x2  }
0xa: {  	s15 =	sadd.s32 $0x2000, s26;
	s17 =	sadd.s32 $0x4000, s26;
	s19 =	sadd.s32 $0x6000, s26  }
0xb: {  	s9 =	ssub.s32 s7, s8;
	s6 =	sadd.s32 s6, s3;
	s24 =	sadd.s32 $0x4200, s1  }
0xc: {  	s1 =	sadd.s32 $0xE200, s1;
	s14 =	sadd.s32 s2, s26;
	s16 =	sadd.s32 s2, s15  }
0xd: {  	s15 =	sadd.s32 s15, s3;
	s18 =	sadd.s32 s2, s17;
	s17 =	sadd.s32 s17, s3  }
0xe: {  	s20 =	sadd.s32 s2, s19;
	s19 =	sadd.s32 s19, s3;
	[dreg:$0x4] =	wrdreg s24  }
0xf: {  	[dreg:$0x5] =	wrdreg s1;
	s9 =	smax.u32 s9, $0x1;
	s10 =	sadd.s32 $0x2000, s6  }
0x10: {  	s11 =	sadd.s32 $0x4000, s6;
	s12 =	sadd.s32 $0x6000, s6;
	s13 =	sadd.s32 $0x8000, s6  }
0x11: {  	s14 =	sshrl.u32 s14, $0x3;
	s16 =	sshrl.u32 s16, $0x3;
	s18 =	sshrl.u32 s18, $0x3  }
0x12: {  	s1 =	sadd.s32 $0x8000, s26;
	s20 =	sshrl.u32 s20, $0x3;
	s24 =	simm.s32 $0x3  }
0x13: {  	s26 =	simm.s32 $0xA000;
	s14 =	sadd.s32 s0, s14;
	s2 =	sadd.s32 s2, s1  }
0x14: {  	s16 =	sadd.s32 s0, s16;
	s18 =	sadd.s32 s0, s18;
	s30 =	sshrl.u32 s2, $0x3  }
0x15: {  	v0 =	vmov s25;
	s20 =	sadd.s32 s0, s20;
	s21 =	sadd.s32 s1, s3;
	s22 =	sadd.s32 s0, s30  }
.LBB2_1:
0x16: {  	s0 =	rddreg [dreg:$0x1]  }
0x17: {  	[tilespmem:s23], [sflag:$0x3] =	stream.linear.gather [hbm4b:s0+s4], $0x2000, $0x38;
	[tilespmem:$0x1E040] =	vst v63  }
0x18: {  	_ =	swait.ge [sflag:s24], $0x2000  }
0x19: {  	[sflag:s24] =	ssyncset.done $0x0  }
0x1a: {  	[sflag:s24] =	ssyncadd.s32 $0xFFFFE000  }
0x1b: {  	[spmem:s6] =	stream.linear.scatter [tilespmem:s23], [sflag:$0x3], $0x2000, $0x38;
	[tilespmem:$0x1E040] =	vst v63  }
0x1c: {  	_ =	swait.ge [sflag:s24], $0x2000  }
0x1d: {  	[sflag:s24] =	ssyncset.done $0x0  }
0x1e: {  	[sflag:s24] =	ssyncadd.s32 $0xFFFFE000  }
0x1f: {  	[spmem:s10] =	stream.linear.scatter [tilespmem:s23], [sflag:$0x3], $0x2000, $0x38;
	[tilespmem:$0x1E040] =	vst v63  }
0x20: {  	_ =	swait.ge [sflag:s24], $0x2000  }
0x21: {  	[sflag:s24] =	ssyncset.done $0x0  }
0x22: {  	[sflag:s24] =	ssyncadd.s32 $0xFFFFE000  }
0x23: {  	[spmem:s11] =	stream.linear.scatter [tilespmem:s23], [sflag:$0x3], $0x2000, $0x38;
	[tilespmem:$0x1E040] =	vst v63  }
0x24: {  	_ =	swait.ge [sflag:s24], $0x2000  }
0x25: {  	[sflag:s24] =	ssyncset.done $0x0  }
0x26: {  	[sflag:s24] =	ssyncadd.s32 $0xFFFFE000  }
0x27: {  	[spmem:s12] =	stream.linear.scatter [tilespmem:s23], [sflag:$0x3], $0x2000, $0x38;
	[tilespmem:$0x1E040] =	vst v63  }
0x28: {  	_ =	swait.ge [sflag:s24], $0x2000  }
0x29: {  	[sflag:s24] =	ssyncset.done $0x0  }
0x2a: {  	[sflag:s24] =	ssyncadd.s32 $0xFFFFE000  }
0x2b: {  	[spmem:s13] =	stream.linear.scatter [tilespmem:s23], [sflag:$0x3], $0x2000, $0x38;
	[tilespmem:$0x1E040] =	vst v63  }
0x2c: {  	_ =	swait.ge [sflag:s24], $0x2000  }
0x2d: {  	[sflag:s24] =	ssyncset.done $0x0  }
0x2e: {  	s25 =	rddreg [dreg:$0x4];
	[sflag:s24] =	ssyncadd.s32 $0xFFFFE000  }
0x2f: {  	[tilespmem:s4], [sflag:$0x3] =	stream.linear.gather [hbm4b:s25+s4], $0x4E80, $0x38;
	[tilespmem:$0x1E040] =	vst v63  }
0x30: {  	_ =	swait.ge [sflag:s24], $0x4E80  }
0x31: {  	[sflag:s24] =	ssyncset.done $0x0  }
0x32: {  	s1 =	simm.s32 $0x5000;
	s30 =	rddreg [dreg:$0x5];
	[sflag:s24] =	ssyncadd.s32 $0xFFFFB180  }
0x33: {  	[tilespmem:s1], [sflag:$0x3] =	stream.linear.gather [hbm4b:s30+s4], $0x4E80, $0x38;
	[tilespmem:$0x1E040] =	vst v63  }
0x34: {  	_ =	swait.ge [sflag:s24], $0x4E80  }
0x35: {  	[sflag:s24] =	ssyncset.done $0x0  }
0x36: {  	s0 =	simm.s32 $0x0;
	[sflag:s24] =	ssyncadd.s32 $0xFFFFB180  }
0x37: {  	v2 =	vld [tilespmem:s0+$0x5000]  }
0x38: {  	v3 =	vld [tilespmem:s0+$0x5010]  }
0x39: {  	v5 =	vld [tilespmem:s0+$0x5020]  }
0x3a: {  	v4 =	vld [tilespmem:s0+$0x5030]  }
0x3b: {  	v1 =	vld [tilespmem:s0+$0x5040]  }
0x3c: {  	v6 =	vsub.s32 v2, v0;
	v2 =	vld [tilespmem:s0+$0x5050]  }
0x3d: {  	s2 =	simm.s32 $0x200;
	v7 =	vsub.s32 v3, v0;
	v3 =	vld [tilespmem:s0+$0x5060];
	v6 =	vmin.u32 v6, $0x1400  }
.LBB2_2:
0x3e: {  	s1 =	sshra.s32 s2, $0x2;
	p0 =	sne.s32 s2, $0x13800;
	[tilespmem:s0+$0x5000] =	vst v6;
	v6 =	vmin.u32 v7, $0x1400;
	v5 =	vsub.s32 v5, v0;
	v7 =	vld [tilespmem:s0+$0x5070]  }
0x3f: {  	v8 =	vld [tilespmem:s1+$0x5000];
	[tilespmem:s0+$0x5010] =	vst v6;
	v5 =	vmin.u32 v5, $0x1400;
	v4 =	vsub.s32 v4, v0  }
0x40: {  	v9 =	vld [tilespmem:s1+$0x5010];
	[tilespmem:s0+$0x5020] =	vst v5;
	v4 =	vmin.u32 v4, $0x1400;
	v1 =	vsub.s32 v1, v0  }
.Ltmp0:
0x41: {  	v5 =	vld [tilespmem:s1+$0x5020];
	[tilespmem:s0+$0x5030] =	vst v4;
	v1 =	vmin.u32 v1, $0x1400;
	v2 =	vsub.s32 v2, v0;
	(pc) =	sbr.rel @p0 .LBB2_2-.Ltmp0, $4  }
0x42: {  	v4 =	vld [tilespmem:s1+$0x5030];
	[tilespmem:s0+$0x5040] =	vst v1;
	v2 =	vmin.u32 v2, $0x1400;
	v3 =	vsub.s32 v3, v0  }
0x43: {  	v1 =	vld [tilespmem:s1+$0x5040];
	[tilespmem:s0+$0x5050] =	vst v2;
	v3 =	vmin.u32 v3, $0x1400;
	v6 =	vsub.s32 v7, v0  }
0x44: {  	v7 =	vsub.s32 v8, v0;
	v2 =	vld [tilespmem:s1+$0x5050];
	[tilespmem:s0+$0x5060] =	vst v3;
	v8 =	vmin.u32 v6, $0x1400  }
0x45: {  	s2 =	sadd.s32 $0x200, s2;
	v6 =	vmin.u32 v7, $0x1400;
	v7 =	vsub.s32 v9, v0;
	v3 =	vld [tilespmem:s1+$0x5060];
	[tilespmem:s0+$0x5070] =	vst v8;
	s0 =	smov.u32 s1  }
0x46: {  	[tilespmem:s0+$0x5000] =	vst v6;
	v62 =	vmin.u32 v7, $0x1400;
	v5 =	vsub.s32 v5, v0;
	v63 =	vld [tilespmem:s0+$0x5070]  }
0x47: {  	[tilespmem:s0+$0x5010] =	vst v62;
	v5 =	vmin.u32 v5, $0x1400;
	v4 =	vsub.s32 v4, v0  }
0x48: {  	[tilespmem:s0+$0x5020] =	vst v5;
	v4 =	vmin.u32 v4, $0x1400;
	v1 =	vsub.s32 v1, v0  }
0x49: {  	[tilespmem:s0+$0x5030] =	vst v4;
	v1 =	vmin.u32 v1, $0x1400;
	v2 =	vsub.s32 v2, v0  }
0x4a: {  	[tilespmem:s0+$0x5040] =	vst v1;
	v1 =	vmin.u32 v2, $0x1400;
	v2 =	vsub.s32 v3, v0  }
0x4b: {  	[tilespmem:s0+$0x5050] =	vst v1;
	v1 =	vmin.u32 v2, $0x1400;
	v2 =	vsub.s32 v63, v0  }
0x4c: {  	s1 =	simm.s32 $0x1;
	[tilespmem:s0+$0x5060] =	vst v1;
	v1 =	vmin.u32 v2, $0x1400  }
0x4d: {  	s30 =	simm.s32 $0x80;
	s1 =	sand.u32 $0x1, s1;
	[tilespmem:s0+$0x5070] =	vst v1  }
0x4e: {  	s2 =	sshll.u32 s1, $0xE;
	s25 =	sxor.u32 $0x1, s1;
	[bflag:$0x0] =	sbarrier.arrive $0xFFFF  }
0x4f: {  	[tilespmem:s26], [sflag:$0x1] =	stream.indirect.gather [hbm4b:s5+s30], $0x80, s4, s30, $0xb8;
	[tilespmem:$0x1E040] =	vst v63  }
0x50: {  	s1 =	sadd.s32 $0x1, s1;
	s2 =	sor.u32 $0xA000, s2;
	s7 =	sadd.s32 $0x1, s25  }
0x51: {  	[tilespmem:s2], [sflag:s1] =	stream.indirect.gather [hbm4b:s5+s28], $0x80, s30, s28, $0xb8;
	[tilespmem:$0x1E040] =	vst v63  }
0x52: {  	s8 =	sshll.u32 s25, $0xE;
	s25 =	simm.s32 $0x5000;
	_ =	swait.ge [sflag:s7], $0x4000  }
0x53: {  	s0 =	simm.s32 $0x5080;
	s1 =	sor.u32 $0xA000, s8;
	[sflag:s7] =	ssyncset.done $0x0  }
0x54: {  	s30 =	simm.s32 $0x2;
	s2 =	simm.s32 $0x100;
	[sflag:s7] =	ssyncadd.s32 $0xFFFFC000  }
0x55: {  	[spmem:s3] =	stream.indirect.scatter.add.f32 [tilespmem:s1], [sflag:$0x3], $0x80, s25, s28, $0xb8;
	[tilespmem:$0x1E040] =	vst v63  }
0x56: {  	s1 =	simm.s32 $0x3;
	s25 =	sand.u32 $0x1, s30;
	_ =	swait.ge [sflag:s24], $0x4000  }
.LBB2_4:
0x57: {  	s30 =	sshll.u32 s25, $0xE;
	s7 =	sxor.u32 $0x1, s25  }
0x58: {  	[sflag:s24] =	ssyncset.done $0x0;
	s8 =	smov.u32 s1;
	s25 =	sadd.s32 $0x1, s25  }
0x59: {  	p0 =	sne.s32 s1, $0x9C;
	s30 =	sor.u32 $0xA000, s30;
	[sflag:s24] =	ssyncadd.s32 $0xFFFFC000  }
0x5a: {  	[tilespmem:s30], [sflag:s25] =	stream.indirect.gather [hbm4b:s5+s28], $0x80, s2, s28, $0xb8;
	[tilespmem:$0x1E040] =	vst v63  }
0x5b: {  	s30 =	sadd.s32 $0x1, s1;
	s25 =	sshll.u32 s7, $0xE;
	s7 =	sadd.s32 $0x1, s7  }
.Ltmp1:
0x5c: {  	_ =	swait.ge [sflag:s7], $0x4000;
	(pc) =	sbr.rel @p0 .LBB2_4-.Ltmp1, $4  }
0x5d: {  	s1 =	sor.u32 $0xA000, s25;
	[sflag:s7] =	ssyncset.done $0x0  }
0x5e: {  	s2 =	sadd.s32 $0x80, s2;
	s25 =	sand.u32 $0x1, s8;
	[sflag:s7] =	ssyncadd.s32 $0xFFFFC000  }
0x5f: {  	[spmem:s3] =	stream.indirect.scatter.add.f32 [tilespmem:s1], [sflag:$0x3], $0x80, s0, s28, $0xb8;
	[tilespmem:$0x1E040] =	vst v63  }
0x60: {  	s0 =	sadd.s32 $0x80, s0;
	s1 =	smov.u32 s30;
	_ =	swait.ge [sflag:s24], $0x4000  }
0x61: {  	s1 =	sshll.u32 s25, $0xE;
	s7 =	sxor.u32 $0x1, s25;
	[sflag:s24] =	ssyncset.done $0x0  }
0x62: {  	s8 =	sadd.s32 $0x1, s25;
	s1 =	sor.u32 $0xA000, s1;
	[sflag:s24] =	ssyncadd.s32 $0xFFFFC000  }
0x63: {  	[tilespmem:s1], [sflag:s8] =	stream.indirect.gather [hbm4b:s5+s28], $0x80, s2, s28, $0xb8;
	[tilespmem:$0x1E040] =	vst v63  }
0x64: {  	s8 =	sadd.s32 $0x1, s7  }
0x65: {  	_ =	swait.ge [sflag:s8], $0x4000  }
0x66: {  	s25 =	sshll.u32 s7, $0xE;
	[sflag:s8] =	ssyncset.done $0x0  }
0x67: {  	s2 =	sor.u32 $0xA000, s25;
	[sflag:s8] =	ssyncadd.s32 $0xFFFFC000  }
0x68: {  	[spmem:s3] =	stream.indirect.scatter.add.f32 [tilespmem:s2], [sflag:$0x3], $0x80, s0, s28, $0xb8;
	[tilespmem:$0x1E040] =	vst v63  }
0x69: {  	_ =	swait.ge [sflag:s24], $0x4000  }
0x6a: {  	[sflag:s24] =	ssyncset.done $0x0  }
0x6b: {  	[sflag:s24] =	ssyncadd.s32 $0xFFFFC000  }
0x6c: {  	_ =	swait.ge [sflag:s29], $0x4000  }
0x6d: {  	[sflag:s29] =	ssyncset.done $0x0  }
0x6e: {  	s30 =	simm.s32 $0x9E00;
	[sflag:s29] =	ssyncadd.s32 $0xFFFFC000  }
0x6f: {  	[spmem:s3] =	stream.indirect.scatter.add.f32 [tilespmem:s26], [sflag:$0x3], $0x80, s30, s28, $0xb8;
	[tilespmem:$0x1E040] =	vst v63  }
0x70: {  	_ =	swait.ge [sflag:s24], $0x4000  }
0x71: {  	[sflag:s24] =	ssyncset.done $0x0  }
0x72: {  	[sflag:s24] =	ssyncadd.s32 $0xFFFFC000  }
0x73: {  	[bflag:$0x0] =	sbarrier.arrive $0xFFFF  }
0x74: {  	[tilespmem:s23], [sflag:$0x3] =	stream.linear.gather [spmem:s6], $0x2000, $0x38;
	[tilespmem:$0x1E040] =	vst v63  }
0x75: {  	_ =	swait.ge [sflag:s24], $0x2000  }
0x76: {  	[sflag:s24] =	ssyncset.done $0x0  }
0x77: {  	[sflag:s24] =	ssyncadd.s32 $0xFFFFE000  }
0x78: {  	[hbm4b:s14+s4] =	stream.linear.scatter [tilespmem:s23], [sflag:$0x3], $0x2000, $0x38;
	[tilespmem:$0x1E040] =	vst v63  }
0x79: {  	_ =	swait.ge [sflag:s24], $0x2000  }
0x7a: {  	[sflag:s24] =	ssyncset.done $0x0  }
0x7b: {  	[sflag:s24] =	ssyncadd.s32 $0xFFFFE000  }
0x7c: {  	[tilespmem:s23], [sflag:$0x3] =	stream.linear.gather [spmem:s15], $0x2000, $0x38;
	[tilespmem:$0x1E040] =	vst v63  }
0x7d: {  	_ =	swait.ge [sflag:s24], $0x2000  }
0x7e: {  	[sflag:s24] =	ssyncset.done $0x0  }
0x7f: {  	[sflag:s24] =	ssyncadd.s32 $0xFFFFE000  }
0x80: {  	[hbm4b:s16+s4] =	stream.linear.scatter [tilespmem:s23], [sflag:$0x3], $0x2000, $0x38;
	[tilespmem:$0x1E040] =	vst v63  }
0x81: {  	_ =	swait.ge [sflag:s24], $0x2000  }
0x82: {  	[sflag:s24] =	ssyncset.done $0x0  }
0x83: {  	[sflag:s24] =	ssyncadd.s32 $0xFFFFE000  }
0x84: {  	[tilespmem:s23], [sflag:$0x3] =	stream.linear.gather [spmem:s17], $0x2000, $0x38;
	[tilespmem:$0x1E040] =	vst v63  }
0x85: {  	_ =	swait.ge [sflag:s24], $0x2000  }
0x86: {  	[sflag:s24] =	ssyncset.done $0x0  }
0x87: {  	[sflag:s24] =	ssyncadd.s32 $0xFFFFE000  }
0x88: {  	[hbm4b:s18+s4] =	stream.linear.scatter [tilespmem:s23], [sflag:$0x3], $0x2000, $0x38;
	[tilespmem:$0x1E040] =	vst v63  }
0x89: {  	_ =	swait.ge [sflag:s24], $0x2000  }
0x8a: {  	[sflag:s24] =	ssyncset.done $0x0  }
0x8b: {  	[sflag:s24] =	ssyncadd.s32 $0xFFFFE000  }
0x8c: {  	[tilespmem:s23], [sflag:$0x3] =	stream.linear.gather [spmem:s19], $0x2000, $0x38;
	[tilespmem:$0x1E040] =	vst v63  }
0x8d: {  	_ =	swait.ge [sflag:s24], $0x2000  }
0x8e: {  	[sflag:s24] =	ssyncset.done $0x0  }
0x8f: {  	[sflag:s24] =	ssyncadd.s32 $0xFFFFE000  }
0x90: {  	[hbm4b:s20+s4] =	stream.linear.scatter [tilespmem:s23], [sflag:$0x3], $0x2000, $0x38;
	[tilespmem:$0x1E040] =	vst v63  }
0x91: {  	_ =	swait.ge [sflag:s24], $0x2000  }
0x92: {  	[sflag:s24] =	ssyncset.done $0x0  }
0x93: {  	[sflag:s24] =	ssyncadd.s32 $0xFFFFE000  }
0x94: {  	[tilespmem:s23], [sflag:$0x3] =	stream.linear.gather [spmem:s21], $0x2000, $0x38;
	[tilespmem:$0x1E040] =	vst v63  }
0x95: {  	s31 =	sadd.s32 $0x1, s31;
	_ =	swait.ge [sflag:s24], $0x2000  }
0x96: {  	p0 =	sne.s32 s31, s9;
	[sflag:s24] =	ssyncset.done $0x0  }
.Ltmp2:
0x97: {  	[sflag:s24] =	ssyncadd.s32 $0xFFFFE000;
	(pc) =	sbr.rel @p0 .LBB2_1-.Ltmp2, $4  }
0x98: {  	[hbm4b:s22+s4] =	stream.linear.scatter [tilespmem:s23], [sflag:$0x3], $0x2000, $0x38;
	[tilespmem:$0x1E040] =	vst v63  }
0x99: {  	_ =	swait.ge [sflag:s24], $0x2000  }
0x9a: {  	[sflag:s24] =	ssyncset.done $0x0  }
0x9b: {  	[sflag:s24] =	ssyncadd.s32 $0xFFFFE000  }
0x9c: {  	_ =	sfence.sel $0x180000  }
0x9d: {  	[bflag:$0x0] =	sbarrier.arrive $0xFFFF  }
0x9e: {  	_ =	strace $0x90000047  }
0x9f: {  	s0 =	stileid.u32;
	[bflag:$0x2] =	sbarrier.arrive $0xFFFF  }
0xa0: {  	p0 =	sne.s32 s0, $0x0;
	s0 =	rddreg [dreg:$0x3]  }
0xa1: {  	s0 =	sadd.s32 @!p0 $0x100000, s0  }
0xa2: {  	[sflag:s0] =	ssyncadd.tile.s32 @!p0 $0x1;
	_ =	shalt  }
.Lfunc_end2:
_tile_overlayer_lowered:
.L_overlay_start_2:
0xa3: {  	(tag) =	ssettag $0x2  }
0xa4: {  	s0 =	rddreg [dreg:$0x0];
	s2 =	stileid.u32  }
0xa5: {  	s1 =	rddreg [dreg:$0x1];
	p0 =	sne.s32 s2, $0x0  }
0xa6: {  	s3 =	rddreg [dreg:$0x2];
	[bflag:$0x3] =	sbarrier.arrive $0xFFFF;
	s2 =	simm.s32 @!p0 $0x1C03  }
0xa7: {  	[timem:s3], [sflag:s2] =	dma.local @!p0 [hbm:s0], s1  }
0xa8: {  	s0 =	simm.s32 @!p0 $0x3  }
0xa9: {  	_ =	swait.ge @!p0 [sflag:s0], s1  }
0xaa: {  	s1 =	ssub.s32 @!p0 $0x0, s1;
	[sflag:s0] =	ssyncset.done @!p0 $0x0  }
0xab: {  	[sflag:s0] =	ssyncadd.s32 @!p0 s1  }
0xac: {  	[bflag:$0x3] =	sbarrier.arrive $0xFFFF  }
0xad: {  	_ =	shalt  }

</sc_bundles>
